<compile_context>
chip_gen: v7x
topology: tpu7x:2x2x1
jax: 0.10.2.dev20260603
libtpu: 0.0.44.dev20260713+nightly
codegen_flags: <defaults>
</compile_context>

<pallas_src>
import functools

import jax
import jax.numpy as jnp
from jax import lax
from jax.experimental import pallas as pl
from jax.experimental.pallas import tpu as pltpu
from jax.experimental.pallas import tpu_sc as plsc

E = 64
NC, NS = 2, 16
NW = NC * NS
LANES = 16


def _make_sc_reduce(B, L):
    upw = B // NW
    G = 2
    NG = upw // G

    mesh = plsc.VectorSubcoreMesh(core_axis_name="c", subcore_axis_name="s")

    @functools.partial(
        pl.kernel,
        out_type=jax.ShapeDtypeStruct((B, E), jnp.float32),
        mesh=mesh,
        compiler_params=pltpu.CompilerParams(use_tc_tiling_on_sc=True),
        scratch_types=[
            pltpu.VMEM((G * L, E), jnp.float32),
            pltpu.VMEM((G * L, E), jnp.float32),
            pltpu.VMEM((upw, E), jnp.float32),
            pltpu.SemaphoreType.DMA,
            pltpu.SemaphoreType.DMA,
        ],
    )
    def sc_kernel(rows_hbm, hu_hbm, rows_a, rows_b, hu_buf, sem0, sem1):
        wid = lax.axis_index("s") * NC + lax.axis_index("c")
        base = pl.multiple_of(wid * upw, upw)

        def fetch(g, buf, sem):
            off = pl.multiple_of((base + g * G) * L, 8)
            return pltpu.async_copy(rows_hbm.at[pl.ds(off, G * L)], buf, sem)

        def accum_group(g, buf):
            unroll = 4
            for gu in range(G):
                def row_body(jj, accs, _gu=gu):
                    j = _gu * L + jj * unroll
                    return tuple(
                        a + sum(buf[j + r, pl.ds(LANES * t, LANES)]
                                for r in range(1, unroll))
                        + buf[j, pl.ds(LANES * t, LANES)]
                        for t, a in enumerate(accs))

                z = jnp.zeros((LANES,), jnp.float32)
                accs = lax.fori_loop(0, L // unroll, row_body, (z, z, z, z))
                for t in range(E // LANES):
                    hu_buf[g * G + gu, pl.ds(LANES * t, LANES)] = accs[t]

        fetch(0, rows_a, sem0).wait()
        def group_body(i, carry):
            g = i * 2
            nxt = fetch(g + 1, rows_b, sem1)
            accum_group(g, rows_a)
            nxt.wait()
            nxt2 = fetch(g + 2, rows_a, sem0)
            accum_group(g + 1, rows_b)
            nxt2.wait()
            return carry

        lax.fori_loop(0, (NG - 2) // 2, group_body, 0)
        last = fetch(NG - 1, rows_b, sem1)
        accum_group(NG - 2, rows_a)
        last.wait()
        accum_group(NG - 1, rows_b)
        pltpu.sync_copy(hu_buf, hu_hbm.at[pl.ds(base, upw)])

    return sc_kernel


def _tc_reduce_body(rows_ref, out_ref):
    gu, e = out_ref.shape
    x = rows_ref[...]
    out_ref[...] = jnp.sum(x.reshape(gu, x.shape[0] // gu, e), axis=1)


def _make_tc_reduce(n_users, L, gu):
    grid = (n_users // gu,)
    return pl.pallas_call(
        _tc_reduce_body,
        grid=grid,
        in_specs=[pl.BlockSpec((gu * L, E), lambda i: (i, 0))],
        out_specs=pl.BlockSpec((gu, E), lambda i: (i, 0)),
        out_shape=jax.ShapeDtypeStruct((n_users, E), jnp.float32),
    )


def _tc_body(hist_ref, hu_ref, posh_ref, negh_ref,
             q1w_ref, q1b_ref, q2w_ref, q2b_ref,
             p1w_ref, p1b_ref, p2w_ref, p2b_ref,
             posl_ref, negl_ref, mu_ref, logvar_ref):
    cnt = jnp.sum((hist_ref[...] != 0).astype(jnp.float32), axis=1,
                  keepdims=True)
    scale = lax.rsqrt(jnp.maximum(cnt, 1.0))
    hu = hu_ref[...] * scale
    h = jnp.tanh(jnp.dot(hu, q1w_ref[...],
                         preferred_element_type=jnp.float32) + q1b_ref[...])
    h = jnp.dot(h, q2w_ref[...],
                preferred_element_type=jnp.float32) + q2b_ref[...]
    mu = h[:, :E]
    mu_ref[...] = mu
    logvar_ref[...] = h[:, E:]
    h2 = jnp.tanh(jnp.dot(mu, p1w_ref[...],
                          preferred_element_type=jnp.float32) + p1b_ref[...])
    h2 = jnp.dot(h2, p2w_ref[...],
                 preferred_element_type=jnp.float32) + p2b_ref[...]
    posl_ref[...] = jnp.sum(h2 * posh_ref[...], axis=1, keepdims=True)
    negl_ref[...] = jnp.sum(h2 * negh_ref[...], axis=1, keepdims=True)


def _make_tc_mlp(B, L, bb):
    grid = (B // bb,)
    row_spec = lambda w: pl.BlockSpec((bb, w), lambda i: (i, 0))
    rep_spec = lambda r, c: pl.BlockSpec((r, c), lambda i: (0, 0))
    return pl.pallas_call(
        _tc_body,
        grid=grid,
        in_specs=[
            row_spec(L),
            row_spec(E),
            row_spec(E),
            row_spec(E),
            rep_spec(E, E),
            rep_spec(1, E),
            rep_spec(E, 2 * E),
            rep_spec(1, 2 * E),
            rep_spec(E, E),
            rep_spec(1, E),
            rep_spec(E, E),
            rep_spec(1, E),
        ],
        out_specs=[
            row_spec(1),
            row_spec(1),
            row_spec(E),
            row_spec(E),
        ],
        out_shape=[
            jax.ShapeDtypeStruct((B, 1), jnp.float32),
            jax.ShapeDtypeStruct((B, 1), jnp.float32),
            jax.ShapeDtypeStruct((B, E), jnp.float32),
            jax.ShapeDtypeStruct((B, E), jnp.float32),
        ],
    )


def kernel(user, user_hist, user_nbrs, pos_item, neg_item, q_table, p_table,
           q1_w, q1_b, q2_w, q2_b, p1_w, p1_b, p2_w, p2_b):
    B, L = user_hist.shape
    hist = user_hist.astype(jnp.int32)
    pos = pos_item.astype(jnp.int32)
    neg = neg_item.astype(jnp.int32)

    cols = jnp.arange(E, dtype=jnp.int32)[None, :]
    pn_hi = p_table[jnp.concatenate([pos, neg])[:, None], cols]
    pos_hi, neg_hi = pn_hi[:B], pn_hi[B:]

    Ba = (B * 14) // 32
    Bb = B - Ba
    rows_a = jnp.take(q_table, hist[:Ba].reshape(Ba * L), axis=0,
                      mode="clip")
    hu_a = _make_tc_reduce(Ba, L, 16)(rows_a)
    rows_b = jnp.take(q_table, hist[Ba:].reshape(Bb * L), axis=0,
                      mode="clip")
    hu_b = _make_sc_reduce(Bb, L)(rows_b)
    hu_raw = jnp.concatenate([hu_a, hu_b], axis=0)

    posl, negl, mu, logvar = _make_tc_mlp(B, L, 512)(
        hist, hu_raw, pos_hi, neg_hi,
        q1_w, q1_b.reshape(1, E), q2_w, q2_b.reshape(1, 2 * E),
        p1_w, p1_b.reshape(1, E), p2_w, p2_b.reshape(1, E))

    return (posl.reshape(B), negl.reshape(B), mu, logvar)

# --- scband reference (transcript-rebuilt; emitter-appended) ---
"""Pipeline reference for scband-multi-vae-61203283968774 (READ-ONLY COPY).

The authoritative reference and input builder live on the scoring server;
editing this copy changes nothing except your own understanding.
"""

import jax, jax.numpy as jnp
import numpy as np

ITEM_NUM = 1000000
USER_NUM = 100000
EDIM = 64
B = 4096
L = 200

def setup_inputs(seed: int = 0) -> dict:
    key = jax.random.key(seed)
    ks = jax.random.split(key, 16)
    a = 0.5 / ITEM_NUM
    q_table = jax.random.uniform(ks[0], (ITEM_NUM, EDIM), minval=-a, maxval=a, dtype=jnp.float32).at[0].set(0.0)
    p_table = jax.random.uniform(ks[1], (ITEM_NUM, EDIM), minval=-a, maxval=a, dtype=jnp.float32).at[0].set(0.0)
    s = 1.0 / np.sqrt(EDIM)
    q1_w = jax.random.uniform(ks[2], (EDIM, EDIM), minval=-s, maxval=s, dtype=jnp.float32)
    q1_b = jax.random.uniform(ks[3], (EDIM,), minval=-s, maxval=s, dtype=jnp.float32)
    q2_w = jax.random.uniform(ks[4], (EDIM, 2 * EDIM), minval=-s, maxval=s, dtype=jnp.float32)
    q2_b = jax.random.uniform(ks[5], (2 * EDIM,), minval=-s, maxval=s, dtype=jnp.float32)
    p1_w = jax.random.uniform(ks[6], (EDIM, EDIM), minval=-s, maxval=s, dtype=jnp.float32)
    p1_b = jax.random.uniform(ks[7], (EDIM,), minval=-s, maxval=s, dtype=jnp.float32)
    p2_w = jax.random.uniform(ks[8], (EDIM, EDIM), minval=-s, maxval=s, dtype=jnp.float32)
    p2_b = jax.random.uniform(ks[9], (EDIM,), minval=-s, maxval=s, dtype=jnp.float32)
    user = jax.random.randint(ks[10], (B,), 0, USER_NUM, dtype=jnp.int64 if jax.config.jax_enable_x64 else jnp.int32)
    user_hist = jax.random.randint(ks[11], (B, L), 0, ITEM_NUM)
    user_nbrs = jax.random.randint(ks[12], (B, 20), 0, USER_NUM)
    pos_item = jax.random.randint(ks[13], (B,), 0, ITEM_NUM)
    neg_item = jax.random.randint(ks[14], (B,), 0, ITEM_NUM)
    return {"user": user, "user_hist": user_hist, "user_nbrs": user_nbrs,
            "pos_item": pos_item, "neg_item": neg_item,
            "q_table": q_table, "p_table": p_table,
            "q1_w": q1_w, "q1_b": q1_b, "q2_w": q2_w, "q2_b": q2_b,
            "p1_w": p1_w, "p1_b": p1_b, "p2_w": p2_w, "p2_b": p2_b}


def reference(user, user_hist, user_nbrs, pos_item, neg_item,
              q_table, p_table, q1_w, q1_b, q2_w, q2_b, p1_w, p1_b, p2_w, p2_b):
    # enc(user_hist) -- eval mode: dropout = identity, reparameterize -> mu
    hist_item_emb = jnp.take(q_table, user_hist, axis=0)            # [B, L, E] gather
    hist_item_mask = (user_hist != 0).astype(jnp.float32)           # [B, L]
    norm = jnp.sqrt(jnp.sum(hist_item_mask * hist_item_mask, axis=-1, keepdims=True))
    hist_item_mask = hist_item_mask / jnp.maximum(norm, 1e-12)      # F.normalize(dim=-1)
    hist_item_emb = hist_item_emb * hist_item_mask[..., None]
    hu = jnp.sum(hist_item_emb, axis=1)                             # [B, E]
    h = jnp.tanh(hu @ q1_w + q1_b)
    h = h @ q2_w + q2_b
    mu, logvar = h[:, :EDIM], h[:, EDIM:]
    hu = mu                                                          # eval-mode reparameterize
    hu = jnp.tanh(hu @ p1_w + p1_b) @ p2_w + p2_b
    pos_hi = jnp.take(p_table, pos_item, axis=0)                    # [B, E] gather
    neg_hi = jnp.take(p_table, neg_item, axis=0)                    # [B, E] gather
    pos_logits = jnp.sum(hu * pos_hi, axis=-1)
    neg_logits = jnp.sum(hu * neg_hi, axis=-1)
    return (pos_logits, neg_logits, mu, logvar)

if __name__ == "__main__":
    import jax
    _d = setup_inputs()
    print(jax.jit(kernel)(*tuple(_d.values())))

</pallas_src>

<mosaic_0001>
#map = affine_map<(d0, d1) -> (0, 0)>
module attributes {stable_mosaic.version = 14 : i64} {
  func.func @sc_kernel(%arg0: i32, %arg1: i32, %arg2: memref<460800x64xf32, #tpu.memory_space<hbm>>, %arg3: memref<2304x64xf32, #tpu.memory_space<hbm>>, %arg4: memref<400x64xf32, #tpu.memory_space<vmem>>, %arg5: memref<400x64xf32, #tpu.memory_space<vmem>>, %arg6: memref<72x64xf32, #tpu.memory_space<vmem>>, %arg7: memref<!tpu.dma_semaphore, #tpu.memory_space<semaphore_mem>>, %arg8: memref<!tpu.dma_semaphore, #tpu.memory_space<semaphore_mem>>) attributes {dimension_semantics = [#tpu.dimension_semantics<core_parallel>, #tpu.dimension_semantics<subcore_parallel>], iteration_bounds = array<i64: 2, 16>, scalar_prefetch = 0 : i64, scratch_operands = 5 : i64, tpu.core_type = #tpu.core_type<sc_vector_subcore>, window_params = [{transform_indices = #map}, {transform_indices = #map}]} {
    %mul3A = arith.constant 2 : i32
    %mul3A_0 = arith.muli %arg1, %mul3A : i32
    %add3A = arith.addi %mul3A_0, %arg0 : i32
    %mul3A_1 = arith.constant 72 : i32
    %mul3A_2 = arith.muli %add3A, %mul3A_1 : i32
    %multiple_of3A = tpu.assume_multiple %mul3A_2, 72 : i32
    %add3A_3 = arith.constant 0 : i32
    %add3A_4 = arith.addi %multiple_of3A, %add3A_3 : i32
    %mul3A_5 = arith.constant 200 : i32
    %mul3A_6 = arith.muli %add3A_4, %mul3A_5 : i32
    %multiple_of3A_7 = tpu.assume_multiple %mul3A_6, 8 : i32
    %dma_start3A = arith.constant 0 : i32
    %dma_start3A_8 = tpu.memref_slice %arg2[%multiple_of3A_7, %dma_start3A] : memref<460800x64xf32, #tpu.memory_space<hbm>> -> memref<400x64xf32, #tpu.memory_space<hbm>>
    %dma_start3A_9 = arith.constant 0 : i32
    %dma_start3A_10 = tpu.memref_slice %arg2[%multiple_of3A_7, %dma_start3A_9] : memref<460800x64xf32, #tpu.memory_space<hbm>> -> memref<400x64xf32, #tpu.memory_space<hbm>>
    tpu.enqueue_dma source(%dma_start3A_10 : memref<400x64xf32, #tpu.memory_space<hbm>>) target(%arg4 : memref<400x64xf32, #tpu.memory_space<vmem>>) target_semaphore(%arg7 : memref<!tpu.dma_semaphore, #tpu.memory_space<semaphore_mem>>)
    %dma_wait3A = arith.constant 0 : i32
    %dma_wait3A_11 = tpu.memref_slice %arg2[%multiple_of3A_7, %dma_wait3A] : memref<460800x64xf32, #tpu.memory_space<hbm>> -> memref<400x64xf32, #tpu.memory_space<hbm>>
    %dma_wait3A_12 = arith.constant 0 : i32
    %dma_wait3A_13 = tpu.memref_slice %arg2[%multiple_of3A_7, %dma_wait3A_12] : memref<460800x64xf32, #tpu.memory_space<hbm>> -> memref<400x64xf32, #tpu.memory_space<hbm>>
    tpu.wait_dma2 semaphore(%arg7 : memref<!tpu.dma_semaphore, #tpu.memory_space<semaphore_mem>>) src(%dma_wait3A_13 : memref<400x64xf32, #tpu.memory_space<hbm>>) dst(%arg4 : memref<400x64xf32, #tpu.memory_space<vmem>>)
    %scan3A = arith.constant 0 : i32
    %scan3A_14 = arith.constant 0 : i32
    %scan3A_15 = arith.constant 17 : i32
    %scan3A_16 = arith.addi %scan3A_14, %scan3A_15 : i32
    %scan3A_17 = arith.constant 1 : i32
    scf.for %scan3A_158 = %scan3A_14 to %scan3A_16 step %scan3A_17  : i32 {
      %mul3A_159 = arith.constant 2 : i32
      %mul3A_160 = arith.muli %scan3A_158, %mul3A_159 : i32
      %add3A_161 = arith.constant 1 : i32
      %add3A_162 = arith.addi %mul3A_160, %add3A_161 : i32
      %mul3A_163 = arith.constant 2 : i32
      %mul3A_164 = arith.muli %add3A_162, %mul3A_163 : i32
      %add3A_165 = arith.addi %multiple_of3A, %mul3A_164 : i32
      %mul3A_166 = arith.constant 200 : i32
      %mul3A_167 = arith.muli %add3A_165, %mul3A_166 : i32
      %multiple_of3A_168 = tpu.assume_multiple %mul3A_167, 8 : i32
      %dma_start3A_169 = arith.constant 0 : i32
      %dma_start3A_170 = tpu.memref_slice %arg2[%multiple_of3A_168, %dma_start3A_169] : memref<460800x64xf32, #tpu.memory_space<hbm>> -> memref<400x64xf32, #tpu.memory_space<hbm>>
      %dma_start3A_171 = arith.constant 0 : i32
      %dma_start3A_172 = tpu.memref_slice %arg2[%multiple_of3A_168, %dma_start3A_171] : memref<460800x64xf32, #tpu.memory_space<hbm>> -> memref<400x64xf32, #tpu.memory_space<hbm>>
      tpu.enqueue_dma source(%dma_start3A_172 : memref<400x64xf32, #tpu.memory_space<hbm>>) target(%arg5 : memref<400x64xf32, #tpu.memory_space<vmem>>) target_semaphore(%arg8 : memref<!tpu.dma_semaphore, #tpu.memory_space<semaphore_mem>>)
      %broadcast_in_dim3A_173 = arith.constant 0.000000e+00 : f32
      %broadcast_in_dim3A_174 = vector.broadcast %broadcast_in_dim3A_173 : f32 to vector<16xf32>
      %scan3A_175 = arith.constant 0 : i32
      %scan3A_176 = arith.constant 50 : i32
      %scan3A_177 = arith.addi %scan3A_175, %scan3A_176 : i32
      %scan3A_178 = arith.constant 1 : i32
      %scan3A_179:4 = scf.for %scan3A_371 = %scan3A_175 to %scan3A_177 step %scan3A_178 iter_args(%scan3A_372 = %broadcast_in_dim3A_174, %scan3A_373 = %broadcast_in_dim3A_174, %scan3A_374 = %broadcast_in_dim3A_174, %scan3A_375 = %broadcast_in_dim3A_174) -> (vector<16xf32>, vector<16xf32>, vector<16xf32>, vector<16xf32>)  : i32 {
        %mul3A_376 = arith.constant 4 : i32
        %mul3A_377 = arith.muli %scan3A_371, %mul3A_376 : i32
        %add3A_378 = arith.constant 0 : i32
        %add3A_379 = arith.addi %add3A_378, %mul3A_377 : i32
        %add3A_380 = arith.constant 1 : i32
        %add3A_381 = arith.addi %add3A_379, %add3A_380 : i32
        %get3A = arith.index_cast %add3A_381 : i32 to index
        %get3A_382 = arith.constant 0 : index
        %get3A_383 = tpu.vector_load %arg4[%get3A, %get3A_382] {strides = array<i32>} : memref<400x64xf32, #tpu.memory_space<vmem>>, vector<1x16xf32>,
        %get3A_384 = vector.shape_cast %get3A_383 : vector<1x16xf32> to vector<16xf32>
        %add3A_385 = arith.constant 0.000000e+00 : f32
        %add3A_386 = vector.broadcast %add3A_385 : f32 to vector<16xf32>
        %add3A_387 = arith.addf %add3A_386, %get3A_384 : vector<16xf32>
        %add3A_388 = arith.constant 2 : i32
        %add3A_389 = arith.addi %add3A_379, %add3A_388 : i32
        %get3A_390 = arith.index_cast %add3A_389 : i32 to index
        %get3A_391 = arith.constant 0 : index
        %get3A_392 = tpu.vector_load %arg4[%get3A_390, %get3A_391] {strides = array<i32>} : memref<400x64xf32, #tpu.memory_space<vmem>>, vector<1x16xf32>,
        %get3A_393 = vector.shape_cast %get3A_392 : vector<1x16xf32> to vector<16xf32>
        %add3A_394 = arith.addf %add3A_387, %get3A_393 : vector<16xf32>
        %add3A_395 = arith.constant 3 : i32
        %add3A_396 = arith.addi %add3A_379, %add3A_395 : i32
        %get3A_397 = arith.index_cast %add3A_396 : i32 to index
        %get3A_398 = arith.constant 0 : index
        %get3A_399 = tpu.vector_load %arg4[%get3A_397, %get3A_398] {strides = array<i32>} : memref<400x64xf32, #tpu.memory_space<vmem>>, vector<1x16xf32>,
        %get3A_400 = vector.shape_cast %get3A_399 : vector<1x16xf32> to vector<16xf32>
        %add3A_401 = arith.addf %add3A_394, %get3A_400 : vector<16xf32>
        %add3A_402 = arith.addf %scan3A_372, %add3A_401 : vector<16xf32>
        %get3A_403 = arith.index_cast %add3A_379 : i32 to index
        %get3A_404 = arith.constant 0 : index
        %get3A_405 = tpu.vector_load %arg4[%get3A_403, %get3A_404] {strides = array<i32>} : memref<400x64xf32, #tpu.memory_space<vmem>>, vector<1x16xf32>,
        %get3A_406 = vector.shape_cast %get3A_405 : vector<1x16xf32> to vector<16xf32>
        %add3A_407 = arith.addf %add3A_402, %get3A_406 : vector<16xf32>
        %add3A_408 = arith.constant 1 : i32
        %add3A_409 = arith.addi %add3A_379, %add3A_408 : i32
        %get3A_410 = arith.index_cast %add3A_409 : i32 to index
        %get3A_411 = arith.constant 16 : index
        %get3A_412 = tpu.vector_load %arg4[%get3A_410, %get3A_411] {strides = array<i32>} : memref<400x64xf32, #tpu.memory_space<vmem>>, vector<1x16xf32>,
        %get3A_413 = vector.shape_cast %get3A_412 : vector<1x16xf32> to vector<16xf32>
        %add3A_414 = arith.constant 0.000000e+00 : f32
        %add3A_415 = vector.broadcast %add3A_414 : f32 to vector<16xf32>
        %add3A_416 = arith.addf %add3A_415, %get3A_413 : vector<16xf32>
        %add3A_417 = arith.constant 2 : i32
        %add3A_418 = arith.addi %add3A_379, %add3A_417 : i32
        %get3A_419 = arith.index_cast %add3A_418 : i32 to index
        %get3A_420 = arith.constant 16 : index
        %get3A_421 = tpu.vector_load %arg4[%get3A_419, %get3A_420] {strides = array<i32>} : memref<400x64xf32, #tpu.memory_space<vmem>>, vector<1x16xf32>,
        %get3A_422 = vector.shape_cast %get3A_421 : vector<1x16xf32> to vector<16xf32>
        %add3A_423 = arith.addf %add3A_416, %get3A_422 : vector<16xf32>
        %add3A_424 = arith.constant 3 : i32
        %add3A_425 = arith.addi %add3A_379, %add3A_424 : i32
        %get3A_426 = arith.index_cast %add3A_425 : i32 to index
        %get3A_427 = arith.constant 16 : index
        %get3A_428 = tpu.vector_load %arg4[%get3A_426, %get3A_427] {strides = array<i32>} : memref<400x64xf32, #tpu.memory_space<vmem>>, vector<1x16xf32>,
        %get3A_429 = vector.shape_cast %get3A_428 : vector<1x16xf32> to vector<16xf32>
        %add3A_430 = arith.addf %add3A_423, %get3A_429 : vector<16xf32>
        %add3A_431 = arith.addf %scan3A_373, %add3A_430 : vector<16xf32>
        %get3A_432 = arith.index_cast %add3A_379 : i32 to index
        %get3A_433 = arith.constant 16 : index
        %get3A_434 = tpu.vector_load %arg4[%get3A_432, %get3A_433] {strides = array<i32>} : memref<400x64xf32, #tpu.memory_space<vmem>>, vector<1x16xf32>,
        %get3A_435 = vector.shape_cast %get3A_434 : vector<1x16xf32> to vector<16xf32>
        %add3A_436 = arith.addf %add3A_431, %get3A_435 : vector<16xf32>
        %add3A_437 = arith.constant 1 : i32
        %add3A_438 = arith.addi %add3A_379, %add3A_437 : i32
        %get3A_439 = arith.index_cast %add3A_438 : i32 to index
        %get3A_440 = arith.constant 32 : index
        %get3A_441 = tpu.vector_load %arg4[%get3A_439, %get3A_440] {strides = array<i32>} : memref<400x64xf32, #tpu.memory_space<vmem>>, vector<1x16xf32>,
        %get3A_442 = vector.shape_cast %get3A_441 : vector<1x16xf32> to vector<16xf32>
        %add3A_443 = arith.constant 0.000000e+00 : f32
        %add3A_444 = vector.broadcast %add3A_443 : f32 to vector<16xf32>
        %add3A_445 = arith.addf %add3A_444, %get3A_442 : vector<16xf32>
        %add3A_446 = arith.constant 2 : i32
        %add3A_447 = arith.addi %add3A_379, %add3A_446 : i32
        %get3A_448 = arith.index_cast %add3A_447 : i32 to index
        %get3A_449 = arith.constant 32 : index
        %get3A_450 = tpu.vector_load %arg4[%get3A_448, %get3A_449] {strides = array<i32>} : memref<400x64xf32, #tpu.memory_space<vmem>>, vector<1x16xf32>,
        %get3A_451 = vector.shape_cast %get3A_450 : vector<1x16xf32> to vector<16xf32>
        %add3A_452 = arith.addf %add3A_445, %get3A_451 : vector<16xf32>
        %add3A_453 = arith.constant 3 : i32
        %add3A_454 = arith.addi %add3A_379, %add3A_453 : i32
        %get3A_455 = arith.index_cast %add3A_454 : i32 to index
        %get3A_456 = arith.constant 32 : index
        %get3A_457 = tpu.vector_load %arg4[%get3A_455, %get3A_456] {strides = array<i32>} : memref<400x64xf32, #tpu.memory_space<vmem>>, vector<1x16xf32>,
        %get3A_458 = vector.shape_cast %get3A_457 : vector<1x16xf32> to vector<16xf32>
        %add3A_459 = arith.addf %add3A_452, %get3A_458 : vector<16xf32>
        %add3A_460 = arith.addf %scan3A_374, %add3A_459 : vector<16xf32>
        %get3A_461 = arith.index_cast %add3A_379 : i32 to index
        %get3A_462 = arith.constant 32 : index
        %get3A_463 = tpu.vector_load %arg4[%get3A_461, %get3A_462] {strides = array<i32>} : memref<400x64xf32, #tpu.memory_space<vmem>>, vector<1x16xf32>,
        %get3A_464 = vector.shape_cast %get3A_463 : vector<1x16xf32> to vector<16xf32>
        %add3A_465 = arith.addf %add3A_460, %get3A_464 : vector<16xf32>
        %add3A_466 = arith.constant 1 : i32
        %add3A_467 = arith.addi %add3A_379, %add3A_466 : i32
        %get3A_468 = arith.index_cast %add3A_467 : i32 to index
        %get3A_469 = arith.constant 48 : index
        %get3A_470 = tpu.vector_load %arg4[%get3A_468, %get3A_469] {strides = array<i32>} : memref<400x64xf32, #tpu.memory_space<vmem>>, vector<1x16xf32>,
        %get3A_471 = vector.shape_cast %get3A_470 : vector<1x16xf32> to vector<16xf32>
        %add3A_472 = arith.constant 0.000000e+00 : f32
        %add3A_473 = vector.broadcast %add3A_472 : f32 to vector<16xf32>
        %add3A_474 = arith.addf %add3A_473, %get3A_471 : vector<16xf32>
        %add3A_475 = arith.constant 2 : i32
        %add3A_476 = arith.addi %add3A_379, %add3A_475 : i32
        %get3A_477 = arith.index_cast %add3A_476 : i32 to index
        %get3A_478 = arith.constant 48 : index
        %get3A_479 = tpu.vector_load %arg4[%get3A_477, %get3A_478] {strides = array<i32>} : memref<400x64xf32, #tpu.memory_space<vmem>>, vector<1x16xf32>,
        %get3A_480 = vector.shape_cast %get3A_479 : vector<1x16xf32> to vector<16xf32>
        %add3A_481 = arith.addf %add3A_474, %get3A_480 : vector<16xf32>
        %add3A_482 = arith.constant 3 : i32
        %add3A_483 = arith.addi %add3A_379, %add3A_482 : i32
        %get3A_484 = arith.index_cast %add3A_483 : i32 to index
        %get3A_485 = arith.constant 48 : index
        %get3A_486 = tpu.vector_load %arg4[%get3A_484, %get3A_485] {strides = array<i32>} : memref<400x64xf32, #tpu.memory_space<vmem>>, vector<1x16xf32>,
        %get3A_487 = vector.shape_cast %get3A_486 : vector<1x16xf32> to vector<16xf32>
        %add3A_488 = arith.addf %add3A_481, %get3A_487 : vector<16xf32>
        %add3A_489 = arith.addf %scan3A_375, %add3A_488 : vector<16xf32>
        %get3A_490 = arith.index_cast %add3A_379 : i32 to index
        %get3A_491 = arith.constant 48 : index
        %get3A_492 = tpu.vector_load %arg4[%get3A_490, %get3A_491] {strides = array<i32>} : memref<400x64xf32, #tpu.memory_space<vmem>>, vector<1x16xf32>,
        %get3A_493 = vector.shape_cast %get3A_492 : vector<1x16xf32> to vector<16xf32>
        %add3A_494 = arith.addf %add3A_489, %get3A_493 : vector<16xf32>
        scf.yield %add3A_407, %add3A_436, %add3A_465, %add3A_494 : vector<16xf32>, vector<16xf32>, vector<16xf32>, vector<16xf32>
      }
      %scan3A_180 = arith.constant 50 : i32
      %mul3A_181 = arith.constant 2 : i32
      %mul3A_182 = arith.muli %mul3A_160, %mul3A_181 : i32
      %add3A_183 = arith.constant 0 : i32
      %add3A_184 = arith.addi %mul3A_182, %add3A_183 : i32
      %swap3A_185 = arith.index_cast %add3A_184 : i32 to index
      %swap3A_186 = arith.constant 0 : index
      %swap3A_187 = tpu.vector_load %arg6[%swap3A_185, %swap3A_186] {strides = array<i32>} : memref<72x64xf32, #tpu.memory_space<vmem>>, vector<1x16xf32>,
      %swap3A_188 = vector.shape_cast %swap3A_187 : vector<1x16xf32> to vector<16xf32>
      %swap3A_189 = vector.shape_cast %scan3A_179#0 : vector<16xf32> to vector<1x16xf32>
      tpu.vector_store %arg6[%swap3A_185, %swap3A_186], %swap3A_189 {strides = array<i32>} : memref<72x64xf32, #tpu.memory_space<vmem>>, vector<1x16xf32>,
      %mul3A_190 = arith.constant 2 : i32
      %mul3A_191 = arith.muli %mul3A_160, %mul3A_190 : i32
      %add3A_192 = arith.constant 0 : i32
      %add3A_193 = arith.addi %mul3A_191, %add3A_192 : i32
      %swap3A_194 = arith.index_cast %add3A_193 : i32 to index
      %swap3A_195 = arith.constant 16 : index
      %swap3A_196 = tpu.vector_load %arg6[%swap3A_194, %swap3A_195] {strides = array<i32>} : memref<72x64xf32, #tpu.memory_space<vmem>>, vector<1x16xf32>,
      %swap3A_197 = vector.shape_cast %swap3A_196 : vector<1x16xf32> to vector<16xf32>
      %swap3A_198 = vector.shape_cast %scan3A_179#1 : vector<16xf32> to vector<1x16xf32>
      tpu.vector_store %arg6[%swap3A_194, %swap3A_195], %swap3A_198 {strides = array<i32>} : memref<72x64xf32, #tpu.memory_space<vmem>>, vector<1x16xf32>,
      %mul3A_199 = arith.constant 2 : i32
      %mul3A_200 = arith.muli %mul3A_160, %mul3A_199 : i32
      %add3A_201 = arith.constant 0 : i32
      %add3A_202 = arith.addi %mul3A_200, %add3A_201 : i32
      %swap3A_203 = arith.index_cast %add3A_202 : i32 to index
      %swap3A_204 = arith.constant 32 : index
      %swap3A_205 = tpu.vector_load %arg6[%swap3A_203, %swap3A_204] {strides = array<i32>} : memref<72x64xf32, #tpu.memory_space<vmem>>, vector<1x16xf32>,
      %swap3A_206 = vector.shape_cast %swap3A_205 : vector<1x16xf32> to vector<16xf32>
      %swap3A_207 = vector.shape_cast %scan3A_179#2 : vector<16xf32> to vector<1x16xf32>
      tpu.vector_store %arg6[%swap3A_203, %swap3A_204], %swap3A_207 {strides = array<i32>} : memref<72x64xf32, #tpu.memory_space<vmem>>, vector<1x16xf32>,
      %mul3A_208 = arith.constant 2 : i32
      %mul3A_209 = arith.muli %mul3A_160, %mul3A_208 : i32
      %add3A_210 = arith.constant 0 : i32
      %add3A_211 = arith.addi %mul3A_209, %add3A_210 : i32
      %swap3A_212 = arith.index_cast %add3A_211 : i32 to index
      %swap3A_213 = arith.constant 48 : index
      %swap3A_214 = tpu.vector_load %arg6[%swap3A_212, %swap3A_213] {strides = array<i32>} : memref<72x64xf32, #tpu.memory_space<vmem>>, vector<1x16xf32>,
      %swap3A_215 = vector.shape_cast %swap3A_214 : vector<1x16xf32> to vector<16xf32>
      %swap3A_216 = vector.shape_cast %scan3A_179#3 : vector<16xf32> to vector<1x16xf32>
      tpu.vector_store %arg6[%swap3A_212, %swap3A_213], %swap3A_216 {strides = array<i32>} : memref<72x64xf32, #tpu.memory_space<vmem>>, vector<1x16xf32>,
      %broadcast_in_dim3A_217 = arith.constant 0.000000e+00 : f32
      %broadcast_in_dim3A_218 = vector.broadcast %broadcast_in_dim3A_217 : f32 to vector<16xf32>
      %scan3A_219 = arith.constant 0 : i32
      %scan3A_220 = arith.constant 50 : i32
      %scan3A_221 = arith.addi %scan3A_219, %scan3A_220 : i32
      %scan3A_222 = arith.constant 1 : i32
      %scan3A_223:4 = scf.for %scan3A_371 = %scan3A_219 to %scan3A_221 step %scan3A_222 iter_args(%scan3A_372 = %broadcast_in_dim3A_218, %scan3A_373 = %broadcast_in_dim3A_218, %scan3A_374 = %broadcast_in_dim3A_218, %scan3A_375 = %broadcast_in_dim3A_218) -> (vector<16xf32>, vector<16xf32>, vector<16xf32>, vector<16xf32>)  : i32 {
        %mul3A_376 = arith.constant 4 : i32
        %mul3A_377 = arith.muli %scan3A_371, %mul3A_376 : i32
        %add3A_378 = arith.constant 200 : i32
        %add3A_379 = arith.addi %add3A_378, %mul3A_377 : i32
        %add3A_380 = arith.constant 1 : i32
        %add3A_381 = arith.addi %add3A_379, %add3A_380 : i32
        %get3A = arith.index_cast %add3A_381 : i32 to index
        %get3A_382 = arith.constant 0 : index
        %get3A_383 = tpu.vector_load %arg4[%get3A, %get3A_382] {strides = array<i32>} : memref<400x64xf32, #tpu.memory_space<vmem>>, vector<1x16xf32>,
        %get3A_384 = vector.shape_cast %get3A_383 : vector<1x16xf32> to vector<16xf32>
        %add3A_385 = arith.constant 0.000000e+00 : f32
        %add3A_386 = vector.broadcast %add3A_385 : f32 to vector<16xf32>
        %add3A_387 = arith.addf %add3A_386, %get3A_384 : vector<16xf32>
        %add3A_388 = arith.constant 2 : i32
        %add3A_389 = arith.addi %add3A_379, %add3A_388 : i32
        %get3A_390 = arith.index_cast %add3A_389 : i32 to index
        %get3A_391 = arith.constant 0 : index
        %get3A_392 = tpu.vector_load %arg4[%get3A_390, %get3A_391] {strides = array<i32>} : memref<400x64xf32, #tpu.memory_space<vmem>>, vector<1x16xf32>,
        %get3A_393 = vector.shape_cast %get3A_392 : vector<1x16xf32> to vector<16xf32>
        %add3A_394 = arith.addf %add3A_387, %get3A_393 : vector<16xf32>
        %add3A_395 = arith.constant 3 : i32
        %add3A_396 = arith.addi %add3A_379, %add3A_395 : i32
        %get3A_397 = arith.index_cast %add3A_396 : i32 to index
        %get3A_398 = arith.constant 0 : index
        %get3A_399 = tpu.vector_load %arg4[%get3A_397, %get3A_398] {strides = array<i32>} : memref<400x64xf32, #tpu.memory_space<vmem>>, vector<1x16xf32>,
        %get3A_400 = vector.shape_cast %get3A_399 : vector<1x16xf32> to vector<16xf32>
        %add3A_401 = arith.addf %add3A_394, %get3A_400 : vector<16xf32>
        %add3A_402 = arith.addf %scan3A_372, %add3A_401 : vector<16xf32>
        %get3A_403 = arith.index_cast %add3A_379 : i32 to index
        %get3A_404 = arith.constant 0 : index
        %get3A_405 = tpu.vector_load %arg4[%get3A_403, %get3A_404] {strides = array<i32>} : memref<400x64xf32, #tpu.memory_space<vmem>>, vector<1x16xf32>,
        %get3A_406 = vector.shape_cast %get3A_405 : vector<1x16xf32> to vector<16xf32>
        %add3A_407 = arith.addf %add3A_402, %get3A_406 : vector<16xf32>
        %add3A_408 = arith.constant 1 : i32
        %add3A_409 = arith.addi %add3A_379, %add3A_408 : i32
        %get3A_410 = arith.index_cast %add3A_409 : i32 to index
        %get3A_411 = arith.constant 16 : index
        %get3A_412 = tpu.vector_load %arg4[%get3A_410, %get3A_411] {strides = array<i32>} : memref<400x64xf32, #tpu.memory_space<vmem>>, vector<1x16xf32>,
        %get3A_413 = vector.shape_cast %get3A_412 : vector<1x16xf32> to vector<16xf32>
        %add3A_414 = arith.constant 0.000000e+00 : f32
        %add3A_415 = vector.broadcast %add3A_414 : f32 to vector<16xf32>
        %add3A_416 = arith.addf %add3A_415, %get3A_413 : vector<16xf32>
        %add3A_417 = arith.constant 2 : i32
        %add3A_418 = arith.addi %add3A_379, %add3A_417 : i32
        %get3A_419 = arith.index_cast %add3A_418 : i32 to index
        %get3A_420 = arith.constant 16 : index
        %get3A_421 = tpu.vector_load %arg4[%get3A_419, %get3A_420] {strides = array<i32>} : memref<400x64xf32, #tpu.memory_space<vmem>>, vector<1x16xf32>,
        %get3A_422 = vector.shape_cast %get3A_421 : vector<1x16xf32> to vector<16xf32>
        %add3A_423 = arith.addf %add3A_416, %get3A_422 : vector<16xf32>
        %add3A_424 = arith.constant 3 : i32
        %add3A_425 = arith.addi %add3A_379, %add3A_424 : i32
        %get3A_426 = arith.index_cast %add3A_425 : i32 to index
        %get3A_427 = arith.constant 16 : index
        %get3A_428 = tpu.vector_load %arg4[%get3A_426, %get3A_427] {strides = array<i32>} : memref<400x64xf32, #tpu.memory_space<vmem>>, vector<1x16xf32>,
        %get3A_429 = vector.shape_cast %get3A_428 : vector<1x16xf32> to vector<16xf32>
        %add3A_430 = arith.addf %add3A_423, %get3A_429 : vector<16xf32>
        %add3A_431 = arith.addf %scan3A_373, %add3A_430 : vector<16xf32>
        %get3A_432 = arith.index_cast %add3A_379 : i32 to index
        %get3A_433 = arith.constant 16 : index
        %get3A_434 = tpu.vector_load %arg4[%get3A_432, %get3A_433] {strides = array<i32>} : memref<400x64xf32, #tpu.memory_space<vmem>>, vector<1x16xf32>,
        %get3A_435 = vector.shape_cast %get3A_434 : vector<1x16xf32> to vector<16xf32>
        %add3A_436 = arith.addf %add3A_431, %get3A_435 : vector<16xf32>
        %add3A_437 = arith.constant 1 : i32
        %add3A_438 = arith.addi %add3A_379, %add3A_437 : i32
        %get3A_439 = arith.index_cast %add3A_438 : i32 to index
        %get3A_440 = arith.constant 32 : index
        %get3A_441 = tpu.vector_load %arg4[%get3A_439, %get3A_440] {strides = array<i32>} : memref<400x64xf32, #tpu.memory_space<vmem>>, vector<1x16xf32>,
        %get3A_442 = vector.shape_cast %get3A_441 : vector<1x16xf32> to vector<16xf32>
        %add3A_443 = arith.constant 0.000000e+00 : f32
        %add3A_444 = vector.broadcast %add3A_443 : f32 to vector<16xf32>
        %add3A_445 = arith.addf %add3A_444, %get3A_442 : vector<16xf32>
        %add3A_446 = arith.constant 2 : i32
        %add3A_447 = arith.addi %add3A_379, %add3A_446 : i32
        %get3A_448 = arith.index_cast %add3A_447 : i32 to index
        %get3A_449 = arith.constant 32 : index
        %get3A_450 = tpu.vector_load %arg4[%get3A_448, %get3A_449] {strides = array<i32>} : memref<400x64xf32, #tpu.memory_space<vmem>>, vector<1x16xf32>,
        %get3A_451 = vector.shape_cast %get3A_450 : vector<1x16xf32> to vector<16xf32>
        %add3A_452 = arith.addf %add3A_445, %get3A_451 : vector<16xf32>
        %add3A_453 = arith.constant 3 : i32
        %add3A_454 = arith.addi %add3A_379, %add3A_453 : i32
        %get3A_455 = arith.index_cast %add3A_454 : i32 to index
        %get3A_456 = arith.constant 32 : index
        %get3A_457 = tpu.vector_load %arg4[%get3A_455, %get3A_456] {strides = array<i32>} : memref<400x64xf32, #tpu.memory_space<vmem>>, vector<1x16xf32>,
        %get3A_458 = vector.shape_cast %get3A_457 : vector<1x16xf32> to vector<16xf32>
        %add3A_459 = arith.addf %add3A_452, %get3A_458 : vector<16xf32>
        %add3A_460 = arith.addf %scan3A_374, %add3A_459 : vector<16xf32>
        %get3A_461 = arith.index_cast %add3A_379 : i32 to index
        %get3A_462 = arith.constant 32 : index
        %get3A_463 = tpu.vector_load %arg4[%get3A_461, %get3A_462] {strides = array<i32>} : memref<400x64xf32, #tpu.memory_space<vmem>>, vector<1x16xf32>,
        %get3A_464 = vector.shape_cast %get3A_463 : vector<1x16xf32> to vector<16xf32>
        %add3A_465 = arith.addf %add3A_460, %get3A_464 : vector<16xf32>
        %add3A_466 = arith.constant 1 : i32
        %add3A_467 = arith.addi %add3A_379, %add3A_466 : i32
        %get3A_468 = arith.index_cast %add3A_467 : i32 to index
        %get3A_469 = arith.constant 48 : index
        %get3A_470 = tpu.vector_load %arg4[%get3A_468, %get3A_469] {strides = array<i32>} : memref<400x64xf32, #tpu.memory_space<vmem>>, vector<1x16xf32>,
        %get3A_471 = vector.shape_cast %get3A_470 : vector<1x16xf32> to vector<16xf32>
        %add3A_472 = arith.constant 0.000000e+00 : f32
        %add3A_473 = vector.broadcast %add3A_472 : f32 to vector<16xf32>
        %add3A_474 = arith.addf %add3A_473, %get3A_471 : vector<16xf32>
        %add3A_475 = arith.constant 2 : i32
        %add3A_476 = arith.addi %add3A_379, %add3A_475 : i32
        %get3A_477 = arith.index_cast %add3A_476 : i32 to index
        %get3A_478 = arith.constant 48 : index
        %get3A_479 = tpu.vector_load %arg4[%get3A_477, %get3A_478] {strides = array<i32>} : memref<400x64xf32, #tpu.memory_space<vmem>>, vector<1x16xf32>,
        %get3A_480 = vector.shape_cast %get3A_479 : vector<1x16xf32> to vector<16xf32>
        %add3A_481 = arith.addf %add3A_474, %get3A_480 : vector<16xf32>
        %add3A_482 = arith.constant 3 : i32
        %add3A_483 = arith.addi %add3A_379, %add3A_482 : i32
        %get3A_484 = arith.index_cast %add3A_483 : i32 to index
        %get3A_485 = arith.constant 48 : index
        %get3A_486 = tpu.vector_load %arg4[%get3A_484, %get3A_485] {strides = array<i32>} : memref<400x64xf32, #tpu.memory_space<vmem>>, vector<1x16xf32>,
        %get3A_487 = vector.shape_cast %get3A_486 : vector<1x16xf32> to vector<16xf32>
        %add3A_488 = arith.addf %add3A_481, %get3A_487 : vector<16xf32>
        %add3A_489 = arith.addf %scan3A_375, %add3A_488 : vector<16xf32>
        %get3A_490 = arith.index_cast %add3A_379 : i32 to index
        %get3A_491 = arith.constant 48 : index
        %get3A_492 = tpu.vector_load %arg4[%get3A_490, %get3A_491] {strides = array<i32>} : memref<400x64xf32, #tpu.memory_space<vmem>>, vector<1x16xf32>,
        %get3A_493 = vector.shape_cast %get3A_492 : vector<1x16xf32> to vector<16xf32>
        %add3A_494 = arith.addf %add3A_489, %get3A_493 : vector<16xf32>
        scf.yield %add3A_407, %add3A_436, %add3A_465, %add3A_494 : vector<16xf32>, vector<16xf32>, vector<16xf32>, vector<16xf32>
      }
      %scan3A_224 = arith.constant 50 : i32
      %mul3A_225 = arith.constant 2 : i32
      %mul3A_226 = arith.muli %mul3A_160, %mul3A_225 : i32
      %add3A_227 = arith.constant 1 : i32
      %add3A_228 = arith.addi %mul3A_226, %add3A_227 : i32
      %swap3A_229 = arith.index_cast %add3A_228 : i32 to index
      %swap3A_230 = arith.constant 0 : index
      %swap3A_231 = tpu.vector_load %arg6[%swap3A_229, %swap3A_230] {strides = array<i32>} : memref<72x64xf32, #tpu.memory_space<vmem>>, vector<1x16xf32>,
      %swap3A_232 = vector.shape_cast %swap3A_231 : vector<1x16xf32> to vector<16xf32>
      %swap3A_233 = vector.shape_cast %scan3A_223#0 : vector<16xf32> to vector<1x16xf32>
      tpu.vector_store %arg6[%swap3A_229, %swap3A_230], %swap3A_233 {strides = array<i32>} : memref<72x64xf32, #tpu.memory_space<vmem>>, vector<1x16xf32>,
      %mul3A_234 = arith.constant 2 : i32
      %mul3A_235 = arith.muli %mul3A_160, %mul3A_234 : i32
      %add3A_236 = arith.constant 1 : i32
      %add3A_237 = arith.addi %mul3A_235, %add3A_236 : i32
      %swap3A_238 = arith.index_cast %add3A_237 : i32 to index
      %swap3A_239 = arith.constant 16 : index
      %swap3A_240 = tpu.vector_load %arg6[%swap3A_238, %swap3A_239] {strides = array<i32>} : memref<72x64xf32, #tpu.memory_space<vmem>>, vector<1x16xf32>,
      %swap3A_241 = vector.shape_cast %swap3A_240 : vector<1x16xf32> to vector<16xf32>
      %swap3A_242 = vector.shape_cast %scan3A_223#1 : vector<16xf32> to vector<1x16xf32>
      tpu.vector_store %arg6[%swap3A_238, %swap3A_239], %swap3A_242 {strides = array<i32>} : memref<72x64xf32, #tpu.memory_space<vmem>>, vector<1x16xf32>,
      %mul3A_243 = arith.constant 2 : i32
      %mul3A_244 = arith.muli %mul3A_160, %mul3A_243 : i32
      %add3A_245 = arith.constant 1 : i32
      %add3A_246 = arith.addi %mul3A_244, %add3A_245 : i32
      %swap3A_247 = arith.index_cast %add3A_246 : i32 to index
      %swap3A_248 = arith.constant 32 : index
      %swap3A_249 = tpu.vector_load %arg6[%swap3A_247, %swap3A_248] {strides = array<i32>} : memref<72x64xf32, #tpu.memory_space<vmem>>, vector<1x16xf32>,
      %swap3A_250 = vector.shape_cast %swap3A_249 : vector<1x16xf32> to vector<16xf32>
      %swap3A_251 = vector.shape_cast %scan3A_223#2 : vector<16xf32> to vector<1x16xf32>
      tpu.vector_store %arg6[%swap3A_247, %swap3A_248], %swap3A_251 {strides = array<i32>} : memref<72x64xf32, #tpu.memory_space<vmem>>, vector<1x16xf32>,
      %mul3A_252 = arith.constant 2 : i32
      %mul3A_253 = arith.muli %mul3A_160, %mul3A_252 : i32
      %add3A_254 = arith.constant 1 : i32
      %add3A_255 = arith.addi %mul3A_253, %add3A_254 : i32
      %swap3A_256 = arith.index_cast %add3A_255 : i32 to index
      %swap3A_257 = arith.constant 48 : index
      %swap3A_258 = tpu.vector_load %arg6[%swap3A_256, %swap3A_257] {strides = array<i32>} : memref<72x64xf32, #tpu.memory_space<vmem>>, vector<1x16xf32>,
      %swap3A_259 = vector.shape_cast %swap3A_258 : vector<1x16xf32> to vector<16xf32>
      %swap3A_260 = vector.shape_cast %scan3A_223#3 : vector<16xf32> to vector<1x16xf32>
      tpu.vector_store %arg6[%swap3A_256, %swap3A_257], %swap3A_260 {strides = array<i32>} : memref<72x64xf32, #tpu.memory_space<vmem>>, vector<1x16xf32>,
      %dma_wait3A_261 = arith.constant 0 : i32
      %dma_wait3A_262 = tpu.memref_slice %arg2[%multiple_of3A_168, %dma_wait3A_261] : memref<460800x64xf32, #tpu.memory_space<hbm>> -> memref<400x64xf32, #tpu.memory_space<hbm>>
      %dma_wait3A_263 = arith.constant 0 : i32
      %dma_wait3A_264 = tpu.memref_slice %arg2[%multiple_of3A_168, %dma_wait3A_263] : memref<460800x64xf32, #tpu.memory_space<hbm>> -> memref<400x64xf32, #tpu.memory_space<hbm>>
      tpu.wait_dma2 semaphore(%arg8 : memref<!tpu.dma_semaphore, #tpu.memory_space<semaphore_mem>>) src(%dma_wait3A_264 : memref<400x64xf32, #tpu.memory_space<hbm>>) dst(%arg5 : memref<400x64xf32, #tpu.memory_space<vmem>>)
      %add3A_265 = arith.constant 2 : i32
      %add3A_266 = arith.addi %mul3A_160, %add3A_265 : i32
      %mul3A_267 = arith.constant 2 : i32
      %mul3A_268 = arith.muli %add3A_266, %mul3A_267 : i32
      %add3A_269 = arith.addi %multiple_of3A, %mul3A_268 : i32
      %mul3A_270 = arith.constant 200 : i32
      %mul3A_271 = arith.muli %add3A_269, %mul3A_270 : i32
      %multiple_of3A_272 = tpu.assume_multiple %mul3A_271, 8 : i32
      %dma_start3A_273 = arith.constant 0 : i32
      %dma_start3A_274 = tpu.memref_slice %arg2[%multiple_of3A_272, %dma_start3A_273] : memref<460800x64xf32, #tpu.memory_space<hbm>> -> memref<400x64xf32, #tpu.memory_space<hbm>>
      %dma_start3A_275 = arith.constant 0 : i32
      %dma_start3A_276 = tpu.memref_slice %arg2[%multiple_of3A_272, %dma_start3A_275] : memref<460800x64xf32, #tpu.memory_space<hbm>> -> memref<400x64xf32, #tpu.memory_space<hbm>>
      tpu.enqueue_dma source(%dma_start3A_276 : memref<400x64xf32, #tpu.memory_space<hbm>>) target(%arg4 : memref<400x64xf32, #tpu.memory_space<vmem>>) target_semaphore(%arg7 : memref<!tpu.dma_semaphore, #tpu.memory_space<semaphore_mem>>)
      %add3A_277 = arith.constant 1 : i32
      %add3A_278 = arith.addi %mul3A_160, %add3A_277 : i32
      %broadcast_in_dim3A_279 = arith.constant 0.000000e+00 : f32
      %broadcast_in_dim3A_280 = vector.broadcast %broadcast_in_dim3A_279 : f32 to vector<16xf32>
      %scan3A_281 = arith.constant 0 : i32
      %scan3A_282 = arith.constant 50 : i32
      %scan3A_283 = arith.addi %scan3A_281, %scan3A_282 : i32
      %scan3A_284 = arith.constant 1 : i32
      %scan3A_285:4 = scf.for %scan3A_371 = %scan3A_281 to %scan3A_283 step %scan3A_284 iter_args(%scan3A_372 = %broadcast_in_dim3A_280, %scan3A_373 = %broadcast_in_dim3A_280, %scan3A_374 = %broadcast_in_dim3A_280, %scan3A_375 = %broadcast_in_dim3A_280) -> (vector<16xf32>, vector<16xf32>, vector<16xf32>, vector<16xf32>)  : i32 {
        %mul3A_376 = arith.constant 4 : i32
        %mul3A_377 = arith.muli %scan3A_371, %mul3A_376 : i32
        %add3A_378 = arith.constant 0 : i32
        %add3A_379 = arith.addi %add3A_378, %mul3A_377 : i32
        %add3A_380 = arith.constant 1 : i32
        %add3A_381 = arith.addi %add3A_379, %add3A_380 : i32
        %get3A = arith.index_cast %add3A_381 : i32 to index
        %get3A_382 = arith.constant 0 : index
        %get3A_383 = tpu.vector_load %arg5[%get3A, %get3A_382] {strides = array<i32>} : memref<400x64xf32, #tpu.memory_space<vmem>>, vector<1x16xf32>,
        %get3A_384 = vector.shape_cast %get3A_383 : vector<1x16xf32> to vector<16xf32>
        %add3A_385 = arith.constant 0.000000e+00 : f32
        %add3A_386 = vector.broadcast %add3A_385 : f32 to vector<16xf32>
        %add3A_387 = arith.addf %add3A_386, %get3A_384 : vector<16xf32>
        %add3A_388 = arith.constant 2 : i32
        %add3A_389 = arith.addi %add3A_379, %add3A_388 : i32
        %get3A_390 = arith.index_cast %add3A_389 : i32 to index
        %get3A_391 = arith.constant 0 : index
        %get3A_392 = tpu.vector_load %arg5[%get3A_390, %get3A_391] {strides = array<i32>} : memref<400x64xf32, #tpu.memory_space<vmem>>, vector<1x16xf32>,
        %get3A_393 = vector.shape_cast %get3A_392 : vector<1x16xf32> to vector<16xf32>
        %add3A_394 = arith.addf %add3A_387, %get3A_393 : vector<16xf32>
        %add3A_395 = arith.constant 3 : i32
        %add3A_396 = arith.addi %add3A_379, %add3A_395 : i32
        %get3A_397 = arith.index_cast %add3A_396 : i32 to index
        %get3A_398 = arith.constant 0 : index
        %get3A_399 = tpu.vector_load %arg5[%get3A_397, %get3A_398] {strides = array<i32>} : memref<400x64xf32, #tpu.memory_space<vmem>>, vector<1x16xf32>,
        %get3A_400 = vector.shape_cast %get3A_399 : vector<1x16xf32> to vector<16xf32>
        %add3A_401 = arith.addf %add3A_394, %get3A_400 : vector<16xf32>
        %add3A_402 = arith.addf %scan3A_372, %add3A_401 : vector<16xf32>
        %get3A_403 = arith.index_cast %add3A_379 : i32 to index
        %get3A_404 = arith.constant 0 : index
        %get3A_405 = tpu.vector_load %arg5[%get3A_403, %get3A_404] {strides = array<i32>} : memref<400x64xf32, #tpu.memory_space<vmem>>, vector<1x16xf32>,
        %get3A_406 = vector.shape_cast %get3A_405 : vector<1x16xf32> to vector<16xf32>
        %add3A_407 = arith.addf %add3A_402, %get3A_406 : vector<16xf32>
        %add3A_408 = arith.constant 1 : i32
        %add3A_409 = arith.addi %add3A_379, %add3A_408 : i32
        %get3A_410 = arith.index_cast %add3A_409 : i32 to index
        %get3A_411 = arith.constant 16 : index
        %get3A_412 = tpu.vector_load %arg5[%get3A_410, %get3A_411] {strides = array<i32>} : memref<400x64xf32, #tpu.memory_space<vmem>>, vector<1x16xf32>,
        %get3A_413 = vector.shape_cast %get3A_412 : vector<1x16xf32> to vector<16xf32>
        %add3A_414 = arith.constant 0.000000e+00 : f32
        %add3A_415 = vector.broadcast %add3A_414 : f32 to vector<16xf32>
        %add3A_416 = arith.addf %add3A_415, %get3A_413 : vector<16xf32>
        %add3A_417 = arith.constant 2 : i32
        %add3A_418 = arith.addi %add3A_379, %add3A_417 : i32
        %get3A_419 = arith.index_cast %add3A_418 : i32 to index
        %get3A_420 = arith.constant 16 : index
        %get3A_421 = tpu.vector_load %arg5[%get3A_419, %get3A_420] {strides = array<i32>} : memref<400x64xf32, #tpu.memory_space<vmem>>, vector<1x16xf32>,
        %get3A_422 = vector.shape_cast %get3A_421 : vector<1x16xf32> to vector<16xf32>
        %add3A_423 = arith.addf %add3A_416, %get3A_422 : vector<16xf32>
        %add3A_424 = arith.constant 3 : i32
        %add3A_425 = arith.addi %add3A_379, %add3A_424 : i32
        %get3A_426 = arith.index_cast %add3A_425 : i32 to index
        %get3A_427 = arith.constant 16 : index
        %get3A_428 = tpu.vector_load %arg5[%get3A_426, %get3A_427] {strides = array<i32>} : memref<400x64xf32, #tpu.memory_space<vmem>>, vector<1x16xf32>,
        %get3A_429 = vector.shape_cast %get3A_428 : vector<1x16xf32> to vector<16xf32>
        %add3A_430 = arith.addf %add3A_423, %get3A_429 : vector<16xf32>
        %add3A_431 = arith.addf %scan3A_373, %add3A_430 : vector<16xf32>
        %get3A_432 = arith.index_cast %add3A_379 : i32 to index
        %get3A_433 = arith.constant 16 : index
        %get3A_434 = tpu.vector_load %arg5[%get3A_432, %get3A_433] {strides = array<i32>} : memref<400x64xf32, #tpu.memory_space<vmem>>, vector<1x16xf32>,
        %get3A_435 = vector.shape_cast %get3A_434 : vector<1x16xf32> to vector<16xf32>
        %add3A_436 = arith.addf %add3A_431, %get3A_435 : vector<16xf32>
        %add3A_437 = arith.constant 1 : i32
        %add3A_438 = arith.addi %add3A_379, %add3A_437 : i32
        %get3A_439 = arith.index_cast %add3A_438 : i32 to index
        %get3A_440 = arith.constant 32 : index
        %get3A_441 = tpu.vector_load %arg5[%get3A_439, %get3A_440] {strides = array<i32>} : memref<400x64xf32, #tpu.memory_space<vmem>>, vector<1x16xf32>,
        %get3A_442 = vector.shape_cast %get3A_441 : vector<1x16xf32> to vector<16xf32>
        %add3A_443 = arith.constant 0.000000e+00 : f32
        %add3A_444 = vector.broadcast %add3A_443 : f32 to vector<16xf32>
        %add3A_445 = arith.addf %add3A_444, %get3A_442 : vector<16xf32>
        %add3A_446 = arith.constant 2 : i32
        %add3A_447 = arith.addi %add3A_379, %add3A_446 : i32
        %get3A_448 = arith.index_cast %add3A_447 : i32 to index
        %get3A_449 = arith.constant 32 : index
        %get3A_450 = tpu.vector_load %arg5[%get3A_448, %get3A_449] {strides = array<i32>} : memref<400x64xf32, #tpu.memory_space<vmem>>, vector<1x16xf32>,
        %get3A_451 = vector.shape_cast %get3A_450 : vector<1x16xf32> to vector<16xf32>
        %add3A_452 = arith.addf %add3A_445, %get3A_451 : vector<16xf32>
        %add3A_453 = arith.constant 3 : i32
        %add3A_454 = arith.addi %add3A_379, %add3A_453 : i32
        %get3A_455 = arith.index_cast %add3A_454 : i32 to index
        %get3A_456 = arith.constant 32 : index
        %get3A_457 = tpu.vector_load %arg5[%get3A_455, %get3A_456] {strides = array<i32>} : memref<400x64xf32, #tpu.memory_space<vmem>>, vector<1x16xf32>,
        %get3A_458 = vector.shape_cast %get3A_457 : vector<1x16xf32> to vector<16xf32>
        %add3A_459 = arith.addf %add3A_452, %get3A_458 : vector<16xf32>
        %add3A_460 = arith.addf %scan3A_374, %add3A_459 : vector<16xf32>
        %get3A_461 = arith.index_cast %add3A_379 : i32 to index
        %get3A_462 = arith.constant 32 : index
        %get3A_463 = tpu.vector_load %arg5[%get3A_461, %get3A_462] {strides = array<i32>} : memref<400x64xf32, #tpu.memory_space<vmem>>, vector<1x16xf32>,
        %get3A_464 = vector.shape_cast %get3A_463 : vector<1x16xf32> to vector<16xf32>
        %add3A_465 = arith.addf %add3A_460, %get3A_464 : vector<16xf32>
        %add3A_466 = arith.constant 1 : i32
        %add3A_467 = arith.addi %add3A_379, %add3A_466 : i32
        %get3A_468 = arith.index_cast %add3A_467 : i32 to index
        %get3A_469 = arith.constant 48 : index
        %get3A_470 = tpu.vector_load %arg5[%get3A_468, %get3A_469] {strides = array<i32>} : memref<400x64xf32, #tpu.memory_space<vmem>>, vector<1x16xf32>,
        %get3A_471 = vector.shape_cast %get3A_470 : vector<1x16xf32> to vector<16xf32>
        %add3A_472 = arith.constant 0.000000e+00 : f32
        %add3A_473 = vector.broadcast %add3A_472 : f32 to vector<16xf32>
        %add3A_474 = arith.addf %add3A_473, %get3A_471 : vector<16xf32>
        %add3A_475 = arith.constant 2 : i32
        %add3A_476 = arith.addi %add3A_379, %add3A_475 : i32
        %get3A_477 = arith.index_cast %add3A_476 : i32 to index
        %get3A_478 = arith.constant 48 : index
        %get3A_479 = tpu.vector_load %arg5[%get3A_477, %get3A_478] {strides = array<i32>} : memref<400x64xf32, #tpu.memory_space<vmem>>, vector<1x16xf32>,
        %get3A_480 = vector.shape_cast %get3A_479 : vector<1x16xf32> to vector<16xf32>
        %add3A_481 = arith.addf %add3A_474, %get3A_480 : vector<16xf32>
        %add3A_482 = arith.constant 3 : i32
        %add3A_483 = arith.addi %add3A_379, %add3A_482 : i32
        %get3A_484 = arith.index_cast %add3A_483 : i32 to index
        %get3A_485 = arith.constant 48 : index
        %get3A_486 = tpu.vector_load %arg5[%get3A_484, %get3A_485] {strides = array<i32>} : memref<400x64xf32, #tpu.memory_space<vmem>>, vector<1x16xf32>,
        %get3A_487 = vector.shape_cast %get3A_486 : vector<1x16xf32> to vector<16xf32>
        %add3A_488 = arith.addf %add3A_481, %get3A_487 : vector<16xf32>
        %add3A_489 = arith.addf %scan3A_375, %add3A_488 : vector<16xf32>
        %get3A_490 = arith.index_cast %add3A_379 : i32 to index
        %get3A_491 = arith.constant 48 : index
        %get3A_492 = tpu.vector_load %arg5[%get3A_490, %get3A_491] {strides = array<i32>} : memref<400x64xf32, #tpu.memory_space<vmem>>, vector<1x16xf32>,
        %get3A_493 = vector.shape_cast %get3A_492 : vector<1x16xf32> to vector<16xf32>
        %add3A_494 = arith.addf %add3A_489, %get3A_493 : vector<16xf32>
        scf.yield %add3A_407, %add3A_436, %add3A_465, %add3A_494 : vector<16xf32>, vector<16xf32>, vector<16xf32>, vector<16xf32>
      }
      %scan3A_286 = arith.constant 50 : i32
      %mul3A_287 = arith.constant 2 : i32
      %mul3A_288 = arith.muli %add3A_278, %mul3A_287 : i32
      %add3A_289 = arith.constant 0 : i32
      %add3A_290 = arith.addi %mul3A_288, %add3A_289 : i32
      %swap3A_291 = arith.index_cast %add3A_290 : i32 to index
      %swap3A_292 = arith.constant 0 : index
      %swap3A_293 = tpu.vector_load %arg6[%swap3A_291, %swap3A_292] {strides = array<i32>} : memref<72x64xf32, #tpu.memory_space<vmem>>, vector<1x16xf32>,
      %swap3A_294 = vector.shape_cast %swap3A_293 : vector<1x16xf32> to vector<16xf32>
      %swap3A_295 = vector.shape_cast %scan3A_285#0 : vector<16xf32> to vector<1x16xf32>
      tpu.vector_store %arg6[%swap3A_291, %swap3A_292], %swap3A_295 {strides = array<i32>} : memref<72x64xf32, #tpu.memory_space<vmem>>, vector<1x16xf32>,
      %mul3A_296 = arith.constant 2 : i32
      %mul3A_297 = arith.muli %add3A_278, %mul3A_296 : i32
      %add3A_298 = arith.constant 0 : i32
      %add3A_299 = arith.addi %mul3A_297, %add3A_298 : i32
      %swap3A_300 = arith.index_cast %add3A_299 : i32 to index
      %swap3A_301 = arith.constant 16 : index
      %swap3A_302 = tpu.vector_load %arg6[%swap3A_300, %swap3A_301] {strides = array<i32>} : memref<72x64xf32, #tpu.memory_space<vmem>>, vector<1x16xf32>,
      %swap3A_303 = vector.shape_cast %swap3A_302 : vector<1x16xf32> to vector<16xf32>
      %swap3A_304 = vector.shape_cast %scan3A_285#1 : vector<16xf32> to vector<1x16xf32>
      tpu.vector_store %arg6[%swap3A_300, %swap3A_301], %swap3A_304 {strides = array<i32>} : memref<72x64xf32, #tpu.memory_space<vmem>>, vector<1x16xf32>,
      %mul3A_305 = arith.constant 2 : i32
      %mul3A_306 = arith.muli %add3A_278, %mul3A_305 : i32
      %add3A_307 = arith.constant 0 : i32
      %add3A_308 = arith.addi %mul3A_306, %add3A_307 : i32
      %swap3A_309 = arith.index_cast %add3A_308 : i32 to index
      %swap3A_310 = arith.constant 32 : index
      %swap3A_311 = tpu.vector_load %arg6[%swap3A_309, %swap3A_310] {strides = array<i32>} : memref<72x64xf32, #tpu.memory_space<vmem>>, vector<1x16xf32>,
      %swap3A_312 = vector.shape_cast %swap3A_311 : vector<1x16xf32> to vector<16xf32>
      %swap3A_313 = vector.shape_cast %scan3A_285#2 : vector<16xf32> to vector<1x16xf32>
      tpu.vector_store %arg6[%swap3A_309, %swap3A_310], %swap3A_313 {strides = array<i32>} : memref<72x64xf32, #tpu.memory_space<vmem>>, vector<1x16xf32>,
      %mul3A_314 = arith.constant 2 : i32
      %mul3A_315 = arith.muli %add3A_278, %mul3A_314 : i32
      %add3A_316 = arith.constant 0 : i32
      %add3A_317 = arith.addi %mul3A_315, %add3A_316 : i32
      %swap3A_318 = arith.index_cast %add3A_317 : i32 to index
      %swap3A_319 = arith.constant 48 : index
      %swap3A_320 = tpu.vector_load %arg6[%swap3A_318, %swap3A_319] {strides = array<i32>} : memref<72x64xf32, #tpu.memory_space<vmem>>, vector<1x16xf32>,
      %swap3A_321 = vector.shape_cast %swap3A_320 : vector<1x16xf32> to vector<16xf32>
      %swap3A_322 = vector.shape_cast %scan3A_285#3 : vector<16xf32> to vector<1x16xf32>
      tpu.vector_store %arg6[%swap3A_318, %swap3A_319], %swap3A_322 {strides = array<i32>} : memref<72x64xf32, #tpu.memory_space<vmem>>, vector<1x16xf32>,
      %broadcast_in_dim3A_323 = arith.constant 0.000000e+00 : f32
      %broadcast_in_dim3A_324 = vector.broadcast %broadcast_in_dim3A_323 : f32 to vector<16xf32>
      %scan3A_325 = arith.constant 0 : i32
      %scan3A_326 = arith.constant 50 : i32
      %scan3A_327 = arith.addi %scan3A_325, %scan3A_326 : i32
      %scan3A_328 = arith.constant 1 : i32
      %scan3A_329:4 = scf.for %scan3A_371 = %scan3A_325 to %scan3A_327 step %scan3A_328 iter_args(%scan3A_372 = %broadcast_in_dim3A_324, %scan3A_373 = %broadcast_in_dim3A_324, %scan3A_374 = %broadcast_in_dim3A_324, %scan3A_375 = %broadcast_in_dim3A_324) -> (vector<16xf32>, vector<16xf32>, vector<16xf32>, vector<16xf32>)  : i32 {
        %mul3A_376 = arith.constant 4 : i32
        %mul3A_377 = arith.muli %scan3A_371, %mul3A_376 : i32
        %add3A_378 = arith.constant 200 : i32
        %add3A_379 = arith.addi %add3A_378, %mul3A_377 : i32
        %add3A_380 = arith.constant 1 : i32
        %add3A_381 = arith.addi %add3A_379, %add3A_380 : i32
        %get3A = arith.index_cast %add3A_381 : i32 to index
        %get3A_382 = arith.constant 0 : index
        %get3A_383 = tpu.vector_load %arg5[%get3A, %get3A_382] {strides = array<i32>} : memref<400x64xf32, #tpu.memory_space<vmem>>, vector<1x16xf32>,
        %get3A_384 = vector.shape_cast %get3A_383 : vector<1x16xf32> to vector<16xf32>
        %add3A_385 = arith.constant 0.000000e+00 : f32
        %add3A_386 = vector.broadcast %add3A_385 : f32 to vector<16xf32>
        %add3A_387 = arith.addf %add3A_386, %get3A_384 : vector<16xf32>
        %add3A_388 = arith.constant 2 : i32
        %add3A_389 = arith.addi %add3A_379, %add3A_388 : i32
        %get3A_390 = arith.index_cast %add3A_389 : i32 to index
        %get3A_391 = arith.constant 0 : index
        %get3A_392 = tpu.vector_load %arg5[%get3A_390, %get3A_391] {strides = array<i32>} : memref<400x64xf32, #tpu.memory_space<vmem>>, vector<1x16xf32>,
        %get3A_393 = vector.shape_cast %get3A_392 : vector<1x16xf32> to vector<16xf32>
        %add3A_394 = arith.addf %add3A_387, %get3A_393 : vector<16xf32>
        %add3A_395 = arith.constant 3 : i32
        %add3A_396 = arith.addi %add3A_379, %add3A_395 : i32
        %get3A_397 = arith.index_cast %add3A_396 : i32 to index
        %get3A_398 = arith.constant 0 : index
        %get3A_399 = tpu.vector_load %arg5[%get3A_397, %get3A_398] {strides = array<i32>} : memref<400x64xf32, #tpu.memory_space<vmem>>, vector<1x16xf32>,
        %get3A_400 = vector.shape_cast %get3A_399 : vector<1x16xf32> to vector<16xf32>
        %add3A_401 = arith.addf %add3A_394, %get3A_400 : vector<16xf32>
        %add3A_402 = arith.addf %scan3A_372, %add3A_401 : vector<16xf32>
        %get3A_403 = arith.index_cast %add3A_379 : i32 to index
        %get3A_404 = arith.constant 0 : index
        %get3A_405 = tpu.vector_load %arg5[%get3A_403, %get3A_404] {strides = array<i32>} : memref<400x64xf32, #tpu.memory_space<vmem>>, vector<1x16xf32>,
        %get3A_406 = vector.shape_cast %get3A_405 : vector<1x16xf32> to vector<16xf32>
        %add3A_407 = arith.addf %add3A_402, %get3A_406 : vector<16xf32>
        %add3A_408 = arith.constant 1 : i32
        %add3A_409 = arith.addi %add3A_379, %add3A_408 : i32
        %get3A_410 = arith.index_cast %add3A_409 : i32 to index
        %get3A_411 = arith.constant 16 : index
        %get3A_412 = tpu.vector_load %arg5[%get3A_410, %get3A_411] {strides = array<i32>} : memref<400x64xf32, #tpu.memory_space<vmem>>, vector<1x16xf32>,
        %get3A_413 = vector.shape_cast %get3A_412 : vector<1x16xf32> to vector<16xf32>
        %add3A_414 = arith.constant 0.000000e+00 : f32
        %add3A_415 = vector.broadcast %add3A_414 : f32 to vector<16xf32>
        %add3A_416 = arith.addf %add3A_415, %get3A_413 : vector<16xf32>
        %add3A_417 = arith.constant 2 : i32
        %add3A_418 = arith.addi %add3A_379, %add3A_417 : i32
        %get3A_419 = arith.index_cast %add3A_418 : i32 to index
        %get3A_420 = arith.constant 16 : index
        %get3A_421 = tpu.vector_load %arg5[%get3A_419, %get3A_420] {strides = array<i32>} : memref<400x64xf32, #tpu.memory_space<vmem>>, vector<1x16xf32>,
        %get3A_422 = vector.shape_cast %get3A_421 : vector<1x16xf32> to vector<16xf32>
        %add3A_423 = arith.addf %add3A_416, %get3A_422 : vector<16xf32>
        %add3A_424 = arith.constant 3 : i32
        %add3A_425 = arith.addi %add3A_379, %add3A_424 : i32
        %get3A_426 = arith.index_cast %add3A_425 : i32 to index
        %get3A_427 = arith.constant 16 : index
        %get3A_428 = tpu.vector_load %arg5[%get3A_426, %get3A_427] {strides = array<i32>} : memref<400x64xf32, #tpu.memory_space<vmem>>, vector<1x16xf32>,
        %get3A_429 = vector.shape_cast %get3A_428 : vector<1x16xf32> to vector<16xf32>
        %add3A_430 = arith.addf %add3A_423, %get3A_429 : vector<16xf32>
        %add3A_431 = arith.addf %scan3A_373, %add3A_430 : vector<16xf32>
        %get3A_432 = arith.index_cast %add3A_379 : i32 to index
        %get3A_433 = arith.constant 16 : index
        %get3A_434 = tpu.vector_load %arg5[%get3A_432, %get3A_433] {strides = array<i32>} : memref<400x64xf32, #tpu.memory_space<vmem>>, vector<1x16xf32>,
        %get3A_435 = vector.shape_cast %get3A_434 : vector<1x16xf32> to vector<16xf32>
        %add3A_436 = arith.addf %add3A_431, %get3A_435 : vector<16xf32>
        %add3A_437 = arith.constant 1 : i32
        %add3A_438 = arith.addi %add3A_379, %add3A_437 : i32
        %get3A_439 = arith.index_cast %add3A_438 : i32 to index
        %get3A_440 = arith.constant 32 : index
        %get3A_441 = tpu.vector_load %arg5[%get3A_439, %get3A_440] {strides = array<i32>} : memref<400x64xf32, #tpu.memory_space<vmem>>, vector<1x16xf32>,
        %get3A_442 = vector.shape_cast %get3A_441 : vector<1x16xf32> to vector<16xf32>
        %add3A_443 = arith.constant 0.000000e+00 : f32
        %add3A_444 = vector.broadcast %add3A_443 : f32 to vector<16xf32>
        %add3A_445 = arith.addf %add3A_444, %get3A_442 : vector<16xf32>
        %add3A_446 = arith.constant 2 : i32
        %add3A_447 = arith.addi %add3A_379, %add3A_446 : i32
        %get3A_448 = arith.index_cast %add3A_447 : i32 to index
        %get3A_449 = arith.constant 32 : index
        %get3A_450 = tpu.vector_load %arg5[%get3A_448, %get3A_449] {strides = array<i32>} : memref<400x64xf32, #tpu.memory_space<vmem>>, vector<1x16xf32>,
        %get3A_451 = vector.shape_cast %get3A_450 : vector<1x16xf32> to vector<16xf32>
        %add3A_452 = arith.addf %add3A_445, %get3A_451 : vector<16xf32>
        %add3A_453 = arith.constant 3 : i32
        %add3A_454 = arith.addi %add3A_379, %add3A_453 : i32
        %get3A_455 = arith.index_cast %add3A_454 : i32 to index
        %get3A_456 = arith.constant 32 : index
        %get3A_457 = tpu.vector_load %arg5[%get3A_455, %get3A_456] {strides = array<i32>} : memref<400x64xf32, #tpu.memory_space<vmem>>, vector<1x16xf32>,
        %get3A_458 = vector.shape_cast %get3A_457 : vector<1x16xf32> to vector<16xf32>
        %add3A_459 = arith.addf %add3A_452, %get3A_458 : vector<16xf32>
        %add3A_460 = arith.addf %scan3A_374, %add3A_459 : vector<16xf32>
        %get3A_461 = arith.index_cast %add3A_379 : i32 to index
        %get3A_462 = arith.constant 32 : index
        %get3A_463 = tpu.vector_load %arg5[%get3A_461, %get3A_462] {strides = array<i32>} : memref<400x64xf32, #tpu.memory_space<vmem>>, vector<1x16xf32>,
        %get3A_464 = vector.shape_cast %get3A_463 : vector<1x16xf32> to vector<16xf32>
        %add3A_465 = arith.addf %add3A_460, %get3A_464 : vector<16xf32>
        %add3A_466 = arith.constant 1 : i32
        %add3A_467 = arith.addi %add3A_379, %add3A_466 : i32
        %get3A_468 = arith.index_cast %add3A_467 : i32 to index
        %get3A_469 = arith.constant 48 : index
        %get3A_470 = tpu.vector_load %arg5[%get3A_468, %get3A_469] {strides = array<i32>} : memref<400x64xf32, #tpu.memory_space<vmem>>, vector<1x16xf32>,
        %get3A_471 = vector.shape_cast %get3A_470 : vector<1x16xf32> to vector<16xf32>
        %add3A_472 = arith.constant 0.000000e+00 : f32
        %add3A_473 = vector.broadcast %add3A_472 : f32 to vector<16xf32>
        %add3A_474 = arith.addf %add3A_473, %get3A_471 : vector<16xf32>
        %add3A_475 = arith.constant 2 : i32
        %add3A_476 = arith.addi %add3A_379, %add3A_475 : i32
        %get3A_477 = arith.index_cast %add3A_476 : i32 to index
        %get3A_478 = arith.constant 48 : index
        %get3A_479 = tpu.vector_load %arg5[%get3A_477, %get3A_478] {strides = array<i32>} : memref<400x64xf32, #tpu.memory_space<vmem>>, vector<1x16xf32>,
        %get3A_480 = vector.shape_cast %get3A_479 : vector<1x16xf32> to vector<16xf32>
        %add3A_481 = arith.addf %add3A_474, %get3A_480 : vector<16xf32>
        %add3A_482 = arith.constant 3 : i32
        %add3A_483 = arith.addi %add3A_379, %add3A_482 : i32
        %get3A_484 = arith.index_cast %add3A_483 : i32 to index
        %get3A_485 = arith.constant 48 : index
        %get3A_486 = tpu.vector_load %arg5[%get3A_484, %get3A_485] {strides = array<i32>} : memref<400x64xf32, #tpu.memory_space<vmem>>, vector<1x16xf32>,
        %get3A_487 = vector.shape_cast %get3A_486 : vector<1x16xf32> to vector<16xf32>
        %add3A_488 = arith.addf %add3A_481, %get3A_487 : vector<16xf32>
        %add3A_489 = arith.addf %scan3A_375, %add3A_488 : vector<16xf32>
        %get3A_490 = arith.index_cast %add3A_379 : i32 to index
        %get3A_491 = arith.constant 48 : index
        %get3A_492 = tpu.vector_load %arg5[%get3A_490, %get3A_491] {strides = array<i32>} : memref<400x64xf32, #tpu.memory_space<vmem>>, vector<1x16xf32>,
        %get3A_493 = vector.shape_cast %get3A_492 : vector<1x16xf32> to vector<16xf32>
        %add3A_494 = arith.addf %add3A_489, %get3A_493 : vector<16xf32>
        scf.yield %add3A_407, %add3A_436, %add3A_465, %add3A_494 : vector<16xf32>, vector<16xf32>, vector<16xf32>, vector<16xf32>
      }
      %scan3A_330 = arith.constant 50 : i32
      %mul3A_331 = arith.constant 2 : i32
      %mul3A_332 = arith.muli %add3A_278, %mul3A_331 : i32
      %add3A_333 = arith.constant 1 : i32
      %add3A_334 = arith.addi %mul3A_332, %add3A_333 : i32
      %swap3A_335 = arith.index_cast %add3A_334 : i32 to index
      %swap3A_336 = arith.constant 0 : index
      %swap3A_337 = tpu.vector_load %arg6[%swap3A_335, %swap3A_336] {strides = array<i32>} : memref<72x64xf32, #tpu.memory_space<vmem>>, vector<1x16xf32>,
      %swap3A_338 = vector.shape_cast %swap3A_337 : vector<1x16xf32> to vector<16xf32>
      %swap3A_339 = vector.shape_cast %scan3A_329#0 : vector<16xf32> to vector<1x16xf32>
      tpu.vector_store %arg6[%swap3A_335, %swap3A_336], %swap3A_339 {strides = array<i32>} : memref<72x64xf32, #tpu.memory_space<vmem>>, vector<1x16xf32>,
      %mul3A_340 = arith.constant 2 : i32
      %mul3A_341 = arith.muli %add3A_278, %mul3A_340 : i32
      %add3A_342 = arith.constant 1 : i32
      %add3A_343 = arith.addi %mul3A_341, %add3A_342 : i32
      %swap3A_344 = arith.index_cast %add3A_343 : i32 to index
      %swap3A_345 = arith.constant 16 : index
      %swap3A_346 = tpu.vector_load %arg6[%swap3A_344, %swap3A_345] {strides = array<i32>} : memref<72x64xf32, #tpu.memory_space<vmem>>, vector<1x16xf32>,
      %swap3A_347 = vector.shape_cast %swap3A_346 : vector<1x16xf32> to vector<16xf32>
      %swap3A_348 = vector.shape_cast %scan3A_329#1 : vector<16xf32> to vector<1x16xf32>
      tpu.vector_store %arg6[%swap3A_344, %swap3A_345], %swap3A_348 {strides = array<i32>} : memref<72x64xf32, #tpu.memory_space<vmem>>, vector<1x16xf32>,
      %mul3A_349 = arith.constant 2 : i32
      %mul3A_350 = arith.muli %add3A_278, %mul3A_349 : i32
      %add3A_351 = arith.constant 1 : i32
      %add3A_352 = arith.addi %mul3A_350, %add3A_351 : i32
      %swap3A_353 = arith.index_cast %add3A_352 : i32 to index
      %swap3A_354 = arith.constant 32 : index
      %swap3A_355 = tpu.vector_load %arg6[%swap3A_353, %swap3A_354] {strides = array<i32>} : memref<72x64xf32, #tpu.memory_space<vmem>>, vector<1x16xf32>,
      %swap3A_356 = vector.shape_cast %swap3A_355 : vector<1x16xf32> to vector<16xf32>
      %swap3A_357 = vector.shape_cast %scan3A_329#2 : vector<16xf32> to vector<1x16xf32>
      tpu.vector_store %arg6[%swap3A_353, %swap3A_354], %swap3A_357 {strides = array<i32>} : memref<72x64xf32, #tpu.memory_space<vmem>>, vector<1x16xf32>,
      %mul3A_358 = arith.constant 2 : i32
      %mul3A_359 = arith.muli %add3A_278, %mul3A_358 : i32
      %add3A_360 = arith.constant 1 : i32
      %add3A_361 = arith.addi %mul3A_359, %add3A_360 : i32
      %swap3A_362 = arith.index_cast %add3A_361 : i32 to index
      %swap3A_363 = arith.constant 48 : index
      %swap3A_364 = tpu.vector_load %arg6[%swap3A_362, %swap3A_363] {strides = array<i32>} : memref<72x64xf32, #tpu.memory_space<vmem>>, vector<1x16xf32>,
      %swap3A_365 = vector.shape_cast %swap3A_364 : vector<1x16xf32> to vector<16xf32>
      %swap3A_366 = vector.shape_cast %scan3A_329#3 : vector<16xf32> to vector<1x16xf32>
      tpu.vector_store %arg6[%swap3A_362, %swap3A_363], %swap3A_366 {strides = array<i32>} : memref<72x64xf32, #tpu.memory_space<vmem>>, vector<1x16xf32>,
      %dma_wait3A_367 = arith.constant 0 : i32
      %dma_wait3A_368 = tpu.memref_slice %arg2[%multiple_of3A_272, %dma_wait3A_367] : memref<460800x64xf32, #tpu.memory_space<hbm>> -> memref<400x64xf32, #tpu.memory_space<hbm>>
      %dma_wait3A_369 = arith.constant 0 : i32
      %dma_wait3A_370 = tpu.memref_slice %arg2[%multiple_of3A_272, %dma_wait3A_369] : memref<460800x64xf32, #tpu.memory_space<hbm>> -> memref<400x64xf32, #tpu.memory_space<hbm>>
      tpu.wait_dma2 semaphore(%arg7 : memref<!tpu.dma_semaphore, #tpu.memory_space<semaphore_mem>>) src(%dma_wait3A_370 : memref<400x64xf32, #tpu.memory_space<hbm>>) dst(%arg4 : memref<400x64xf32, #tpu.memory_space<vmem>>)
    }
    %scan3A_18 = arith.constant 17 : i32
    %add3A_19 = arith.constant 70 : i32
    %add3A_20 = arith.addi %multiple_of3A, %add3A_19 : i32
    %mul3A_21 = arith.constant 200 : i32
    %mul3A_22 = arith.muli %add3A_20, %mul3A_21 : i32
    %multiple_of3A_23 = tpu.assume_multiple %mul3A_22, 8 : i32
    %dma_start3A_24 = arith.constant 0 : i32
    %dma_start3A_25 = tpu.memref_slice %arg2[%multiple_of3A_23, %dma_start3A_24] : memref<460800x64xf32, #tpu.memory_space<hbm>> -> memref<400x64xf32, #tpu.memory_space<hbm>>
    %dma_start3A_26 = arith.constant 0 : i32
    %dma_start3A_27 = tpu.memref_slice %arg2[%multiple_of3A_23, %dma_start3A_26] : memref<460800x64xf32, #tpu.memory_space<hbm>> -> memref<400x64xf32, #tpu.memory_space<hbm>>
    tpu.enqueue_dma source(%dma_start3A_27 : memref<400x64xf32, #tpu.memory_space<hbm>>) target(%arg5 : memref<400x64xf32, #tpu.memory_space<vmem>>) target_semaphore(%arg8 : memref<!tpu.dma_semaphore, #tpu.memory_space<semaphore_mem>>)
    %broadcast_in_dim3A = arith.constant 0.000000e+00 : f32
    %broadcast_in_dim3A_28 = vector.broadcast %broadcast_in_dim3A : f32 to vector<16xf32>
    %scan3A_29 = arith.constant 0 : i32
    %scan3A_30 = arith.constant 50 : i32
    %scan3A_31 = arith.addi %scan3A_29, %scan3A_30 : i32
    %scan3A_32 = arith.constant 1 : i32
    %scan3A_33:4 = scf.for %scan3A_158 = %scan3A_29 to %scan3A_31 step %scan3A_32 iter_args(%scan3A_159 = %broadcast_in_dim3A_28, %scan3A_160 = %broadcast_in_dim3A_28, %scan3A_161 = %broadcast_in_dim3A_28, %scan3A_162 = %broadcast_in_dim3A_28) -> (vector<16xf32>, vector<16xf32>, vector<16xf32>, vector<16xf32>)  : i32 {
      %mul3A_163 = arith.constant 4 : i32
      %mul3A_164 = arith.muli %scan3A_158, %mul3A_163 : i32
      %add3A_165 = arith.constant 0 : i32
      %add3A_166 = arith.addi %add3A_165, %mul3A_164 : i32
      %add3A_167 = arith.constant 1 : i32
      %add3A_168 = arith.addi %add3A_166, %add3A_167 : i32
      %get3A = arith.index_cast %add3A_168 : i32 to index
      %get3A_169 = arith.constant 0 : index
      %get3A_170 = tpu.vector_load %arg4[%get3A, %get3A_169] {strides = array<i32>} : memref<400x64xf32, #tpu.memory_space<vmem>>, vector<1x16xf32>,
      %get3A_171 = vector.shape_cast %get3A_170 : vector<1x16xf32> to vector<16xf32>
      %add3A_172 = arith.constant 0.000000e+00 : f32
      %add3A_173 = vector.broadcast %add3A_172 : f32 to vector<16xf32>
      %add3A_174 = arith.addf %add3A_173, %get3A_171 : vector<16xf32>
      %add3A_175 = arith.constant 2 : i32
      %add3A_176 = arith.addi %add3A_166, %add3A_175 : i32
      %get3A_177 = arith.index_cast %add3A_176 : i32 to index
      %get3A_178 = arith.constant 0 : index
      %get3A_179 = tpu.vector_load %arg4[%get3A_177, %get3A_178] {strides = array<i32>} : memref<400x64xf32, #tpu.memory_space<vmem>>, vector<1x16xf32>,
      %get3A_180 = vector.shape_cast %get3A_179 : vector<1x16xf32> to vector<16xf32>
      %add3A_181 = arith.addf %add3A_174, %get3A_180 : vector<16xf32>
      %add3A_182 = arith.constant 3 : i32
      %add3A_183 = arith.addi %add3A_166, %add3A_182 : i32
      %get3A_184 = arith.index_cast %add3A_183 : i32 to index
      %get3A_185 = arith.constant 0 : index
      %get3A_186 = tpu.vector_load %arg4[%get3A_184, %get3A_185] {strides = array<i32>} : memref<400x64xf32, #tpu.memory_space<vmem>>, vector<1x16xf32>,
      %get3A_187 = vector.shape_cast %get3A_186 : vector<1x16xf32> to vector<16xf32>
      %add3A_188 = arith.addf %add3A_181, %get3A_187 : vector<16xf32>
      %add3A_189 = arith.addf %scan3A_159, %add3A_188 : vector<16xf32>
      %get3A_190 = arith.index_cast %add3A_166 : i32 to index
      %get3A_191 = arith.constant 0 : index
      %get3A_192 = tpu.vector_load %arg4[%get3A_190, %get3A_191] {strides = array<i32>} : memref<400x64xf32, #tpu.memory_space<vmem>>, vector<1x16xf32>,
      %get3A_193 = vector.shape_cast %get3A_192 : vector<1x16xf32> to vector<16xf32>
      %add3A_194 = arith.addf %add3A_189, %get3A_193 : vector<16xf32>
      %add3A_195 = arith.constant 1 : i32
      %add3A_196 = arith.addi %add3A_166, %add3A_195 : i32
      %get3A_197 = arith.index_cast %add3A_196 : i32 to index
      %get3A_198 = arith.constant 16 : index
      %get3A_199 = tpu.vector_load %arg4[%get3A_197, %get3A_198] {strides = array<i32>} : memref<400x64xf32, #tpu.memory_space<vmem>>, vector<1x16xf32>,
      %get3A_200 = vector.shape_cast %get3A_199 : vector<1x16xf32> to vector<16xf32>
      %add3A_201 = arith.constant 0.000000e+00 : f32
      %add3A_202 = vector.broadcast %add3A_201 : f32 to vector<16xf32>
      %add3A_203 = arith.addf %add3A_202, %get3A_200 : vector<16xf32>
      %add3A_204 = arith.constant 2 : i32
      %add3A_205 = arith.addi %add3A_166, %add3A_204 : i32
      %get3A_206 = arith.index_cast %add3A_205 : i32 to index
      %get3A_207 = arith.constant 16 : index
      %get3A_208 = tpu.vector_load %arg4[%get3A_206, %get3A_207] {strides = array<i32>} : memref<400x64xf32, #tpu.memory_space<vmem>>, vector<1x16xf32>,
      %get3A_209 = vector.shape_cast %get3A_208 : vector<1x16xf32> to vector<16xf32>
      %add3A_210 = arith.addf %add3A_203, %get3A_209 : vector<16xf32>
      %add3A_211 = arith.constant 3 : i32
      %add3A_212 = arith.addi %add3A_166, %add3A_211 : i32
      %get3A_213 = arith.index_cast %add3A_212 : i32 to index
      %get3A_214 = arith.constant 16 : index
      %get3A_215 = tpu.vector_load %arg4[%get3A_213, %get3A_214] {strides = array<i32>} : memref<400x64xf32, #tpu.memory_space<vmem>>, vector<1x16xf32>,
      %get3A_216 = vector.shape_cast %get3A_215 : vector<1x16xf32> to vector<16xf32>
      %add3A_217 = arith.addf %add3A_210, %get3A_216 : vector<16xf32>
      %add3A_218 = arith.addf %scan3A_160, %add3A_217 : vector<16xf32>
      %get3A_219 = arith.index_cast %add3A_166 : i32 to index
      %get3A_220 = arith.constant 16 : index
      %get3A_221 = tpu.vector_load %arg4[%get3A_219, %get3A_220] {strides = array<i32>} : memref<400x64xf32, #tpu.memory_space<vmem>>, vector<1x16xf32>,
      %get3A_222 = vector.shape_cast %get3A_221 : vector<1x16xf32> to vector<16xf32>
      %add3A_223 = arith.addf %add3A_218, %get3A_222 : vector<16xf32>
      %add3A_224 = arith.constant 1 : i32
      %add3A_225 = arith.addi %add3A_166, %add3A_224 : i32
      %get3A_226 = arith.index_cast %add3A_225 : i32 to index
      %get3A_227 = arith.constant 32 : index
      %get3A_228 = tpu.vector_load %arg4[%get3A_226, %get3A_227] {strides = array<i32>} : memref<400x64xf32, #tpu.memory_space<vmem>>, vector<1x16xf32>,
      %get3A_229 = vector.shape_cast %get3A_228 : vector<1x16xf32> to vector<16xf32>
      %add3A_230 = arith.constant 0.000000e+00 : f32
      %add3A_231 = vector.broadcast %add3A_230 : f32 to vector<16xf32>
      %add3A_232 = arith.addf %add3A_231, %get3A_229 : vector<16xf32>
      %add3A_233 = arith.constant 2 : i32
      %add3A_234 = arith.addi %add3A_166, %add3A_233 : i32
      %get3A_235 = arith.index_cast %add3A_234 : i32 to index
      %get3A_236 = arith.constant 32 : index
      %get3A_237 = tpu.vector_load %arg4[%get3A_235, %get3A_236] {strides = array<i32>} : memref<400x64xf32, #tpu.memory_space<vmem>>, vector<1x16xf32>,
      %get3A_238 = vector.shape_cast %get3A_237 : vector<1x16xf32> to vector<16xf32>
      %add3A_239 = arith.addf %add3A_232, %get3A_238 : vector<16xf32>
      %add3A_240 = arith.constant 3 : i32
      %add3A_241 = arith.addi %add3A_166, %add3A_240 : i32
      %get3A_242 = arith.index_cast %add3A_241 : i32 to index
      %get3A_243 = arith.constant 32 : index
      %get3A_244 = tpu.vector_load %arg4[%get3A_242, %get3A_243] {strides = array<i32>} : memref<400x64xf32, #tpu.memory_space<vmem>>, vector<1x16xf32>,
      %get3A_245 = vector.shape_cast %get3A_244 : vector<1x16xf32> to vector<16xf32>
      %add3A_246 = arith.addf %add3A_239, %get3A_245 : vector<16xf32>
      %add3A_247 = arith.addf %scan3A_161, %add3A_246 : vector<16xf32>
      %get3A_248 = arith.index_cast %add3A_166 : i32 to index
      %get3A_249 = arith.constant 32 : index
      %get3A_250 = tpu.vector_load %arg4[%get3A_248, %get3A_249] {strides = array<i32>} : memref<400x64xf32, #tpu.memory_space<vmem>>, vector<1x16xf32>,
      %get3A_251 = vector.shape_cast %get3A_250 : vector<1x16xf32> to vector<16xf32>
      %add3A_252 = arith.addf %add3A_247, %get3A_251 : vector<16xf32>
      %add3A_253 = arith.constant 1 : i32
      %add3A_254 = arith.addi %add3A_166, %add3A_253 : i32
      %get3A_255 = arith.index_cast %add3A_254 : i32 to index
      %get3A_256 = arith.constant 48 : index
      %get3A_257 = tpu.vector_load %arg4[%get3A_255, %get3A_256] {strides = array<i32>} : memref<400x64xf32, #tpu.memory_space<vmem>>, vector<1x16xf32>,
      %get3A_258 = vector.shape_cast %get3A_257 : vector<1x16xf32> to vector<16xf32>
      %add3A_259 = arith.constant 0.000000e+00 : f32
      %add3A_260 = vector.broadcast %add3A_259 : f32 to vector<16xf32>
      %add3A_261 = arith.addf %add3A_260, %get3A_258 : vector<16xf32>
      %add3A_262 = arith.constant 2 : i32
      %add3A_263 = arith.addi %add3A_166, %add3A_262 : i32
      %get3A_264 = arith.index_cast %add3A_263 : i32 to index
      %get3A_265 = arith.constant 48 : index
      %get3A_266 = tpu.vector_load %arg4[%get3A_264, %get3A_265] {strides = array<i32>} : memref<400x64xf32, #tpu.memory_space<vmem>>, vector<1x16xf32>,
      %get3A_267 = vector.shape_cast %get3A_266 : vector<1x16xf32> to vector<16xf32>
      %add3A_268 = arith.addf %add3A_261, %get3A_267 : vector<16xf32>
      %add3A_269 = arith.constant 3 : i32
      %add3A_270 = arith.addi %add3A_166, %add3A_269 : i32
      %get3A_271 = arith.index_cast %add3A_270 : i32 to index
      %get3A_272 = arith.constant 48 : index
      %get3A_273 = tpu.vector_load %arg4[%get3A_271, %get3A_272] {strides = array<i32>} : memref<400x64xf32, #tpu.memory_space<vmem>>, vector<1x16xf32>,
      %get3A_274 = vector.shape_cast %get3A_273 : vector<1x16xf32> to vector<16xf32>
      %add3A_275 = arith.addf %add3A_268, %get3A_274 : vector<16xf32>
      %add3A_276 = arith.addf %scan3A_162, %add3A_275 : vector<16xf32>
      %get3A_277 = arith.index_cast %add3A_166 : i32 to index
      %get3A_278 = arith.constant 48 : index
      %get3A_279 = tpu.vector_load %arg4[%get3A_277, %get3A_278] {strides = array<i32>} : memref<400x64xf32, #tpu.memory_space<vmem>>, vector<1x16xf32>,
      %get3A_280 = vector.shape_cast %get3A_279 : vector<1x16xf32> to vector<16xf32>
      %add3A_281 = arith.addf %add3A_276, %get3A_280 : vector<16xf32>
      scf.yield %add3A_194, %add3A_223, %add3A_252, %add3A_281 : vector<16xf32>, vector<16xf32>, vector<16xf32>, vector<16xf32>
    }
    %scan3A_34 = arith.constant 50 : i32
    %swap3A = arith.constant 68 : i32
    %swap3A_35 = arith.index_cast %swap3A : i32 to index
    %swap3A_36 = arith.constant 0 : index
    %swap3A_37 = tpu.vector_load %arg6[%swap3A_35, %swap3A_36] {strides = array<i32>} : memref<72x64xf32, #tpu.memory_space<vmem>>, vector<1x16xf32>,
    %swap3A_38 = vector.shape_cast %swap3A_37 : vector<1x16xf32> to vector<16xf32>
    %swap3A_39 = vector.shape_cast %scan3A_33#0 : vector<16xf32> to vector<1x16xf32>
    tpu.vector_store %arg6[%swap3A_35, %swap3A_36], %swap3A_39 {strides = array<i32>} : memref<72x64xf32, #tpu.memory_space<vmem>>, vector<1x16xf32>,
    %swap3A_40 = arith.constant 68 : i32
    %swap3A_41 = arith.index_cast %swap3A_40 : i32 to index
    %swap3A_42 = arith.constant 16 : index
    %swap3A_43 = tpu.vector_load %arg6[%swap3A_41, %swap3A_42] {strides = array<i32>} : memref<72x64xf32, #tpu.memory_space<vmem>>, vector<1x16xf32>,
    %swap3A_44 = vector.shape_cast %swap3A_43 : vector<1x16xf32> to vector<16xf32>
    %swap3A_45 = vector.shape_cast %scan3A_33#1 : vector<16xf32> to vector<1x16xf32>
    tpu.vector_store %arg6[%swap3A_41, %swap3A_42], %swap3A_45 {strides = array<i32>} : memref<72x64xf32, #tpu.memory_space<vmem>>, vector<1x16xf32>,
    %swap3A_46 = arith.constant 68 : i32
    %swap3A_47 = arith.index_cast %swap3A_46 : i32 to index
    %swap3A_48 = arith.constant 32 : index
    %swap3A_49 = tpu.vector_load %arg6[%swap3A_47, %swap3A_48] {strides = array<i32>} : memref<72x64xf32, #tpu.memory_space<vmem>>, vector<1x16xf32>,
    %swap3A_50 = vector.shape_cast %swap3A_49 : vector<1x16xf32> to vector<16xf32>
    %swap3A_51 = vector.shape_cast %scan3A_33#2 : vector<16xf32> to vector<1x16xf32>
    tpu.vector_store %arg6[%swap3A_47, %swap3A_48], %swap3A_51 {strides = array<i32>} : memref<72x64xf32, #tpu.memory_space<vmem>>, vector<1x16xf32>,
    %swap3A_52 = arith.constant 68 : i32
    %swap3A_53 = arith.index_cast %swap3A_52 : i32 to index
    %swap3A_54 = arith.constant 48 : index
    %swap3A_55 = tpu.vector_load %arg6[%swap3A_53, %swap3A_54] {strides = array<i32>} : memref<72x64xf32, #tpu.memory_space<vmem>>, vector<1x16xf32>,
    %swap3A_56 = vector.shape_cast %swap3A_55 : vector<1x16xf32> to vector<16xf32>
    %swap3A_57 = vector.shape_cast %scan3A_33#3 : vector<16xf32> to vector<1x16xf32>
    tpu.vector_store %arg6[%swap3A_53, %swap3A_54], %swap3A_57 {strides = array<i32>} : memref<72x64xf32, #tpu.memory_space<vmem>>, vector<1x16xf32>,
    %broadcast_in_dim3A_58 = arith.constant 0.000000e+00 : f32
    %broadcast_in_dim3A_59 = vector.broadcast %broadcast_in_dim3A_58 : f32 to vector<16xf32>
    %scan3A_60 = arith.constant 0 : i32
    %scan3A_61 = arith.constant 50 : i32
    %scan3A_62 = arith.addi %scan3A_60, %scan3A_61 : i32
    %scan3A_63 = arith.constant 1 : i32
    %scan3A_64:4 = scf.for %scan3A_158 = %scan3A_60 to %scan3A_62 step %scan3A_63 iter_args(%scan3A_159 = %broadcast_in_dim3A_59, %scan3A_160 = %broadcast_in_dim3A_59, %scan3A_161 = %broadcast_in_dim3A_59, %scan3A_162 = %broadcast_in_dim3A_59) -> (vector<16xf32>, vector<16xf32>, vector<16xf32>, vector<16xf32>)  : i32 {
      %mul3A_163 = arith.constant 4 : i32
      %mul3A_164 = arith.muli %scan3A_158, %mul3A_163 : i32
      %add3A_165 = arith.constant 200 : i32
      %add3A_166 = arith.addi %add3A_165, %mul3A_164 : i32
      %add3A_167 = arith.constant 1 : i32
      %add3A_168 = arith.addi %add3A_166, %add3A_167 : i32
      %get3A = arith.index_cast %add3A_168 : i32 to index
      %get3A_169 = arith.constant 0 : index
      %get3A_170 = tpu.vector_load %arg4[%get3A, %get3A_169] {strides = array<i32>} : memref<400x64xf32, #tpu.memory_space<vmem>>, vector<1x16xf32>,
      %get3A_171 = vector.shape_cast %get3A_170 : vector<1x16xf32> to vector<16xf32>
      %add3A_172 = arith.constant 0.000000e+00 : f32
      %add3A_173 = vector.broadcast %add3A_172 : f32 to vector<16xf32>
      %add3A_174 = arith.addf %add3A_173, %get3A_171 : vector<16xf32>
      %add3A_175 = arith.constant 2 : i32
      %add3A_176 = arith.addi %add3A_166, %add3A_175 : i32
      %get3A_177 = arith.index_cast %add3A_176 : i32 to index
      %get3A_178 = arith.constant 0 : index
      %get3A_179 = tpu.vector_load %arg4[%get3A_177, %get3A_178] {strides = array<i32>} : memref<400x64xf32, #tpu.memory_space<vmem>>, vector<1x16xf32>,
      %get3A_180 = vector.shape_cast %get3A_179 : vector<1x16xf32> to vector<16xf32>
      %add3A_181 = arith.addf %add3A_174, %get3A_180 : vector<16xf32>
      %add3A_182 = arith.constant 3 : i32
      %add3A_183 = arith.addi %add3A_166, %add3A_182 : i32
      %get3A_184 = arith.index_cast %add3A_183 : i32 to index
      %get3A_185 = arith.constant 0 : index
      %get3A_186 = tpu.vector_load %arg4[%get3A_184, %get3A_185] {strides = array<i32>} : memref<400x64xf32, #tpu.memory_space<vmem>>, vector<1x16xf32>,
      %get3A_187 = vector.shape_cast %get3A_186 : vector<1x16xf32> to vector<16xf32>
      %add3A_188 = arith.addf %add3A_181, %get3A_187 : vector<16xf32>
      %add3A_189 = arith.addf %scan3A_159, %add3A_188 : vector<16xf32>
      %get3A_190 = arith.index_cast %add3A_166 : i32 to index
      %get3A_191 = arith.constant 0 : index
      %get3A_192 = tpu.vector_load %arg4[%get3A_190, %get3A_191] {strides = array<i32>} : memref<400x64xf32, #tpu.memory_space<vmem>>, vector<1x16xf32>,
      %get3A_193 = vector.shape_cast %get3A_192 : vector<1x16xf32> to vector<16xf32>
      %add3A_194 = arith.addf %add3A_189, %get3A_193 : vector<16xf32>
      %add3A_195 = arith.constant 1 : i32
      %add3A_196 = arith.addi %add3A_166, %add3A_195 : i32
      %get3A_197 = arith.index_cast %add3A_196 : i32 to index
      %get3A_198 = arith.constant 16 : index
      %get3A_199 = tpu.vector_load %arg4[%get3A_197, %get3A_198] {strides = array<i32>} : memref<400x64xf32, #tpu.memory_space<vmem>>, vector<1x16xf32>,
      %get3A_200 = vector.shape_cast %get3A_199 : vector<1x16xf32> to vector<16xf32>
      %add3A_201 = arith.constant 0.000000e+00 : f32
      %add3A_202 = vector.broadcast %add3A_201 : f32 to vector<16xf32>
      %add3A_203 = arith.addf %add3A_202, %get3A_200 : vector<16xf32>
      %add3A_204 = arith.constant 2 : i32
      %add3A_205 = arith.addi %add3A_166, %add3A_204 : i32
      %get3A_206 = arith.index_cast %add3A_205 : i32 to index
      %get3A_207 = arith.constant 16 : index
      %get3A_208 = tpu.vector_load %arg4[%get3A_206, %get3A_207] {strides = array<i32>} : memref<400x64xf32, #tpu.memory_space<vmem>>, vector<1x16xf32>,
      %get3A_209 = vector.shape_cast %get3A_208 : vector<1x16xf32> to vector<16xf32>
      %add3A_210 = arith.addf %add3A_203, %get3A_209 : vector<16xf32>
      %add3A_211 = arith.constant 3 : i32
      %add3A_212 = arith.addi %add3A_166, %add3A_211 : i32
      %get3A_213 = arith.index_cast %add3A_212 : i32 to index
      %get3A_214 = arith.constant 16 : index
      %get3A_215 = tpu.vector_load %arg4[%get3A_213, %get3A_214] {strides = array<i32>} : memref<400x64xf32, #tpu.memory_space<vmem>>, vector<1x16xf32>,
      %get3A_216 = vector.shape_cast %get3A_215 : vector<1x16xf32> to vector<16xf32>
      %add3A_217 = arith.addf %add3A_210, %get3A_216 : vector<16xf32>
      %add3A_218 = arith.addf %scan3A_160, %add3A_217 : vector<16xf32>
      %get3A_219 = arith.index_cast %add3A_166 : i32 to index
      %get3A_220 = arith.constant 16 : index
      %get3A_221 = tpu.vector_load %arg4[%get3A_219, %get3A_220] {strides = array<i32>} : memref<400x64xf32, #tpu.memory_space<vmem>>, vector<1x16xf32>,
      %get3A_222 = vector.shape_cast %get3A_221 : vector<1x16xf32> to vector<16xf32>
      %add3A_223 = arith.addf %add3A_218, %get3A_222 : vector<16xf32>
      %add3A_224 = arith.constant 1 : i32
      %add3A_225 = arith.addi %add3A_166, %add3A_224 : i32
      %get3A_226 = arith.index_cast %add3A_225 : i32 to index
      %get3A_227 = arith.constant 32 : index
      %get3A_228 = tpu.vector_load %arg4[%get3A_226, %get3A_227] {strides = array<i32>} : memref<400x64xf32, #tpu.memory_space<vmem>>, vector<1x16xf32>,
      %get3A_229 = vector.shape_cast %get3A_228 : vector<1x16xf32> to vector<16xf32>
      %add3A_230 = arith.constant 0.000000e+00 : f32
      %add3A_231 = vector.broadcast %add3A_230 : f32 to vector<16xf32>
      %add3A_232 = arith.addf %add3A_231, %get3A_229 : vector<16xf32>
      %add3A_233 = arith.constant 2 : i32
      %add3A_234 = arith.addi %add3A_166, %add3A_233 : i32
      %get3A_235 = arith.index_cast %add3A_234 : i32 to index
      %get3A_236 = arith.constant 32 : index
      %get3A_237 = tpu.vector_load %arg4[%get3A_235, %get3A_236] {strides = array<i32>} : memref<400x64xf32, #tpu.memory_space<vmem>>, vector<1x16xf32>,
      %get3A_238 = vector.shape_cast %get3A_237 : vector<1x16xf32> to vector<16xf32>
      %add3A_239 = arith.addf %add3A_232, %get3A_238 : vector<16xf32>
      %add3A_240 = arith.constant 3 : i32
      %add3A_241 = arith.addi %add3A_166, %add3A_240 : i32
      %get3A_242 = arith.index_cast %add3A_241 : i32 to index
      %get3A_243 = arith.constant 32 : index
      %get3A_244 = tpu.vector_load %arg4[%get3A_242, %get3A_243] {strides = array<i32>} : memref<400x64xf32, #tpu.memory_space<vmem>>, vector<1x16xf32>,
      %get3A_245 = vector.shape_cast %get3A_244 : vector<1x16xf32> to vector<16xf32>
      %add3A_246 = arith.addf %add3A_239, %get3A_245 : vector<16xf32>
      %add3A_247 = arith.addf %scan3A_161, %add3A_246 : vector<16xf32>
      %get3A_248 = arith.index_cast %add3A_166 : i32 to index
      %get3A_249 = arith.constant 32 : index
      %get3A_250 = tpu.vector_load %arg4[%get3A_248, %get3A_249] {strides = array<i32>} : memref<400x64xf32, #tpu.memory_space<vmem>>, vector<1x16xf32>,
      %get3A_251 = vector.shape_cast %get3A_250 : vector<1x16xf32> to vector<16xf32>
      %add3A_252 = arith.addf %add3A_247, %get3A_251 : vector<16xf32>
      %add3A_253 = arith.constant 1 : i32
      %add3A_254 = arith.addi %add3A_166, %add3A_253 : i32
      %get3A_255 = arith.index_cast %add3A_254 : i32 to index
      %get3A_256 = arith.constant 48 : index
      %get3A_257 = tpu.vector_load %arg4[%get3A_255, %get3A_256] {strides = array<i32>} : memref<400x64xf32, #tpu.memory_space<vmem>>, vector<1x16xf32>,
      %get3A_258 = vector.shape_cast %get3A_257 : vector<1x16xf32> to vector<16xf32>
      %add3A_259 = arith.constant 0.000000e+00 : f32
      %add3A_260 = vector.broadcast %add3A_259 : f32 to vector<16xf32>
      %add3A_261 = arith.addf %add3A_260, %get3A_258 : vector<16xf32>
      %add3A_262 = arith.constant 2 : i32
      %add3A_263 = arith.addi %add3A_166, %add3A_262 : i32
      %get3A_264 = arith.index_cast %add3A_263 : i32 to index
      %get3A_265 = arith.constant 48 : index
      %get3A_266 = tpu.vector_load %arg4[%get3A_264, %get3A_265] {strides = array<i32>} : memref<400x64xf32, #tpu.memory_space<vmem>>, vector<1x16xf32>,
      %get3A_267 = vector.shape_cast %get3A_266 : vector<1x16xf32> to vector<16xf32>
      %add3A_268 = arith.addf %add3A_261, %get3A_267 : vector<16xf32>
      %add3A_269 = arith.constant 3 : i32
      %add3A_270 = arith.addi %add3A_166, %add3A_269 : i32
      %get3A_271 = arith.index_cast %add3A_270 : i32 to index
      %get3A_272 = arith.constant 48 : index
      %get3A_273 = tpu.vector_load %arg4[%get3A_271, %get3A_272] {strides = array<i32>} : memref<400x64xf32, #tpu.memory_space<vmem>>, vector<1x16xf32>,
      %get3A_274 = vector.shape_cast %get3A_273 : vector<1x16xf32> to vector<16xf32>
      %add3A_275 = arith.addf %add3A_268, %get3A_274 : vector<16xf32>
      %add3A_276 = arith.addf %scan3A_162, %add3A_275 : vector<16xf32>
      %get3A_277 = arith.index_cast %add3A_166 : i32 to index
      %get3A_278 = arith.constant 48 : index
      %get3A_279 = tpu.vector_load %arg4[%get3A_277, %get3A_278] {strides = array<i32>} : memref<400x64xf32, #tpu.memory_space<vmem>>, vector<1x16xf32>,
      %get3A_280 = vector.shape_cast %get3A_279 : vector<1x16xf32> to vector<16xf32>
      %add3A_281 = arith.addf %add3A_276, %get3A_280 : vector<16xf32>
      scf.yield %add3A_194, %add3A_223, %add3A_252, %add3A_281 : vector<16xf32>, vector<16xf32>, vector<16xf32>, vector<16xf32>
    }
    %scan3A_65 = arith.constant 50 : i32
    %swap3A_66 = arith.constant 69 : i32
    %swap3A_67 = arith.index_cast %swap3A_66 : i32 to index
    %swap3A_68 = arith.constant 0 : index
    %swap3A_69 = tpu.vector_load %arg6[%swap3A_67, %swap3A_68] {strides = array<i32>} : memref<72x64xf32, #tpu.memory_space<vmem>>, vector<1x16xf32>,
    %swap3A_70 = vector.shape_cast %swap3A_69 : vector<1x16xf32> to vector<16xf32>
    %swap3A_71 = vector.shape_cast %scan3A_64#0 : vector<16xf32> to vector<1x16xf32>
    tpu.vector_store %arg6[%swap3A_67, %swap3A_68], %swap3A_71 {strides = array<i32>} : memref<72x64xf32, #tpu.memory_space<vmem>>, vector<1x16xf32>,
    %swap3A_72 = arith.constant 69 : i32
    %swap3A_73 = arith.index_cast %swap3A_72 : i32 to index
    %swap3A_74 = arith.constant 16 : index
    %swap3A_75 = tpu.vector_load %arg6[%swap3A_73, %swap3A_74] {strides = array<i32>} : memref<72x64xf32, #tpu.memory_space<vmem>>, vector<1x16xf32>,
    %swap3A_76 = vector.shape_cast %swap3A_75 : vector<1x16xf32> to vector<16xf32>
    %swap3A_77 = vector.shape_cast %scan3A_64#1 : vector<16xf32> to vector<1x16xf32>
    tpu.vector_store %arg6[%swap3A_73, %swap3A_74], %swap3A_77 {strides = array<i32>} : memref<72x64xf32, #tpu.memory_space<vmem>>, vector<1x16xf32>,
    %swap3A_78 = arith.constant 69 : i32
    %swap3A_79 = arith.index_cast %swap3A_78 : i32 to index
    %swap3A_80 = arith.constant 32 : index
    %swap3A_81 = tpu.vector_load %arg6[%swap3A_79, %swap3A_80] {strides = array<i32>} : memref<72x64xf32, #tpu.memory_space<vmem>>, vector<1x16xf32>,
    %swap3A_82 = vector.shape_cast %swap3A_81 : vector<1x16xf32> to vector<16xf32>
    %swap3A_83 = vector.shape_cast %scan3A_64#2 : vector<16xf32> to vector<1x16xf32>
    tpu.vector_store %arg6[%swap3A_79, %swap3A_80], %swap3A_83 {strides = array<i32>} : memref<72x64xf32, #tpu.memory_space<vmem>>, vector<1x16xf32>,
    %swap3A_84 = arith.constant 69 : i32
    %swap3A_85 = arith.index_cast %swap3A_84 : i32 to index
    %swap3A_86 = arith.constant 48 : index
    %swap3A_87 = tpu.vector_load %arg6[%swap3A_85, %swap3A_86] {strides = array<i32>} : memref<72x64xf32, #tpu.memory_space<vmem>>, vector<1x16xf32>,
    %swap3A_88 = vector.shape_cast %swap3A_87 : vector<1x16xf32> to vector<16xf32>
    %swap3A_89 = vector.shape_cast %scan3A_64#3 : vector<16xf32> to vector<1x16xf32>
    tpu.vector_store %arg6[%swap3A_85, %swap3A_86], %swap3A_89 {strides = array<i32>} : memref<72x64xf32, #tpu.memory_space<vmem>>, vector<1x16xf32>,
    %dma_wait3A_90 = arith.constant 0 : i32
    %dma_wait3A_91 = tpu.memref_slice %arg2[%multiple_of3A_23, %dma_wait3A_90] : memref<460800x64xf32, #tpu.memory_space<hbm>> -> memref<400x64xf32, #tpu.memory_space<hbm>>
    %dma_wait3A_92 = arith.constant 0 : i32
    %dma_wait3A_93 = tpu.memref_slice %arg2[%multiple_of3A_23, %dma_wait3A_92] : memref<460800x64xf32, #tpu.memory_space<hbm>> -> memref<400x64xf32, #tpu.memory_space<hbm>>
    tpu.wait_dma2 semaphore(%arg8 : memref<!tpu.dma_semaphore, #tpu.memory_space<semaphore_mem>>) src(%dma_wait3A_93 : memref<400x64xf32, #tpu.memory_space<hbm>>) dst(%arg5 : memref<400x64xf32, #tpu.memory_space<vmem>>)
    %broadcast_in_dim3A_94 = arith.constant 0.000000e+00 : f32
    %broadcast_in_dim3A_95 = vector.broadcast %broadcast_in_dim3A_94 : f32 to vector<16xf32>
    %scan3A_96 = arith.constant 0 : i32
    %scan3A_97 = arith.constant 50 : i32
    %scan3A_98 = arith.addi %scan3A_96, %scan3A_97 : i32
    %scan3A_99 = arith.constant 1 : i32
    %scan3A_100:4 = scf.for %scan3A_158 = %scan3A_96 to %scan3A_98 step %scan3A_99 iter_args(%scan3A_159 = %broadcast_in_dim3A_95, %scan3A_160 = %broadcast_in_dim3A_95, %scan3A_161 = %broadcast_in_dim3A_95, %scan3A_162 = %broadcast_in_dim3A_95) -> (vector<16xf32>, vector<16xf32>, vector<16xf32>, vector<16xf32>)  : i32 {
      %mul3A_163 = arith.constant 4 : i32
      %mul3A_164 = arith.muli %scan3A_158, %mul3A_163 : i32
      %add3A_165 = arith.constant 0 : i32
      %add3A_166 = arith.addi %add3A_165, %mul3A_164 : i32
      %add3A_167 = arith.constant 1 : i32
      %add3A_168 = arith.addi %add3A_166, %add3A_167 : i32
      %get3A = arith.index_cast %add3A_168 : i32 to index
      %get3A_169 = arith.constant 0 : index
      %get3A_170 = tpu.vector_load %arg5[%get3A, %get3A_169] {strides = array<i32>} : memref<400x64xf32, #tpu.memory_space<vmem>>, vector<1x16xf32>,
      %get3A_171 = vector.shape_cast %get3A_170 : vector<1x16xf32> to vector<16xf32>
      %add3A_172 = arith.constant 0.000000e+00 : f32
      %add3A_173 = vector.broadcast %add3A_172 : f32 to vector<16xf32>
      %add3A_174 = arith.addf %add3A_173, %get3A_171 : vector<16xf32>
      %add3A_175 = arith.constant 2 : i32
      %add3A_176 = arith.addi %add3A_166, %add3A_175 : i32
      %get3A_177 = arith.index_cast %add3A_176 : i32 to index
      %get3A_178 = arith.constant 0 : index
      %get3A_179 = tpu.vector_load %arg5[%get3A_177, %get3A_178] {strides = array<i32>} : memref<400x64xf32, #tpu.memory_space<vmem>>, vector<1x16xf32>,
      %get3A_180 = vector.shape_cast %get3A_179 : vector<1x16xf32> to vector<16xf32>
      %add3A_181 = arith.addf %add3A_174, %get3A_180 : vector<16xf32>
      %add3A_182 = arith.constant 3 : i32
      %add3A_183 = arith.addi %add3A_166, %add3A_182 : i32
      %get3A_184 = arith.index_cast %add3A_183 : i32 to index
      %get3A_185 = arith.constant 0 : index
      %get3A_186 = tpu.vector_load %arg5[%get3A_184, %get3A_185] {strides = array<i32>} : memref<400x64xf32, #tpu.memory_space<vmem>>, vector<1x16xf32>,
      %get3A_187 = vector.shape_cast %get3A_186 : vector<1x16xf32> to vector<16xf32>
      %add3A_188 = arith.addf %add3A_181, %get3A_187 : vector<16xf32>
      %add3A_189 = arith.addf %scan3A_159, %add3A_188 : vector<16xf32>
      %get3A_190 = arith.index_cast %add3A_166 : i32 to index
      %get3A_191 = arith.constant 0 : index
      %get3A_192 = tpu.vector_load %arg5[%get3A_190, %get3A_191] {strides = array<i32>} : memref<400x64xf32, #tpu.memory_space<vmem>>, vector<1x16xf32>,
      %get3A_193 = vector.shape_cast %get3A_192 : vector<1x16xf32> to vector<16xf32>
      %add3A_194 = arith.addf %add3A_189, %get3A_193 : vector<16xf32>
      %add3A_195 = arith.constant 1 : i32
      %add3A_196 = arith.addi %add3A_166, %add3A_195 : i32
      %get3A_197 = arith.index_cast %add3A_196 : i32 to index
      %get3A_198 = arith.constant 16 : index
      %get3A_199 = tpu.vector_load %arg5[%get3A_197, %get3A_198] {strides = array<i32>} : memref<400x64xf32, #tpu.memory_space<vmem>>, vector<1x16xf32>,
      %get3A_200 = vector.shape_cast %get3A_199 : vector<1x16xf32> to vector<16xf32>
      %add3A_201 = arith.constant 0.000000e+00 : f32
      %add3A_202 = vector.broadcast %add3A_201 : f32 to vector<16xf32>
      %add3A_203 = arith.addf %add3A_202, %get3A_200 : vector<16xf32>
      %add3A_204 = arith.constant 2 : i32
      %add3A_205 = arith.addi %add3A_166, %add3A_204 : i32
      %get3A_206 = arith.index_cast %add3A_205 : i32 to index
      %get3A_207 = arith.constant 16 : index
      %get3A_208 = tpu.vector_load %arg5[%get3A_206, %get3A_207] {strides = array<i32>} : memref<400x64xf32, #tpu.memory_space<vmem>>, vector<1x16xf32>,
      %get3A_209 = vector.shape_cast %get3A_208 : vector<1x16xf32> to vector<16xf32>
      %add3A_210 = arith.addf %add3A_203, %get3A_209 : vector<16xf32>
      %add3A_211 = arith.constant 3 : i32
      %add3A_212 = arith.addi %add3A_166, %add3A_211 : i32
      %get3A_213 = arith.index_cast %add3A_212 : i32 to index
      %get3A_214 = arith.constant 16 : index
      %get3A_215 = tpu.vector_load %arg5[%get3A_213, %get3A_214] {strides = array<i32>} : memref<400x64xf32, #tpu.memory_space<vmem>>, vector<1x16xf32>,
      %get3A_216 = vector.shape_cast %get3A_215 : vector<1x16xf32> to vector<16xf32>
      %add3A_217 = arith.addf %add3A_210, %get3A_216 : vector<16xf32>
      %add3A_218 = arith.addf %scan3A_160, %add3A_217 : vector<16xf32>
      %get3A_219 = arith.index_cast %add3A_166 : i32 to index
      %get3A_220 = arith.constant 16 : index
      %get3A_221 = tpu.vector_load %arg5[%get3A_219, %get3A_220] {strides = array<i32>} : memref<400x64xf32, #tpu.memory_space<vmem>>, vector<1x16xf32>,
      %get3A_222 = vector.shape_cast %get3A_221 : vector<1x16xf32> to vector<16xf32>
      %add3A_223 = arith.addf %add3A_218, %get3A_222 : vector<16xf32>
      %add3A_224 = arith.constant 1 : i32
      %add3A_225 = arith.addi %add3A_166, %add3A_224 : i32
      %get3A_226 = arith.index_cast %add3A_225 : i32 to index
      %get3A_227 = arith.constant 32 : index
      %get3A_228 = tpu.vector_load %arg5[%get3A_226, %get3A_227] {strides = array<i32>} : memref<400x64xf32, #tpu.memory_space<vmem>>, vector<1x16xf32>,
      %get3A_229 = vector.shape_cast %get3A_228 : vector<1x16xf32> to vector<16xf32>
      %add3A_230 = arith.constant 0.000000e+00 : f32
      %add3A_231 = vector.broadcast %add3A_230 : f32 to vector<16xf32>
      %add3A_232 = arith.addf %add3A_231, %get3A_229 : vector<16xf32>
      %add3A_233 = arith.constant 2 : i32
      %add3A_234 = arith.addi %add3A_166, %add3A_233 : i32
      %get3A_235 = arith.index_cast %add3A_234 : i32 to index
      %get3A_236 = arith.constant 32 : index
      %get3A_237 = tpu.vector_load %arg5[%get3A_235, %get3A_236] {strides = array<i32>} : memref<400x64xf32, #tpu.memory_space<vmem>>, vector<1x16xf32>,
      %get3A_238 = vector.shape_cast %get3A_237 : vector<1x16xf32> to vector<16xf32>
      %add3A_239 = arith.addf %add3A_232, %get3A_238 : vector<16xf32>
      %add3A_240 = arith.constant 3 : i32
      %add3A_241 = arith.addi %add3A_166, %add3A_240 : i32
      %get3A_242 = arith.index_cast %add3A_241 : i32 to index
      %get3A_243 = arith.constant 32 : index
      %get3A_244 = tpu.vector_load %arg5[%get3A_242, %get3A_243] {strides = array<i32>} : memref<400x64xf32, #tpu.memory_space<vmem>>, vector<1x16xf32>,
      %get3A_245 = vector.shape_cast %get3A_244 : vector<1x16xf32> to vector<16xf32>
      %add3A_246 = arith.addf %add3A_239, %get3A_245 : vector<16xf32>
      %add3A_247 = arith.addf %scan3A_161, %add3A_246 : vector<16xf32>
      %get3A_248 = arith.index_cast %add3A_166 : i32 to index
      %get3A_249 = arith.constant 32 : index
      %get3A_250 = tpu.vector_load %arg5[%get3A_248, %get3A_249] {strides = array<i32>} : memref<400x64xf32, #tpu.memory_space<vmem>>, vector<1x16xf32>,
      %get3A_251 = vector.shape_cast %get3A_250 : vector<1x16xf32> to vector<16xf32>
      %add3A_252 = arith.addf %add3A_247, %get3A_251 : vector<16xf32>
      %add3A_253 = arith.constant 1 : i32
      %add3A_254 = arith.addi %add3A_166, %add3A_253 : i32
      %get3A_255 = arith.index_cast %add3A_254 : i32 to index
      %get3A_256 = arith.constant 48 : index
      %get3A_257 = tpu.vector_load %arg5[%get3A_255, %get3A_256] {strides = array<i32>} : memref<400x64xf32, #tpu.memory_space<vmem>>, vector<1x16xf32>,
      %get3A_258 = vector.shape_cast %get3A_257 : vector<1x16xf32> to vector<16xf32>
      %add3A_259 = arith.constant 0.000000e+00 : f32
      %add3A_260 = vector.broadcast %add3A_259 : f32 to vector<16xf32>
      %add3A_261 = arith.addf %add3A_260, %get3A_258 : vector<16xf32>
      %add3A_262 = arith.constant 2 : i32
      %add3A_263 = arith.addi %add3A_166, %add3A_262 : i32
      %get3A_264 = arith.index_cast %add3A_263 : i32 to index
      %get3A_265 = arith.constant 48 : index
      %get3A_266 = tpu.vector_load %arg5[%get3A_264, %get3A_265] {strides = array<i32>} : memref<400x64xf32, #tpu.memory_space<vmem>>, vector<1x16xf32>,
      %get3A_267 = vector.shape_cast %get3A_266 : vector<1x16xf32> to vector<16xf32>
      %add3A_268 = arith.addf %add3A_261, %get3A_267 : vector<16xf32>
      %add3A_269 = arith.constant 3 : i32
      %add3A_270 = arith.addi %add3A_166, %add3A_269 : i32
      %get3A_271 = arith.index_cast %add3A_270 : i32 to index
      %get3A_272 = arith.constant 48 : index
      %get3A_273 = tpu.vector_load %arg5[%get3A_271, %get3A_272] {strides = array<i32>} : memref<400x64xf32, #tpu.memory_space<vmem>>, vector<1x16xf32>,
      %get3A_274 = vector.shape_cast %get3A_273 : vector<1x16xf32> to vector<16xf32>
      %add3A_275 = arith.addf %add3A_268, %get3A_274 : vector<16xf32>
      %add3A_276 = arith.addf %scan3A_162, %add3A_275 : vector<16xf32>
      %get3A_277 = arith.index_cast %add3A_166 : i32 to index
      %get3A_278 = arith.constant 48 : index
      %get3A_279 = tpu.vector_load %arg5[%get3A_277, %get3A_278] {strides = array<i32>} : memref<400x64xf32, #tpu.memory_space<vmem>>, vector<1x16xf32>,
      %get3A_280 = vector.shape_cast %get3A_279 : vector<1x16xf32> to vector<16xf32>
      %add3A_281 = arith.addf %add3A_276, %get3A_280 : vector<16xf32>
      scf.yield %add3A_194, %add3A_223, %add3A_252, %add3A_281 : vector<16xf32>, vector<16xf32>, vector<16xf32>, vector<16xf32>
    }
    %scan3A_101 = arith.constant 50 : i32
    %swap3A_102 = arith.constant 70 : i32
    %swap3A_103 = arith.index_cast %swap3A_102 : i32 to index
    %swap3A_104 = arith.constant 0 : index
    %swap3A_105 = tpu.vector_load %arg6[%swap3A_103, %swap3A_104] {strides = array<i32>} : memref<72x64xf32, #tpu.memory_space<vmem>>, vector<1x16xf32>,
    %swap3A_106 = vector.shape_cast %swap3A_105 : vector<1x16xf32> to vector<16xf32>
    %swap3A_107 = vector.shape_cast %scan3A_100#0 : vector<16xf32> to vector<1x16xf32>
    tpu.vector_store %arg6[%swap3A_103, %swap3A_104], %swap3A_107 {strides = array<i32>} : memref<72x64xf32, #tpu.memory_space<vmem>>, vector<1x16xf32>,
    %swap3A_108 = arith.constant 70 : i32
    %swap3A_109 = arith.index_cast %swap3A_108 : i32 to index
    %swap3A_110 = arith.constant 16 : index
    %swap3A_111 = tpu.vector_load %arg6[%swap3A_109, %swap3A_110] {strides = array<i32>} : memref<72x64xf32, #tpu.memory_space<vmem>>, vector<1x16xf32>,
    %swap3A_112 = vector.shape_cast %swap3A_111 : vector<1x16xf32> to vector<16xf32>
    %swap3A_113 = vector.shape_cast %scan3A_100#1 : vector<16xf32> to vector<1x16xf32>
    tpu.vector_store %arg6[%swap3A_109, %swap3A_110], %swap3A_113 {strides = array<i32>} : memref<72x64xf32, #tpu.memory_space<vmem>>, vector<1x16xf32>,
    %swap3A_114 = arith.constant 70 : i32
    %swap3A_115 = arith.index_cast %swap3A_114 : i32 to index
    %swap3A_116 = arith.constant 32 : index
    %swap3A_117 = tpu.vector_load %arg6[%swap3A_115, %swap3A_116] {strides = array<i32>} : memref<72x64xf32, #tpu.memory_space<vmem>>, vector<1x16xf32>,
    %swap3A_118 = vector.shape_cast %swap3A_117 : vector<1x16xf32> to vector<16xf32>
    %swap3A_119 = vector.shape_cast %scan3A_100#2 : vector<16xf32> to vector<1x16xf32>
    tpu.vector_store %arg6[%swap3A_115, %swap3A_116], %swap3A_119 {strides = array<i32>} : memref<72x64xf32, #tpu.memory_space<vmem>>, vector<1x16xf32>,
    %swap3A_120 = arith.constant 70 : i32
    %swap3A_121 = arith.index_cast %swap3A_120 : i32 to index
    %swap3A_122 = arith.constant 48 : index
    %swap3A_123 = tpu.vector_load %arg6[%swap3A_121, %swap3A_122] {strides = array<i32>} : memref<72x64xf32, #tpu.memory_space<vmem>>, vector<1x16xf32>,
    %swap3A_124 = vector.shape_cast %swap3A_123 : vector<1x16xf32> to vector<16xf32>
    %swap3A_125 = vector.shape_cast %scan3A_100#3 : vector<16xf32> to vector<1x16xf32>
    tpu.vector_store %arg6[%swap3A_121, %swap3A_122], %swap3A_125 {strides = array<i32>} : memref<72x64xf32, #tpu.memory_space<vmem>>, vector<1x16xf32>,
    %broadcast_in_dim3A_126 = arith.constant 0.000000e+00 : f32
    %broadcast_in_dim3A_127 = vector.broadcast %broadcast_in_dim3A_126 : f32 to vector<16xf32>
    %scan3A_128 = arith.constant 0 : i32
    %scan3A_129 = arith.constant 50 : i32
    %scan3A_130 = arith.addi %scan3A_128, %scan3A_129 : i32
    %scan3A_131 = arith.constant 1 : i32
    %scan3A_132:4 = scf.for %scan3A_158 = %scan3A_128 to %scan3A_130 step %scan3A_131 iter_args(%scan3A_159 = %broadcast_in_dim3A_127, %scan3A_160 = %broadcast_in_dim3A_127, %scan3A_161 = %broadcast_in_dim3A_127, %scan3A_162 = %broadcast_in_dim3A_127) -> (vector<16xf32>, vector<16xf32>, vector<16xf32>, vector<16xf32>)  : i32 {
      %mul3A_163 = arith.constant 4 : i32
      %mul3A_164 = arith.muli %scan3A_158, %mul3A_163 : i32
      %add3A_165 = arith.constant 200 : i32
      %add3A_166 = arith.addi %add3A_165, %mul3A_164 : i32
      %add3A_167 = arith.constant 1 : i32
      %add3A_168 = arith.addi %add3A_166, %add3A_167 : i32
      %get3A = arith.index_cast %add3A_168 : i32 to index
      %get3A_169 = arith.constant 0 : index
      %get3A_170 = tpu.vector_load %arg5[%get3A, %get3A_169] {strides = array<i32>} : memref<400x64xf32, #tpu.memory_space<vmem>>, vector<1x16xf32>,
      %get3A_171 = vector.shape_cast %get3A_170 : vector<1x16xf32> to vector<16xf32>
      %add3A_172 = arith.constant 0.000000e+00 : f32
      %add3A_173 = vector.broadcast %add3A_172 : f32 to vector<16xf32>
      %add3A_174 = arith.addf %add3A_173, %get3A_171 : vector<16xf32>
      %add3A_175 = arith.constant 2 : i32
      %add3A_176 = arith.addi %add3A_166, %add3A_175 : i32
      %get3A_177 = arith.index_cast %add3A_176 : i32 to index
      %get3A_178 = arith.constant 0 : index
      %get3A_179 = tpu.vector_load %arg5[%get3A_177, %get3A_178] {strides = array<i32>} : memref<400x64xf32, #tpu.memory_space<vmem>>, vector<1x16xf32>,
      %get3A_180 = vector.shape_cast %get3A_179 : vector<1x16xf32> to vector<16xf32>
      %add3A_181 = arith.addf %add3A_174, %get3A_180 : vector<16xf32>
      %add3A_182 = arith.constant 3 : i32
      %add3A_183 = arith.addi %add3A_166, %add3A_182 : i32
      %get3A_184 = arith.index_cast %add3A_183 : i32 to index
      %get3A_185 = arith.constant 0 : index
      %get3A_186 = tpu.vector_load %arg5[%get3A_184, %get3A_185] {strides = array<i32>} : memref<400x64xf32, #tpu.memory_space<vmem>>, vector<1x16xf32>,
      %get3A_187 = vector.shape_cast %get3A_186 : vector<1x16xf32> to vector<16xf32>
      %add3A_188 = arith.addf %add3A_181, %get3A_187 : vector<16xf32>
      %add3A_189 = arith.addf %scan3A_159, %add3A_188 : vector<16xf32>
      %get3A_190 = arith.index_cast %add3A_166 : i32 to index
      %get3A_191 = arith.constant 0 : index
      %get3A_192 = tpu.vector_load %arg5[%get3A_190, %get3A_191] {strides = array<i32>} : memref<400x64xf32, #tpu.memory_space<vmem>>, vector<1x16xf32>,
      %get3A_193 = vector.shape_cast %get3A_192 : vector<1x16xf32> to vector<16xf32>
      %add3A_194 = arith.addf %add3A_189, %get3A_193 : vector<16xf32>
      %add3A_195 = arith.constant 1 : i32
      %add3A_196 = arith.addi %add3A_166, %add3A_195 : i32
      %get3A_197 = arith.index_cast %add3A_196 : i32 to index
      %get3A_198 = arith.constant 16 : index
      %get3A_199 = tpu.vector_load %arg5[%get3A_197, %get3A_198] {strides = array<i32>} : memref<400x64xf32, #tpu.memory_space<vmem>>, vector<1x16xf32>,
      %get3A_200 = vector.shape_cast %get3A_199 : vector<1x16xf32> to vector<16xf32>
      %add3A_201 = arith.constant 0.000000e+00 : f32
      %add3A_202 = vector.broadcast %add3A_201 : f32 to vector<16xf32>
      %add3A_203 = arith.addf %add3A_202, %get3A_200 : vector<16xf32>
      %add3A_204 = arith.constant 2 : i32
      %add3A_205 = arith.addi %add3A_166, %add3A_204 : i32
      %get3A_206 = arith.index_cast %add3A_205 : i32 to index
      %get3A_207 = arith.constant 16 : index
      %get3A_208 = tpu.vector_load %arg5[%get3A_206, %get3A_207] {strides = array<i32>} : memref<400x64xf32, #tpu.memory_space<vmem>>, vector<1x16xf32>,
      %get3A_209 = vector.shape_cast %get3A_208 : vector<1x16xf32> to vector<16xf32>
      %add3A_210 = arith.addf %add3A_203, %get3A_209 : vector<16xf32>
      %add3A_211 = arith.constant 3 : i32
      %add3A_212 = arith.addi %add3A_166, %add3A_211 : i32
      %get3A_213 = arith.index_cast %add3A_212 : i32 to index
      %get3A_214 = arith.constant 16 : index
      %get3A_215 = tpu.vector_load %arg5[%get3A_213, %get3A_214] {strides = array<i32>} : memref<400x64xf32, #tpu.memory_space<vmem>>, vector<1x16xf32>,
      %get3A_216 = vector.shape_cast %get3A_215 : vector<1x16xf32> to vector<16xf32>
      %add3A_217 = arith.addf %add3A_210, %get3A_216 : vector<16xf32>
      %add3A_218 = arith.addf %scan3A_160, %add3A_217 : vector<16xf32>
      %get3A_219 = arith.index_cast %add3A_166 : i32 to index
      %get3A_220 = arith.constant 16 : index
      %get3A_221 = tpu.vector_load %arg5[%get3A_219, %get3A_220] {strides = array<i32>} : memref<400x64xf32, #tpu.memory_space<vmem>>, vector<1x16xf32>,
      %get3A_222 = vector.shape_cast %get3A_221 : vector<1x16xf32> to vector<16xf32>
      %add3A_223 = arith.addf %add3A_218, %get3A_222 : vector<16xf32>
      %add3A_224 = arith.constant 1 : i32
      %add3A_225 = arith.addi %add3A_166, %add3A_224 : i32
      %get3A_226 = arith.index_cast %add3A_225 : i32 to index
      %get3A_227 = arith.constant 32 : index
      %get3A_228 = tpu.vector_load %arg5[%get3A_226, %get3A_227] {strides = array<i32>} : memref<400x64xf32, #tpu.memory_space<vmem>>, vector<1x16xf32>,
      %get3A_229 = vector.shape_cast %get3A_228 : vector<1x16xf32> to vector<16xf32>
      %add3A_230 = arith.constant 0.000000e+00 : f32
      %add3A_231 = vector.broadcast %add3A_230 : f32 to vector<16xf32>
      %add3A_232 = arith.addf %add3A_231, %get3A_229 : vector<16xf32>
      %add3A_233 = arith.constant 2 : i32
      %add3A_234 = arith.addi %add3A_166, %add3A_233 : i32
      %get3A_235 = arith.index_cast %add3A_234 : i32 to index
      %get3A_236 = arith.constant 32 : index
      %get3A_237 = tpu.vector_load %arg5[%get3A_235, %get3A_236] {strides = array<i32>} : memref<400x64xf32, #tpu.memory_space<vmem>>, vector<1x16xf32>,
      %get3A_238 = vector.shape_cast %get3A_237 : vector<1x16xf32> to vector<16xf32>
      %add3A_239 = arith.addf %add3A_232, %get3A_238 : vector<16xf32>
      %add3A_240 = arith.constant 3 : i32
      %add3A_241 = arith.addi %add3A_166, %add3A_240 : i32
      %get3A_242 = arith.index_cast %add3A_241 : i32 to index
      %get3A_243 = arith.constant 32 : index
      %get3A_244 = tpu.vector_load %arg5[%get3A_242, %get3A_243] {strides = array<i32>} : memref<400x64xf32, #tpu.memory_space<vmem>>, vector<1x16xf32>,
      %get3A_245 = vector.shape_cast %get3A_244 : vector<1x16xf32> to vector<16xf32>
      %add3A_246 = arith.addf %add3A_239, %get3A_245 : vector<16xf32>
      %add3A_247 = arith.addf %scan3A_161, %add3A_246 : vector<16xf32>
      %get3A_248 = arith.index_cast %add3A_166 : i32 to index
      %get3A_249 = arith.constant 32 : index
      %get3A_250 = tpu.vector_load %arg5[%get3A_248, %get3A_249] {strides = array<i32>} : memref<400x64xf32, #tpu.memory_space<vmem>>, vector<1x16xf32>,
      %get3A_251 = vector.shape_cast %get3A_250 : vector<1x16xf32> to vector<16xf32>
      %add3A_252 = arith.addf %add3A_247, %get3A_251 : vector<16xf32>
      %add3A_253 = arith.constant 1 : i32
      %add3A_254 = arith.addi %add3A_166, %add3A_253 : i32
      %get3A_255 = arith.index_cast %add3A_254 : i32 to index
      %get3A_256 = arith.constant 48 : index
      %get3A_257 = tpu.vector_load %arg5[%get3A_255, %get3A_256] {strides = array<i32>} : memref<400x64xf32, #tpu.memory_space<vmem>>, vector<1x16xf32>,
      %get3A_258 = vector.shape_cast %get3A_257 : vector<1x16xf32> to vector<16xf32>
      %add3A_259 = arith.constant 0.000000e+00 : f32
      %add3A_260 = vector.broadcast %add3A_259 : f32 to vector<16xf32>
      %add3A_261 = arith.addf %add3A_260, %get3A_258 : vector<16xf32>
      %add3A_262 = arith.constant 2 : i32
      %add3A_263 = arith.addi %add3A_166, %add3A_262 : i32
      %get3A_264 = arith.index_cast %add3A_263 : i32 to index
      %get3A_265 = arith.constant 48 : index
      %get3A_266 = tpu.vector_load %arg5[%get3A_264, %get3A_265] {strides = array<i32>} : memref<400x64xf32, #tpu.memory_space<vmem>>, vector<1x16xf32>,
      %get3A_267 = vector.shape_cast %get3A_266 : vector<1x16xf32> to vector<16xf32>
      %add3A_268 = arith.addf %add3A_261, %get3A_267 : vector<16xf32>
      %add3A_269 = arith.constant 3 : i32
      %add3A_270 = arith.addi %add3A_166, %add3A_269 : i32
      %get3A_271 = arith.index_cast %add3A_270 : i32 to index
      %get3A_272 = arith.constant 48 : index
      %get3A_273 = tpu.vector_load %arg5[%get3A_271, %get3A_272] {strides = array<i32>} : memref<400x64xf32, #tpu.memory_space<vmem>>, vector<1x16xf32>,
      %get3A_274 = vector.shape_cast %get3A_273 : vector<1x16xf32> to vector<16xf32>
      %add3A_275 = arith.addf %add3A_268, %get3A_274 : vector<16xf32>
      %add3A_276 = arith.addf %scan3A_162, %add3A_275 : vector<16xf32>
      %get3A_277 = arith.index_cast %add3A_166 : i32 to index
      %get3A_278 = arith.constant 48 : index
      %get3A_279 = tpu.vector_load %arg5[%get3A_277, %get3A_278] {strides = array<i32>} : memref<400x64xf32, #tpu.memory_space<vmem>>, vector<1x16xf32>,
      %get3A_280 = vector.shape_cast %get3A_279 : vector<1x16xf32> to vector<16xf32>
      %add3A_281 = arith.addf %add3A_276, %get3A_280 : vector<16xf32>
      scf.yield %add3A_194, %add3A_223, %add3A_252, %add3A_281 : vector<16xf32>, vector<16xf32>, vector<16xf32>, vector<16xf32>
    }
    %scan3A_133 = arith.constant 50 : i32
    %swap3A_134 = arith.constant 71 : i32
    %swap3A_135 = arith.index_cast %swap3A_134 : i32 to index
    %swap3A_136 = arith.constant 0 : index
    %swap3A_137 = tpu.vector_load %arg6[%swap3A_135, %swap3A_136] {strides = array<i32>} : memref<72x64xf32, #tpu.memory_space<vmem>>, vector<1x16xf32>,
    %swap3A_138 = vector.shape_cast %swap3A_137 : vector<1x16xf32> to vector<16xf32>
    %swap3A_139 = vector.shape_cast %scan3A_132#0 : vector<16xf32> to vector<1x16xf32>
    tpu.vector_store %arg6[%swap3A_135, %swap3A_136], %swap3A_139 {strides = array<i32>} : memref<72x64xf32, #tpu.memory_space<vmem>>, vector<1x16xf32>,
    %swap3A_140 = arith.constant 71 : i32
    %swap3A_141 = arith.index_cast %swap3A_140 : i32 to index
    %swap3A_142 = arith.constant 16 : index
    %swap3A_143 = tpu.vector_load %arg6[%swap3A_141, %swap3A_142] {strides = array<i32>} : memref<72x64xf32, #tpu.memory_space<vmem>>, vector<1x16xf32>,
    %swap3A_144 = vector.shape_cast %swap3A_143 : vector<1x16xf32> to vector<16xf32>
    %swap3A_145 = vector.shape_cast %scan3A_132#1 : vector<16xf32> to vector<1x16xf32>
    tpu.vector_store %arg6[%swap3A_141, %swap3A_142], %swap3A_145 {strides = array<i32>} : memref<72x64xf32, #tpu.memory_space<vmem>>, vector<1x16xf32>,
    %swap3A_146 = arith.constant 71 : i32
    %swap3A_147 = arith.index_cast %swap3A_146 : i32 to index
    %swap3A_148 = arith.constant 32 : index
    %swap3A_149 = tpu.vector_load %arg6[%swap3A_147, %swap3A_148] {strides = array<i32>} : memref<72x64xf32, #tpu.memory_space<vmem>>, vector<1x16xf32>,
    %swap3A_150 = vector.shape_cast %swap3A_149 : vector<1x16xf32> to vector<16xf32>
    %swap3A_151 = vector.shape_cast %scan3A_132#2 : vector<16xf32> to vector<1x16xf32>
    tpu.vector_store %arg6[%swap3A_147, %swap3A_148], %swap3A_151 {strides = array<i32>} : memref<72x64xf32, #tpu.memory_space<vmem>>, vector<1x16xf32>,
    %swap3A_152 = arith.constant 71 : i32
    %swap3A_153 = arith.index_cast %swap3A_152 : i32 to index
    %swap3A_154 = arith.constant 48 : index
    %swap3A_155 = tpu.vector_load %arg6[%swap3A_153, %swap3A_154] {strides = array<i32>} : memref<72x64xf32, #tpu.memory_space<vmem>>, vector<1x16xf32>,
    %swap3A_156 = vector.shape_cast %swap3A_155 : vector<1x16xf32> to vector<16xf32>
    %swap3A_157 = vector.shape_cast %scan3A_132#3 : vector<16xf32> to vector<1x16xf32>
    tpu.vector_store %arg6[%swap3A_153, %swap3A_154], %swap3A_157 {strides = array<i32>} : memref<72x64xf32, #tpu.memory_space<vmem>>, vector<1x16xf32>,
    "tpu.region"() ({
      %run_scoped3A = tpu.sem_alloc : memref<!tpu.dma_semaphore, #tpu.memory_space<semaphore_mem>>
      %dma_start3A_158 = arith.constant 0 : i32
      %dma_start3A_159 = tpu.memref_slice %arg3[%multiple_of3A, %dma_start3A_158] : memref<2304x64xf32, #tpu.memory_space<hbm>> -> memref<72x64xf32, #tpu.memory_space<hbm>>
      %dma_start3A_160 = arith.constant 0 : i32
      %dma_start3A_161 = tpu.memref_slice %arg3[%multiple_of3A, %dma_start3A_160] : memref<2304x64xf32, #tpu.memory_space<hbm>> -> memref<72x64xf32, #tpu.memory_space<hbm>>
      tpu.enqueue_dma source(%arg6 : memref<72x64xf32, #tpu.memory_space<vmem>>) target(%dma_start3A_161 : memref<72x64xf32, #tpu.memory_space<hbm>>) target_semaphore(%run_scoped3A : memref<!tpu.dma_semaphore, #tpu.memory_space<semaphore_mem>>)
      %dma_wait3A_162 = arith.constant 0 : i32
      %dma_wait3A_163 = tpu.memref_slice %arg3[%multiple_of3A, %dma_wait3A_162] : memref<2304x64xf32, #tpu.memory_space<hbm>> -> memref<72x64xf32, #tpu.memory_space<hbm>>
      %dma_wait3A_164 = arith.constant 0 : i32
      %dma_wait3A_165 = tpu.memref_slice %arg3[%multiple_of3A, %dma_wait3A_164] : memref<2304x64xf32, #tpu.memory_space<hbm>> -> memref<72x64xf32, #tpu.memory_space<hbm>>
      tpu.wait_dma2 semaphore(%run_scoped3A : memref<!tpu.dma_semaphore, #tpu.memory_space<semaphore_mem>>) src(%arg6 : memref<72x64xf32, #tpu.memory_space<vmem>>) dst(%dma_wait3A_165 : memref<72x64xf32, #tpu.memory_space<hbm>>)
      tpu.yield
    }) : () -> ()
    return
  }
}

module attributes {stable_mosaic.version = 14 : i64} {
  func.func @_tc_reduce_body(%arg0: i32, %arg1: memref<3200x64xf32, #tpu.memory_space<vmem>>, %arg2: memref<16x64xf32, #tpu.memory_space<vmem>>) attributes {dimension_semantics = [#tpu.dimension_semantics<arbitrary>], iteration_bounds = array<i64: 112>, scalar_prefetch = 0 : i64, scratch_operands = 0 : i64, tpu.core_type = #tpu.core_type<tc>, window_params = [{transform_indices = @transform_0, window_bounds = array<i64: 3200, 64>}, {transform_indices = @transform_1, window_bounds = array<i64: 16, 64>}]} {
    %get3A = arith.constant 0 : index
    %get3A_0 = arith.constant 0 : index
    %get3A_1 = vector.load %arg1[%get3A, %get3A_0] : memref<3200x64xf32, #tpu.memory_space<vmem>>, vector<3200x64xf32>
    %reshape3A = vector.shape_cast %get3A_1 : vector<3200x64xf32> to vector<16x200x64xf32>
    %reduce_sum3A = arith.constant dense<0.000000e+00> : vector<16x64xf32>
    %reduce_sum3A_2 = vector.multi_reduction <add>, %reshape3A, %reduce_sum3A [1] : vector<16x200x64xf32> to vector<16x64xf32>
    %swap3A = arith.constant 0 : index
    %swap3A_3 = arith.constant 0 : index
    %swap3A_4 = vector.load %arg2[%swap3A, %swap3A_3] : memref<16x64xf32, #tpu.memory_space<vmem>>, vector<16x64xf32>
    tpu.vector_store %arg2[%swap3A, %swap3A_3], %reduce_sum3A_2 {strides = array<i32>} : memref<16x64xf32, #tpu.memory_space<vmem>>, vector<16x64xf32>,
    return
  }
  func.func @transform_0(%arg0: i32) -> (i32, i32) {
    %c0_i32 = arith.constant 0 : i32
    %c0_i32_0 = arith.constant 0 : i32
    return %arg0, %c0_i32 : i32, i32
  }
  func.func @transform_1(%arg0: i32) -> (i32, i32) {
    %c0_i32 = arith.constant 0 : i32
    %c0_i32_0 = arith.constant 0 : i32
    return %arg0, %c0_i32 : i32, i32
  }
}

module attributes {stable_mosaic.version = 14 : i64} {
  func.func @_tc_body(%arg0: i32, %arg1: memref<512x200xi32, #tpu.memory_space<vmem>>, %arg2: memref<512x64xf32, #tpu.memory_space<vmem>>, %arg3: memref<512x64xf32, #tpu.memory_space<vmem>>, %arg4: memref<512x64xf32, #tpu.memory_space<vmem>>, %arg5: memref<64x64xf32, #tpu.memory_space<vmem>>, %arg6: memref<1x64xf32, #tpu.memory_space<vmem>>, %arg7: memref<64x128xf32, #tpu.memory_space<vmem>>, %arg8: memref<1x128xf32, #tpu.memory_space<vmem>>, %arg9: memref<64x64xf32, #tpu.memory_space<vmem>>, %arg10: memref<1x64xf32, #tpu.memory_space<vmem>>, %arg11: memref<64x64xf32, #tpu.memory_space<vmem>>, %arg12: memref<1x64xf32, #tpu.memory_space<vmem>>, %arg13: memref<512x1xf32, #tpu.memory_space<vmem>>, %arg14: memref<512x1xf32, #tpu.memory_space<vmem>>, %arg15: memref<512x64xf32, #tpu.memory_space<vmem>>, %arg16: memref<512x64xf32, #tpu.memory_space<vmem>>) attributes {dimension_semantics = [#tpu.dimension_semantics<arbitrary>], iteration_bounds = array<i64: 8>, scalar_prefetch = 0 : i64, scratch_operands = 0 : i64, tpu.core_type = #tpu.core_type<tc>, window_params = [{transform_indices = @transform_0, window_bounds = array<i64: 512, 200>}, {transform_indices = @transform_1, window_bounds = array<i64: 512, 64>}, {transform_indices = @transform_2, window_bounds = array<i64: 512, 64>}, {transform_indices = @transform_3, window_bounds = array<i64: 512, 64>}, {pipeline_mode = #tpu.pipeline_mode<synchronous>, transform_indices = @transform_4, window_bounds = array<i64: 64, 64>}, {pipeline_mode = #tpu.pipeline_mode<synchronous>, transform_indices = @transform_5, window_bounds = array<i64: 1, 64>}, {pipeline_mode = #tpu.pipeline_mode<synchronous>, transform_indices = @transform_6, window_bounds = array<i64: 64, 128>}, {pipeline_mode = #tpu.pipeline_mode<synchronous>, transform_indices = @transform_7, window_bounds = array<i64: 1, 128>}, {pipeline_mode = #tpu.pipeline_mode<synchronous>, transform_indices = @transform_8, window_bounds = array<i64: 64, 64>}, {pipeline_mode = #tpu.pipeline_mode<synchronous>, transform_indices = @transform_9, window_bounds = array<i64: 1, 64>}, {pipeline_mode = #tpu.pipeline_mode<synchronous>, transform_indices = @transform_10, window_bounds = array<i64: 64, 64>}, {pipeline_mode = #tpu.pipeline_mode<synchronous>, transform_indices = @transform_11, window_bounds = array<i64: 1, 64>}, {transform_indices = @transform_12, window_bounds = array<i64: 512, 1>}, {transform_indices = @transform_13, window_bounds = array<i64: 512, 1>}, {transform_indices = @transform_14, window_bounds = array<i64: 512, 64>}, {transform_indices = @transform_15, window_bounds = array<i64: 512, 64>}]} {
    %get3A = arith.constant 0 : index
    %get3A_0 = arith.constant 0 : index
    %get3A_1 = vector.load %arg1[%get3A, %get3A_0] : memref<512x200xi32, #tpu.memory_space<vmem>>, vector<512x200xi32>
    %ne3A = arith.constant 0 : i32
    %ne3A_2 = vector.broadcast %ne3A : i32 to vector<512x200xi32>
    %ne3A_3 = arith.cmpi ne, %get3A_1, %ne3A_2 : vector<512x200xi32>
    %convert_element_type3A = arith.extui %ne3A_3 : vector<512x200xi1> to vector<512x200xi32>
    %convert_element_type3A_4 = arith.sitofp %convert_element_type3A : vector<512x200xi32> to vector<512x200xf32>
    %reduce_sum3A = arith.constant dense<0.000000e+00> : vector<512xf32>
    %reduce_sum3A_5 = vector.multi_reduction <add>, %convert_element_type3A_4, %reduce_sum3A [1] : vector<512x200xf32> to vector<512xf32>
    %broadcast_in_dim3A = vector.shape_cast %reduce_sum3A_5 : vector<512xf32> to vector<512x1xf32>
    %max3A = arith.constant 1.000000e+00 : f32
    %max3A_6 = vector.broadcast %max3A : f32 to vector<512x1xf32>
    %max3A_7 = arith.maximumf %broadcast_in_dim3A, %max3A_6 : vector<512x1xf32>
    %rsqrt3A = math.rsqrt %max3A_7 : vector<512x1xf32>
    %get3A_8 = arith.constant 0 : index
    %get3A_9 = arith.constant 0 : index
    %get3A_10 = vector.load %arg2[%get3A_8, %get3A_9] : memref<512x64xf32, #tpu.memory_space<vmem>>, vector<512x64xf32>
    %mul3A = vector.broadcast %rsqrt3A : vector<512x1xf32> to vector<512x64xf32>
    %mul3A_11 = arith.mulf %get3A_10, %mul3A : vector<512x64xf32>
    %get3A_12 = arith.constant 0 : index
    %get3A_13 = arith.constant 0 : index
    %get3A_14 = vector.load %arg5[%get3A_12, %get3A_13] : memref<64x64xf32, #tpu.memory_space<vmem>>, vector<64x64xf32>
    %dot_general3A = arith.constant dense<0.000000e+00> : vector<512x64xf32>
    %dot_general3A_15 = tpu.matmul %mul3A_11, %get3A_14, %dot_general3A {dimension_numbers = #tpu.dot_dimension_numbers<[1], [0], [0], [1], [0, 0, 1, 1], [], []>, transpose_lhs_hint = false} : vector<512x64xf32>, vector<64x64xf32>, vector<512x64xf32> -> vector<512x64xf32>
    %get3A_16 = arith.constant 0 : index
    %get3A_17 = arith.constant 0 : index
    %get3A_18 = vector.load %arg6[%get3A_16, %get3A_17] : memref<1x64xf32, #tpu.memory_space<vmem>>, vector<1x64xf32>
    %add3A = vector.broadcast %get3A_18 : vector<1x64xf32> to vector<512x64xf32>
    %add3A_19 = arith.addf %dot_general3A_15, %add3A : vector<512x64xf32>
    %tanh3A = math.tanh %add3A_19 : vector<512x64xf32>
    %get3A_20 = arith.constant 0 : index
    %get3A_21 = arith.constant 0 : index
    %get3A_22 = vector.load %arg7[%get3A_20, %get3A_21] : memref<64x128xf32, #tpu.memory_space<vmem>>, vector<64x128xf32>
    %dot_general3A_23 = arith.constant dense<0.000000e+00> : vector<512x128xf32>
    %dot_general3A_24 = tpu.matmul %tanh3A, %get3A_22, %dot_general3A_23 {dimension_numbers = #tpu.dot_dimension_numbers<[1], [0], [0], [1], [0, 0, 1, 1], [], []>, transpose_lhs_hint = false} : vector<512x64xf32>, vector<64x128xf32>, vector<512x128xf32> -> vector<512x128xf32>
    %get3A_25 = arith.constant 0 : index
    %get3A_26 = arith.constant 0 : index
    %get3A_27 = vector.load %arg8[%get3A_25, %get3A_26] : memref<1x128xf32, #tpu.memory_space<vmem>>, vector<1x128xf32>
    %add3A_28 = vector.broadcast %get3A_27 : vector<1x128xf32> to vector<512x128xf32>
    %add3A_29 = arith.addf %dot_general3A_24, %add3A_28 : vector<512x128xf32>
    %slice3A = vector.extract_strided_slice %add3A_29 {offsets = [0, 0], sizes = [512, 64], strides = [1, 1]} : vector<512x128xf32> to vector<512x64xf32>
    %swap3A = arith.constant 0 : index
    %swap3A_30 = arith.constant 0 : index
    %swap3A_31 = vector.load %arg15[%swap3A, %swap3A_30] : memref<512x64xf32, #tpu.memory_space<vmem>>, vector<512x64xf32>
    tpu.vector_store %arg15[%swap3A, %swap3A_30], %slice3A {strides = array<i32>} : memref<512x64xf32, #tpu.memory_space<vmem>>, vector<512x64xf32>,
    %slice3A_32 = vector.extract_strided_slice %add3A_29 {offsets = [0, 64], sizes = [512, 64], strides = [1, 1]} : vector<512x128xf32> to vector<512x64xf32>
    %swap3A_33 = arith.constant 0 : index
    %swap3A_34 = arith.constant 0 : index
    %swap3A_35 = vector.load %arg16[%swap3A_33, %swap3A_34] : memref<512x64xf32, #tpu.memory_space<vmem>>, vector<512x64xf32>
    tpu.vector_store %arg16[%swap3A_33, %swap3A_34], %slice3A_32 {strides = array<i32>} : memref<512x64xf32, #tpu.memory_space<vmem>>, vector<512x64xf32>,
    %get3A_36 = arith.constant 0 : index
    %get3A_37 = arith.constant 0 : index
    %get3A_38 = vector.load %arg9[%get3A_36, %get3A_37] : memref<64x64xf32, #tpu.memory_space<vmem>>, vector<64x64xf32>
    %dot_general3A_39 = arith.constant dense<0.000000e+00> : vector<512x64xf32>
    %dot_general3A_40 = tpu.matmul %slice3A, %get3A_38, %dot_general3A_39 {dimension_numbers = #tpu.dot_dimension_numbers<[1], [0], [0], [1], [0, 0, 1, 1], [], []>, transpose_lhs_hint = false} : vector<512x64xf32>, vector<64x64xf32>, vector<512x64xf32> -> vector<512x64xf32>
    %get3A_41 = arith.constant 0 : index
    %get3A_42 = arith.constant 0 : index
    %get3A_43 = vector.load %arg10[%get3A_41, %get3A_42] : memref<1x64xf32, #tpu.memory_space<vmem>>, vector<1x64xf32>
    %add3A_44 = vector.broadcast %get3A_43 : vector<1x64xf32> to vector<512x64xf32>
    %add3A_45 = arith.addf %dot_general3A_40, %add3A_44 : vector<512x64xf32>
    %tanh3A_46 = math.tanh %add3A_45 : vector<512x64xf32>
    %get3A_47 = arith.constant 0 : index
    %get3A_48 = arith.constant 0 : index
    %get3A_49 = vector.load %arg11[%get3A_47, %get3A_48] : memref<64x64xf32, #tpu.memory_space<vmem>>, vector<64x64xf32>
    %dot_general3A_50 = arith.constant dense<0.000000e+00> : vector<512x64xf32>
    %dot_general3A_51 = tpu.matmul %tanh3A_46, %get3A_49, %dot_general3A_50 {dimension_numbers = #tpu.dot_dimension_numbers<[1], [0], [0], [1], [0, 0, 1, 1], [], []>, transpose_lhs_hint = false} : vector<512x64xf32>, vector<64x64xf32>, vector<512x64xf32> -> vector<512x64xf32>
    %get3A_52 = arith.constant 0 : index
    %get3A_53 = arith.constant 0 : index
    %get3A_54 = vector.load %arg12[%get3A_52, %get3A_53] : memref<1x64xf32, #tpu.memory_space<vmem>>, vector<1x64xf32>
    %add3A_55 = vector.broadcast %get3A_54 : vector<1x64xf32> to vector<512x64xf32>
    %add3A_56 = arith.addf %dot_general3A_51, %add3A_55 : vector<512x64xf32>
    %get3A_57 = arith.constant 0 : index
    %get3A_58 = arith.constant 0 : index
    %get3A_59 = vector.load %arg3[%get3A_57, %get3A_58] : memref<512x64xf32, #tpu.memory_space<vmem>>, vector<512x64xf32>
    %mul3A_60 = arith.mulf %add3A_56, %get3A_59 : vector<512x64xf32>
    %reduce_sum3A_61 = arith.constant dense<0.000000e+00> : vector<512xf32>
    %reduce_sum3A_62 = vector.multi_reduction <add>, %mul3A_60, %reduce_sum3A_61 [1] : vector<512x64xf32> to vector<512xf32>
    %broadcast_in_dim3A_63 = vector.shape_cast %reduce_sum3A_62 : vector<512xf32> to vector<512x1xf32>
    %swap3A_64 = arith.constant 0 : index
    %swap3A_65 = arith.constant 0 : index
    %swap3A_66 = vector.load %arg13[%swap3A_64, %swap3A_65] : memref<512x1xf32, #tpu.memory_space<vmem>>, vector<512x1xf32>
    tpu.vector_store %arg13[%swap3A_64, %swap3A_65], %broadcast_in_dim3A_63 {strides = array<i32>} : memref<512x1xf32, #tpu.memory_space<vmem>>, vector<512x1xf32>,
    %get3A_67 = arith.constant 0 : index
    %get3A_68 = arith.constant 0 : index
    %get3A_69 = vector.load %arg4[%get3A_67, %get3A_68] : memref<512x64xf32, #tpu.memory_space<vmem>>, vector<512x64xf32>
    %mul3A_70 = arith.mulf %add3A_56, %get3A_69 : vector<512x64xf32>
    %reduce_sum3A_71 = arith.constant dense<0.000000e+00> : vector<512xf32>
    %reduce_sum3A_72 = vector.multi_reduction <add>, %mul3A_70, %reduce_sum3A_71 [1] : vector<512x64xf32> to vector<512xf32>
    %broadcast_in_dim3A_73 = vector.shape_cast %reduce_sum3A_72 : vector<512xf32> to vector<512x1xf32>
    %swap3A_74 = arith.constant 0 : index
    %swap3A_75 = arith.constant 0 : index
    %swap3A_76 = vector.load %arg14[%swap3A_74, %swap3A_75] : memref<512x1xf32, #tpu.memory_space<vmem>>, vector<512x1xf32>
    tpu.vector_store %arg14[%swap3A_74, %swap3A_75], %broadcast_in_dim3A_73 {strides = array<i32>} : memref<512x1xf32, #tpu.memory_space<vmem>>, vector<512x1xf32>,
    return
  }
  func.func @transform_0(%arg0: i32) -> (i32, i32) {
    %c0_i32 = arith.constant 0 : i32
    %c0_i32_0 = arith.constant 0 : i32
    return %arg0, %c0_i32 : i32, i32
  }
  func.func @transform_1(%arg0: i32) -> (i32, i32) {
    %c0_i32 = arith.constant 0 : i32
    %c0_i32_0 = arith.constant 0 : i32
    return %arg0, %c0_i32 : i32, i32
  }
  func.func @transform_2(%arg0: i32) -> (i32, i32) {
    %c0_i32 = arith.constant 0 : i32
    %c0_i32_0 = arith.constant 0 : i32
    return %arg0, %c0_i32 : i32, i32
  }
  func.func @transform_3(%arg0: i32) -> (i32, i32) {
    %c0_i32 = arith.constant 0 : i32
    %c0_i32_0 = arith.constant 0 : i32
    return %arg0, %c0_i32 : i32, i32
  }
  func.func @transform_4(%arg0: i32) -> (i32, i32) {
    %c0_i32 = arith.constant 0 : i32
    %c0_i32_0 = arith.constant 0 : i32
    %c0_i32_1 = arith.constant 0 : i32
    return %c0_i32, %c0_i32_0 : i32, i32
  }
  func.func @transform_5(%arg0: i32) -> (i32, i32) {
    %c0_i32 = arith.constant 0 : i32
    %c0_i32_0 = arith.constant 0 : i32
    %c0_i32_1 = arith.constant 0 : i32
    return %c0_i32, %c0_i32_0 : i32, i32
  }
  func.func @transform_6(%arg0: i32) -> (i32, i32) {
    %c0_i32 = arith.constant 0 : i32
    %c0_i32_0 = arith.constant 0 : i32
    %c0_i32_1 = arith.constant 0 : i32
    return %c0_i32, %c0_i32_0 : i32, i32
  }
  func.func @transform_7(%arg0: i32) -> (i32, i32) {
    %c0_i32 = arith.constant 0 : i32
    %c0_i32_0 = arith.constant 0 : i32
    %c0_i32_1 = arith.constant 0 : i32
    return %c0_i32, %c0_i32_0 : i32, i32
  }
  func.func @transform_8(%arg0: i32) -> (i32, i32) {
    %c0_i32 = arith.constant 0 : i32
    %c0_i32_0 = arith.constant 0 : i32
    %c0_i32_1 = arith.constant 0 : i32
    return %c0_i32, %c0_i32_0 : i32, i32
  }
  func.func @transform_9(%arg0: i32) -> (i32, i32) {
    %c0_i32 = arith.constant 0 : i32
    %c0_i32_0 = arith.constant 0 : i32
    %c0_i32_1 = arith.constant 0 : i32
    return %c0_i32, %c0_i32_0 : i32, i32
  }
  func.func @transform_10(%arg0: i32) -> (i32, i32) {
    %c0_i32 = arith.constant 0 : i32
    %c0_i32_0 = arith.constant 0 : i32
    %c0_i32_1 = arith.constant 0 : i32
    return %c0_i32, %c0_i32_0 : i32, i32
  }
  func.func @transform_11(%arg0: i32) -> (i32, i32) {
    %c0_i32 = arith.constant 0 : i32
    %c0_i32_0 = arith.constant 0 : i32
    %c0_i32_1 = arith.constant 0 : i32
    return %c0_i32, %c0_i32_0 : i32, i32
  }
  func.func @transform_12(%arg0: i32) -> (i32, i32) {
    %c0_i32 = arith.constant 0 : i32
    %c0_i32_0 = arith.constant 0 : i32
    return %arg0, %c0_i32 : i32, i32
  }
  func.func @transform_13(%arg0: i32) -> (i32, i32) {
    %c0_i32 = arith.constant 0 : i32
    %c0_i32_0 = arith.constant 0 : i32
    return %arg0, %c0_i32 : i32, i32
  }
  func.func @transform_14(%arg0: i32) -> (i32, i32) {
    %c0_i32 = arith.constant 0 : i32
    %c0_i32_0 = arith.constant 0 : i32
    return %arg0, %c0_i32 : i32, i32
  }
  func.func @transform_15(%arg0: i32) -> (i32, i32) {
    %c0_i32 = arith.constant 0 : i32
    %c0_i32_0 = arith.constant 0 : i32
    return %arg0, %c0_i32 : i32, i32
  }
}

</mosaic_0001>

<sc_bundles>
// kernel: gather_offload_async_start.1
scs
__scs_entry_jumppad:
0x0: {  	(pc) =	sbr.rel $0x88, $3  }
0x1: {  	(tag) =	ssettag $0x0;
	lr =	simm.s32 $0x1  }
0x2: {  	[smem:$0x3F94] =	sst lr;
	_ =	strace $0xD0000000  }
0x3: {  	_ = 	snop  }
0x4: {  	_ = 	snop  }
0x5: {  	_ = 	snop  }
0x6: {  	_ = 	snop  }
0x7: {  	_ = 	snop  }
__scs_overlays_trampoline_lowered:
0x8: {  	[smem:$0x3FA3] =	sst s0  }
0x9: {  	[smem:$0x3FA4] =	sst s1  }
0xa: {  	[smem:$0x3FA5] =	sst s2  }
0xb: {  	[smem:$0x3FA6] =	sst s3  }
0xc: {  	[smem:$0x3FA7] =	sst s4  }
0xd: {  	[smem:$0x3FA8] =	sst s5  }
0xe: {  	[smem:$0x3FA9] =	sst s6  }
0xf: {  	[smem:$0x3FAA] =	sst s7  }
0x10: {  	[smem:$0x3FAB] =	sst s8  }
0x11: {  	[smem:$0x3FAC] =	sst s9;
	s0 =	simm.s32 @!p0 $0x0  }
0x12: {  	s1 =	sld [smem:$0x3F92];
	s0 =	simm.s32 @p0 $0x1  }
0x13: {  	[smem:$0x3FAD] =	sst s0;
	s0 =	simm.s32 @!p1 $0x0  }
0x14: {  	s2 =	sld [smem:$0x3F91];
	s0 =	simm.s32 @p1 $0x1  }
0x15: {  	[smem:$0x3FAE] =	sst s0;
	s0 =	simm.s32 @!p2 $0x0  }
0x16: {  	s3 =	sld [smem:$0x3FDB];
	s0 =	simm.s32 @p2 $0x1  }
0x17: {  	s4 =	simm.s32 $0x1BF5;
	[smem:$0x3FB0] =	sst s0  }
0x18: {  	s0 =	sld [smem:$0x3F93];
	_ =	swait.ge [sflag:s4], $0x0  }
0x19: {  	s7 =	sld [smem:$0x3F94]  }
0x1a: {  	s8 =	sadd.s32 $0xFFFFE003, lr  }
0x1b: {  	s9 =	sadd.s32 $0xFFFFFEF7, lr;
	s5 =	simm.s32 $0xFFFFFFFF;
	p2 =	slt.u32 s8, $0xFFFFF086  }
0x1c: {  	p1 =	slt.u32 s9, $0xF7A;
	s5 =	simm.s32 @!p2 $0x0  }
0x1d: {  	s5 =	simm.s32 @p1 $0x1;
	p0 =	seq.s32 s7, s2  }
0x1e: {  	s7 =	smul.u32 @!p0 $0xF7A, s2;
	p2 =	seq.s32 @!p0 s5, $0x0  }
0x1f: {  	s9 =	smul.u32 $0xF7A, s1;
	s8 =	simm.s32 @!p0 $0x1BF5;
	p2 =	por !p2, p0  }
0x20: {  	[sflag:s8] =	ssyncset.s32 @!p0 $0xFFFFF086;
	s6 =	sadd.s32 @!p0 s3, s7;
	s7 =	simm.s32 @!p0 $0x108  }
0x21: {  	s3 =	sadd.s32 s3, s9;
	s6 =	sadd.s32 @!p0 $0x88, s6;
	s7 =	simm.s32 @p2 $0x1082  }
0x22: {  	[simem:s7], [sflag:s8] =	dma.local @!p0 [hbm:s6], $0xF7A  }
0x23: {  	s9 =	sor.u32 $0xD0000000, s2;
	s6 =	simm.s32 $0x108;
	_ =	swait.ge @!p0 [sflag:s8], $0x0  }
0x24: {  	s3 =	sadd.s32 $0x88, s3;
	s6 =	simm.s32 @!p1 $0x1082;
	[sflag:s4] =	ssyncset.s32 $0xFFFFF086  }
0x25: {  	[simem:s6], [sflag:s4] =	dma.local [hbm:s3], $0xF7A  }
0x26: {  	[smem:$0x3F94] =	sst s1;
	(tag) =	ssettag s2;
	_ =	strace s9  }
0x27: {  	s1 =	sld [smem:$0x3FA4]  }
0x28: {  	s2 =	sld [smem:$0x3FA5]  }
0x29: {  	s4 =	sld [smem:$0x3FA7]  }
0x2a: {  	p0 =	seq.s32 s5, $0x0;
	s5 =	sld [smem:$0x3FA8]  }
0x2b: {  	s6 =	sld [smem:$0x3FA9]  }
0x2c: {  	s7 =	sld [smem:$0x3FAA]  }
0x2d: {  	s3 =	simm.s32 $0x108;
	s8 =	sld [smem:$0x3FAB]  }
0x2e: {  	s3 =	simm.s32 @!p0 $0x1082;
	s9 =	sld [smem:$0x3FAC]  }
0x2f: {  	lr =	sadd.s32 s0, s3;
	s0 =	sld [smem:$0x3FA3]  }
0x30: {  	s3 =	sld [smem:$0x3FA6]  }
0x31: {  	[smem:$0x3FAF] =	sst s10  }
0x32: {  	s10 =	sld [smem:$0x3FAD];
	_ =	sdelay $0x3  }
0x33: {  	p0 =	seq.s32 s10, $0x1;
	s10 =	sld [smem:$0x3FAF];
	_ =	sdelay $0x3  }
0x34: {  	[smem:$0x3FAF] =	sst s10  }
0x35: {  	s10 =	sld [smem:$0x3FAE];
	_ =	sdelay $0x3  }
0x36: {  	p1 =	seq.s32 s10, $0x1;
	s10 =	sld [smem:$0x3FAF];
	_ =	sdelay $0x3  }
0x37: {  	[smem:$0x3FAF] =	sst s10  }
0x38: {  	s10 =	sld [smem:$0x3FB0]  }
0x39: {  	_ = 	snop;
	(pc) =	sbr.ind lr, $3  }
0x3a: {  	_ = 	snop  }
0x3b: {  	_ = 	snop  }
0x3c: {  	p2 =	seq.s32 s10, $0x1;
	s10 =	sld [smem:$0x3FAF]  }
0x3d: {  	_ =	shalt  }
0x3e: {  	_ =	shalt  }
0x3f: {  	_ =	shalt  }
0x40: {  	_ =	shalt  }
0x41: {  	_ =	shalt  }
0x42: {  	_ =	shalt  }
0x43: {  	_ =	shalt  }
0x44: {  	_ =	shalt  }
0x45: {  	_ =	shalt  }
0x46: {  	_ =	shalt  }
0x47: {  	_ =	shalt  }
0x48: {  	_ =	shalt  }
0x49: {  	_ =	shalt  }
0x4a: {  	_ =	shalt  }
0x4b: {  	_ =	shalt  }
0x4c: {  	_ =	shalt  }
0x4d: {  	_ =	shalt  }
0x4e: {  	_ =	shalt  }
0x4f: {  	_ =	shalt  }
0x50: {  	_ =	shalt  }
0x51: {  	_ =	shalt  }
0x52: {  	_ =	shalt  }
0x53: {  	_ =	shalt  }
0x54: {  	_ =	shalt  }
0x55: {  	_ =	shalt  }
0x56: {  	_ =	shalt  }
0x57: {  	_ =	shalt  }
0x58: {  	_ =	shalt  }
0x59: {  	_ =	shalt  }
0x5a: {  	_ =	shalt  }
0x5b: {  	_ =	shalt  }
0x5c: {  	_ =	shalt  }
0x5d: {  	_ =	shalt  }
0x5e: {  	_ =	shalt  }
0x5f: {  	_ =	shalt  }
0x60: {  	_ =	shalt  }
0x61: {  	_ =	shalt  }
0x62: {  	_ =	shalt  }
0x63: {  	_ =	shalt  }
0x64: {  	_ =	shalt  }
0x65: {  	_ =	shalt  }
0x66: {  	_ =	shalt  }
0x67: {  	_ =	shalt  }
0x68: {  	_ =	shalt  }
0x69: {  	_ =	shalt  }
0x6a: {  	_ =	shalt  }
0x6b: {  	_ =	shalt  }
0x6c: {  	_ =	shalt  }
0x6d: {  	_ =	shalt  }
0x6e: {  	_ =	shalt  }
0x6f: {  	_ =	shalt  }
0x70: {  	_ =	shalt  }
0x71: {  	_ =	shalt  }
0x72: {  	_ =	shalt  }
0x73: {  	_ =	shalt  }
0x74: {  	_ =	shalt  }
0x75: {  	_ =	shalt  }
0x76: {  	_ =	shalt  }
0x77: {  	_ =	shalt  }
0x78: {  	_ =	shalt  }
0x79: {  	_ =	shalt  }
0x7a: {  	_ =	shalt  }
0x7b: {  	_ =	shalt  }
0x7c: {  	_ =	shalt  }
0x7d: {  	_ =	shalt  }
0x7e: {  	_ =	shalt  }
0x7f: {  	_ =	shalt  }
0x80: {  	_ =	shalt  }
0x81: {  	_ =	shalt  }
0x82: {  	_ =	shalt  }
0x83: {  	_ =	shalt  }
0x84: {  	_ =	shalt  }
0x85: {  	_ =	shalt  }
0x86: {  	_ =	shalt  }
0x87: {  	_ =	shalt  }
.Lfunc_end0:
.L_simem_size_0:
called_computation.1_lowered:
.L_overlay_start_0:
0x88: {  	s2 =	sld [smem:$0x3FD9]  }
0x89: {  	s3 =	sld [smem:$0x3FFE];
	_ =	sdelay $0x1  }
0x8a: {  	s1 =	srdreg.scid  }
0x8b: {  	s0 =	sand.u32 $0x1, s1  }
0x8c: {  	s17 =	sshll.u32 s0, $0xA;
	s2 =	sadd.s32 s3, s2  }
0x8d: {  	s2 =	sadd.s32 s2, s17  }
0x8e: {  	[smem:$0x3FBB] =	sst s2  }
0x8f: {  	_ = 	snop  }
0x90: {  	(tm) =	ssettm $0x1  }
0x91: {  	s18 =	sld [smem:$0x3FFB];
	_ =	sdelay $0x3  }
0x92: {  	_ =	strace s18  }
0x93: {  	s2 =	sld [smem:$0x3FFC];
	_ =	sdelay $0x3  }
0x94: {  	_ =	strace s2  }
0x95: {  	s2 =	sld [smem:$0x3FFD];
	_ =	sdelay $0x3  }
0x96: {  	_ =	strace s2  }
0x97: {  	_ =	strace $0x8FFFFFFF  }
0x98: {  	s19 =	sld [smem:$0x3FDB];
	_ =	sdelay $0x1  }
0x99: {  	s20 =	simm.s32 $_scs_section_size  }
0x9a: {  	s4 =	simm.s32 $_size__tile_overlayer_lowered;
	s5 =	simm.s32 $_tile_overlayer_lowered  }
0x9b: {  	s6 =	simm.s32 $0x1BFF;
	s21 =	sshll.u32 s5, $0x1;
	s3 =	sadd.s32 s20, s19  }
0x9c: {  	s22 =	simm.s32 $0x0;
	s4 =	sshll.u32 s4, $0x1;
	s5 =	sadd.s32 s21, s3  }
0x9d: {  	[timem:s22], [sflag:s6] =	dma.local [hbm:s5], s4  }
0x9e: {  	_ =	swait.ge [sflag:s6], s4  }
0x9f: {  	s4 =	ssub.s32 $0x0, s4;
	[sflag:s6] =	ssyncset.done $0x0  }
0xa0: {  	[sflag:s6] =	ssyncadd.s32 s4;
	_ =	sdelay $0x1  }
0xa1: {  	s23 =	simm.s32 $0x1B8B  }
0xa2: {  	_ =	swait.ge [sflag:s23], $0x1  }
0xa3: {  	[sflag:s23] =	ssyncset.done $0x0  }
0xa4: {  	[sflag:s23] =	ssyncadd.s32 $0xFFFFFFFF  }
0xa5: {  	s4 =	sld [smem:$0x0]  }
0xa6: {  	s5 =	sand.u32 $0xFFFFFFFE, s1  }
0xa7: {  	p0 =	sne.s32 s1, s5  }
0xa8: {  	s5 =	sshll.u32 @p0 s5, $0xE  }
0xa9: {  	s5 =	sadd.s32 @p0 $0x11B8D, s5;
	s6 =	sshll.u32 @p0 s4, $0x11  }
0xaa: {  	s5 =	sor.u32 @p0 s6, s5  }
0xab: {  	[sflag:s5] =	ssyncadd.remote.s32 @p0 $0x1;
	_ =	sdelay $0x1  }
0xac: {  	s5 =	simm.s32 @p0 $0x1B8D  }
0xad: {  	_ =	swait.eq @p0 [sflag:s5], $0x1  }
0xae: {  	[sflag:s5] =	ssyncadd.s32 @p0 $0xFFFFFFFF  }
0xaf: {  	s6 =	sshll.u32 @!p0 s1, $0xE  }
0xb0: {  	s6 =	sor.u32 @!p0 $0x4000, s6;
	s5 =	simm.s32 @!p0 $0x1B8D  }
0xb1: {  	s4 =	sshll.u32 @!p0 s4, $0x11;
	s6 =	sadd.s32 @!p0 $0x11B8D, s6;
	_ =	swait.eq @!p0 [sflag:s5], $0x1  }
0xb2: {  	s4 =	sor.u32 @!p0 s4, s6;
	[sflag:s5] =	ssyncadd.s32 @!p0 $0xFFFFFFFF  }
0xb3: {  	s25 =	simm.s32 $0x1B8E;
	s24 =	sld [smem:$0x3FFE];
	[sflag:s4] =	ssyncadd.remote.s32 @!p0 $0x1  }
0xb4: {  	s26 =	simm.s32 $execute0_lowered;
	[smem:$0x3FD2] =	sst s25  }
0xb5: {  	s5 =	sshll.u32 s26, $0x1;
	_ =	strace $0x8000004C;
	[dreg:$0x1] =	wrdreg $0xFFFFFFFF  }
0xb6: {  	s28 =	simm.s32 $_size_execute0_lowered;
	s3 =	sadd.s32 s3, s5;
	[dreg:$0x0] =	wrdreg $0x0  }
0xb7: {  	s5 =	sshll.u32 s28, $0x1;
	[dreg:$0x2] =	wrdreg s3  }
0xb8: {  	[dreg:$0x3] =	wrdreg s5  }
0xb9: {  	[dreg:$0x4] =	wrdreg $0xC0  }
0xba: {  	_ =	task [dreg:s22], $0x5FFFF  }
0xbb: {  	[dreg:$0x1] =	wrdreg $0xFFFFFFFF  }
0xbc: {  	[dreg:$0x0] =	wrdreg $0x60  }
0xbd: {  	[dreg:$0x2] =	wrdreg s24  }
0xbe: {  	[dreg:$0x3] =	wrdreg $0xA  }
0xbf: {  	_ =	task.clear_ibuf [dreg:s22], $0x4FFFF;
	_ =	strace $0x9000004C  }
0xc0: {  	s29 =	simm.s32 $0xA;
	_ =	strace $0x8000004E  }
0xc1: {  	_ =	swait.ge [sflag:s29], $0x1  }
0xc2: {  	[sflag:s29] =	ssyncadd.s32 $0xFFFFFFFF  }
0xc3: {  	_ =	strace $0x9000004E  }
0xc4: {  	_ =	sfence  }
0xc5: {  	s30 =	sld [smem:$0x0];
	_ =	sdelay $0x2  }
0xc6: {  	s31 =	sshll.u32 s1, $0xD;
	s1 =	sshrl.u32 s1, $0x2  }
0xc7: {  	s4 =	sand.u32 $0x4000, s31;
	s1 =	sadd.s32 s1, s30  }
0xc8: {  	s0 =	sor.u32 s4, s0;
	s1 =	sshll.u32 s1, $0x11  }
0xc9: {  	s0 =	sor.u32 s1, s0  }
0xca: {  	s0 =	sadd.s32 $0x8F2B, s0  }
0xcb: {  	[sflag:s0] =	ssyncadd.remote.s32 $0x1  }
0xcc: {  	_ =	sfence.sel $0xFFFF  }
0xcd: {  	[dreg:$0x0] =	wrdreg $0xFFFFFFFF;
	(pc) =	sbr.abs _section_cstart, $3  }
0xce: {  	[dreg:$0x1] =	wrdreg $0xFFFFFFFF  }
0xcf: {  	_ =	task.clear_ibuf [dreg:s22], $0x2FFFF;
	_ =	strace $0x9FFFFFFF  }
0xd0: {  	(tm) =	ssettm $0x7FFFFFFF  }
0xd1: {  	_ =	shalt  }
tec
execute0_lowered:
.L_overlay_start_1:
0x0: {  	(tag) =	ssettag $0x1  }
0x1: {  	s7 =	rddreg [dreg:$0x0]  }
0x2: {  	s1 =	srdreg.scid;
	s0 =	rddreg [dreg:$0x1]  }
0x3: {  	_ =	strace $0x8000004D;
	s3 =	simm.s32 $0x1;
	s5 =	simm.s32 $0x2  }
0x4: {  	s9 =	simm.s32 $0x3;
	s11 =	simm.s32 $0x0;
	s2 =	sshll.u32 s1, $0x4  }
.Ltmp0:
0x5: {  	s1 =	stileid.u32;
	s4 =	sand.u32 $0x10, s2;
	(pc) =	sbr.rel .LBB2_1-.Ltmp0, $4  }
0x6: {  	p0 =	por $0x0, $0x0;
	[sflag:s3] =	ssyncpa.u1 $0x0;
	s4 =	sor.u32 s1, s4  }
0x7: {  	s6 =	sadd.s32 $0x165B200, s7;
	[sflag:s5] =	ssyncpa.u1 $0x0;
	s4 =	smul.u32 $0x2BC0, s4  }
0x8: {  	s2 =	sadd.s32 $0x2C00, s7;
	s7 =	sadd.s32 $0x1686200, s7;
	[sflag:s9] =	ssyncpa.u1 $0x0  }
0x9: {  	vm0 =	vmmov $0xff;
	vm1 =	vcmask $0x3F20;
	s9 =	simm.s32 $0x0;
	s8 =	sadd.s32 $0x2BC0, s4;
	s10 =	smov.u32 s4  }
.LBB2_6:
0xa: {  	[hbm:s15] =	stream.linear.scatter [tilespmem:s12], [sflag:$0x3], $0x400, $0x38;
	[tilespmem:$0x19320] =	vst v63  }
.LBB2_7:
0xb: {  	p1 =	slt.u32 s9, $0x2;
	s11 =	sadd.s32 $0x190, s10  }
0xc: {  	s13 =	smov.u32 s4;
	s9 =	sadd.s32 $0x1, s9;
	p2 =	slt.s32 s11, s8  }
0xd: {  	s13 =	smov.u32 @p2 s11;
	p2 =	sne.s32 s9, $0x1E  }
.Ltmp1:
0xe: {  	_ = 	snop;
	(pc) =	sbr.rel @!p2 .LBB2_8-.Ltmp1, $4  }
0xf: {  	s12 =	simm.s32 @!p1 $0x3  }
0x10: {  	_ =	swait.ge @!p1 [sflag:s12], $0xC800  }
0x11: {  	p0 =	por !p0, !p0;
	[sflag:s12] =	ssyncset.done @!p1 $0x0  }
0x12: {  	s11 =	smov.u32 s10;
	s10 =	smov.u32 s13;
	[sflag:s12] =	ssyncadd.s32 @!p1 $0xFFFF3800  }
.LBB2_1:
0x13: {  	p1 =	sgt.u32 s9, $0x1B  }
0x14: {  	s12 =	sxor.u32 @!p1 $0xFFFFFFFF, s9  }
0x15: {  	s12 =	sand.u32 @!p1 $0x1, s12  }
0x16: {  	s12 =	smul.u32 @!p1 $0x640, s12  }
0x17: {  	s31 =	sadd.s32 $0xFFFFFFFF, s9;
	s13 =	sshrl.u32 @!p1 s10, $0x3  }
0x18: {  	s14 =	sand.u32 @!p1 $0x7, s10;
	s13 =	sadd.s32 @!p1 s6, s13;
	s12 =	sshrl.u32 @!p1 s12, $0x2  }
0x19: {  	[tilespmem:s12], [sflag:$0x2] =	stream.linear.gather @!p1 [hbm4b:s13+s14], $0x190, $0x38;
	[tilespmem:$0x19320] =	vst v63  }
0x1a: {  	p1 =	sgt.u32 s31, $0x1B  }
.Ltmp2:
0x1b: {  	_ = 	snop;
	(pc) =	sbr.rel @p1 .LBB2_7-.Ltmp2, $1  }
0x1c: {  	_ =	sdelay $0x3  }
0x1d: {  	s12 =	simm.s32 $0x1  }
0x1e: {  	s12 =	simm.s32 @!p0 $0x0  }
0x1f: {  	s13 =	smul.u32 $0x640, s12  }
0x20: {  	_ =	swait.ge [sflag:s5], $0x190  }
0x21: {  	[sflag:s5] =	ssyncset.done $0x0;
	s14 =	sshrl.u32 s13, $0x2  }
0x22: {  	[sflag:s5] =	ssyncadd.s32 $0xFFFFFE70;
	s13 =	sadd.s32 $0x0, s14  }
0x23: {  	v0 =	vld.msk [tilespmem:s13+$0x0 ss:$0x1], $0xffff;
	_ =	sdelay $0x4  }
0x24: {  	vm2 =	vgt.s32 v0, $0x0  }
0x25: {  	v0 =	vnsel vm2, $0x0, v0  }
0x26: {  	v0 =	vmin.u32 v0, $0xF423F  }
0x27: {  	v0 =	vshll.u32 v0, $0x4  }
0x28: {  	s12 =	smul.u32 $0x32000, s12;
	_ =	sdelay $0x1  }
0x29: {  	s12 =	sshrl.u32 s12, $0x2  }
0x2a: {  	s12 =	sor.u32 $0x320, s12  }
0x2b: {  	[tilespmem:s12], [sflag:$0x1] =	stream.indirect_vreg.gather [hbm:s2], $0x80, v0, vm0, $0x38;
	[tilespmem:$0x19320] =	vst v63  }
0x2c: {  	s15 =	sadd.s32 $0x10, s14;
	s13 =	sadd.s32 $0x400, s12  }
0x2d: {  	[tilespmem:s13], [sflag:$0x1] =	stream.indirect_vreg.gather [hbm:s2], $0x80, v0, vm1, $0x38;
	[tilespmem:$0x19320] =	vst v63  }
0x2e: {  	s16 =	simm.s32 $0x80;
	v0 =	vld.msk [tilespmem:s15+$0x0 ss:$0x1], $0xffff;
	s15 =	smov.u32 s12  }
.LBB2_3:
0x2f: {  	p1 =	sne.s32 s16, $0x600;
	_ =	sdelay $0x4  }
0x30: {  	vm2 =	vgt.s32 v0, $0x0  }
0x31: {  	v0 =	vnsel vm2, $0x0, v0  }
0x32: {  	v0 =	vmin.u32 v0, $0xF423F  }
0x33: {  	v0 =	vshll.u32 v0, $0x4;
	_ =	sdelay $0x3  }
.Ltmp3:
0x34: {  	s17 =	sshra.s32 s16, $0x2;
	s15 =	sadd.s32 $0x800, s15;
	(pc) =	sbr.rel @p1 .LBB2_3-.Ltmp3, $4  }
0x35: {  	[tilespmem:s15], [sflag:$0x1] =	stream.indirect_vreg.gather [hbm:s2], $0x80, v0, vm0, $0x38;
	[tilespmem:$0x19320] =	vst v63  }
0x36: {  	s17 =	sadd.s32 s17, s14;
	s18 =	sadd.s32 $0x400, s15  }
0x37: {  	[tilespmem:s18], [sflag:$0x1] =	stream.indirect_vreg.gather [hbm:s2], $0x80, v0, vm1, $0x38;
	[tilespmem:$0x19320] =	vst v63  }
0x38: {  	s16 =	sadd.s32 $0x40, s16;
	v0 =	vld.msk [tilespmem:s17+$0x0 ss:$0x1], $0xffff  }
0x39: {  	_ =	sdelay $0x3  }
0x3a: {  	vm2 =	vgt.s32 v0, $0x0  }
0x3b: {  	v0 =	vnsel vm2, $0x0, v0  }
0x3c: {  	v0 =	vmin.u32 v0, $0xF423F  }
0x3d: {  	v0 =	vshll.u32 v0, $0x4;
	_ =	sdelay $0x3  }
0x3e: {  	s14 =	sadd.s32 $0x800, s15  }
0x3f: {  	[tilespmem:s14], [sflag:$0x1] =	stream.indirect_vreg.gather [hbm:s2], $0x80, v0, vm0, $0x38;
	[tilespmem:$0x19320] =	vst v63  }
0x40: {  	s14 =	sadd.s32 $0x400, s14  }
0x41: {  	[tilespmem:s14], [sflag:$0x1] =	stream.indirect_vreg.gather [hbm:s2], $0x80, v0, vm1, $0x38;
	[tilespmem:$0x19320] =	vst v63  }
0x42: {  	s11 =	sshll.u32 s11, $0x4;
	_ =	swait.ge [sflag:s3], $0xC800  }
0x43: {  	s11 =	sadd.s32 s11, s7;
	[sflag:s3] =	ssyncset.done $0x0  }
0x44: {  	s15 =	sadd.s32 $0x0, s11;
	s14 =	simm.s32 $0x80;
	[sflag:s3] =	ssyncadd.s32 $0xFFFF3800  }
.LBB2_5:
0x45: {  	[hbm:s15] =	stream.linear.scatter [tilespmem:s12], [sflag:$0x3], $0x400, $0x38;
	[tilespmem:$0x19320] =	vst v63  }
0x46: {  	s15 =	smov.u32 s14;
	s12 =	smov.u32 s13;
	p1 =	sne.s32 s14, $0x1880  }
.Ltmp4:
0x47: {  	s14 =	sadd.s32 $0x80, s14;
	(pc) =	sbr.rel @p1 .LBB2_5-.Ltmp4, $2  }
0x48: {  	_ =	sdelay $0x2  }
0x49: {  	s13 =	sadd.s32 $0x400, s13;
	s15 =	sadd.s32 s15, s11  }
.Ltmp5:
0x4a: {  	_ = 	snop;
	(pc) =	sbr.rel .LBB2_6-.Ltmp5, $1  }
0x4b: {  	_ =	sdelay $0x3  }
.LBB2_8:
0x4c: {  	_ =	sfence.sel $0x180000  }
0x4d: {  	s2 =	simm.s32 $0x2;
	[bflag:$0x0] =	sbarrier.arrive $0xFFFF  }
0x4e: {  	s30 =	simm.s32 $0x3;
	[sflag:s2] =	ssyncpa.u1 $0x1  }
0x4f: {  	s31 =	simm.s32 $0x1;
	[sflag:s30] =	ssyncpa.u1 $0x1  }
0x50: {  	[sflag:s31] =	ssyncpa.u1 $0x1  }
0x51: {  	p0 =	sne.s32 s1, $0x0;
	_ =	strace $0x9000004D  }
0x52: {  	s0 =	sadd.s32 @!p0 $0x100000, s0;
	[bflag:$0x2] =	sbarrier.arrive $0xFFFF  }
0x53: {  	[sflag:s0] =	ssyncadd.tile.s32 @!p0 $0x1;
	_ =	shalt  }
.Lfunc_end2:
_tile_overlayer_lowered:
.L_overlay_start_2:
0x54: {  	(tag) =	ssettag $0x2  }
0x55: {  	s0 =	rddreg [dreg:$0x0];
	s2 =	stileid.u32  }
0x56: {  	s1 =	rddreg [dreg:$0x1];
	p0 =	sne.s32 s2, $0x0  }
0x57: {  	s3 =	rddreg [dreg:$0x2];
	[bflag:$0x3] =	sbarrier.arrive $0xFFFF;
	s2 =	simm.s32 @!p0 $0x1C01  }
0x58: {  	[timem:s3], [sflag:s2] =	dma.local @!p0 [hbm:s0], s1  }
0x59: {  	s0 =	simm.s32 @!p0 $0x1  }
0x5a: {  	_ =	swait.ge @!p0 [sflag:s0], s1  }
0x5b: {  	s1 =	ssub.s32 @!p0 $0x0, s1;
	[sflag:s0] =	ssyncset.done @!p0 $0x0  }
0x5c: {  	[sflag:s0] =	ssyncadd.s32 @!p0 s1  }
0x5d: {  	[bflag:$0x3] =	sbarrier.arrive $0xFFFF  }
0x5e: {  	_ =	shalt  }

// kernel: gather_offload_async_start.2
scs
__scs_entry_jumppad:
0x0: {  	(pc) =	sbr.rel $0x88, $3  }
0x1: {  	(tag) =	ssettag $0x0;
	lr =	simm.s32 $0x1  }
0x2: {  	[smem:$0x3F94] =	sst lr;
	_ =	strace $0xD0000000  }
0x3: {  	_ = 	snop  }
0x4: {  	_ = 	snop  }
0x5: {  	_ = 	snop  }
0x6: {  	_ = 	snop  }
0x7: {  	_ = 	snop  }
__scs_overlays_trampoline_lowered:
0x8: {  	[smem:$0x3FA3] =	sst s0  }
0x9: {  	[smem:$0x3FA4] =	sst s1  }
0xa: {  	[smem:$0x3FA5] =	sst s2  }
0xb: {  	[smem:$0x3FA6] =	sst s3  }
0xc: {  	[smem:$0x3FA7] =	sst s4  }
0xd: {  	[smem:$0x3FA8] =	sst s5  }
0xe: {  	[smem:$0x3FA9] =	sst s6  }
0xf: {  	[smem:$0x3FAA] =	sst s7  }
0x10: {  	[smem:$0x3FAB] =	sst s8  }
0x11: {  	[smem:$0x3FAC] =	sst s9;
	s0 =	simm.s32 @!p0 $0x0  }
0x12: {  	s1 =	sld [smem:$0x3F92];
	s0 =	simm.s32 @p0 $0x1  }
0x13: {  	[smem:$0x3FAD] =	sst s0;
	s0 =	simm.s32 @!p1 $0x0  }
0x14: {  	s2 =	sld [smem:$0x3F91];
	s0 =	simm.s32 @p1 $0x1  }
0x15: {  	[smem:$0x3FAE] =	sst s0;
	s0 =	simm.s32 @!p2 $0x0  }
0x16: {  	s3 =	sld [smem:$0x3FDB];
	s0 =	simm.s32 @p2 $0x1  }
0x17: {  	s4 =	simm.s32 $0x1BF5;
	[smem:$0x3FB0] =	sst s0  }
0x18: {  	s0 =	sld [smem:$0x3F93];
	_ =	swait.ge [sflag:s4], $0x0  }
0x19: {  	s7 =	sld [smem:$0x3F94]  }
0x1a: {  	s8 =	sadd.s32 $0xFFFFE003, lr  }
0x1b: {  	s9 =	sadd.s32 $0xFFFFFEF7, lr;
	s5 =	simm.s32 $0xFFFFFFFF;
	p2 =	slt.u32 s8, $0xFFFFF086  }
0x1c: {  	p1 =	slt.u32 s9, $0xF7A;
	s5 =	simm.s32 @!p2 $0x0  }
0x1d: {  	s5 =	simm.s32 @p1 $0x1;
	p0 =	seq.s32 s7, s2  }
0x1e: {  	s7 =	smul.u32 @!p0 $0xF7A, s2;
	p2 =	seq.s32 @!p0 s5, $0x0  }
0x1f: {  	s9 =	smul.u32 $0xF7A, s1;
	s8 =	simm.s32 @!p0 $0x1BF5;
	p2 =	por !p2, p0  }
0x20: {  	[sflag:s8] =	ssyncset.s32 @!p0 $0xFFFFF086;
	s6 =	sadd.s32 @!p0 s3, s7;
	s7 =	simm.s32 @!p0 $0x108  }
0x21: {  	s3 =	sadd.s32 s3, s9;
	s6 =	sadd.s32 @!p0 $0x88, s6;
	s7 =	simm.s32 @p2 $0x1082  }
0x22: {  	[simem:s7], [sflag:s8] =	dma.local @!p0 [hbm:s6], $0xF7A  }
0x23: {  	s9 =	sor.u32 $0xD0000000, s2;
	s6 =	simm.s32 $0x108;
	_ =	swait.ge @!p0 [sflag:s8], $0x0  }
0x24: {  	s3 =	sadd.s32 $0x88, s3;
	s6 =	simm.s32 @!p1 $0x1082;
	[sflag:s4] =	ssyncset.s32 $0xFFFFF086  }
0x25: {  	[simem:s6], [sflag:s4] =	dma.local [hbm:s3], $0xF7A  }
0x26: {  	[smem:$0x3F94] =	sst s1;
	(tag) =	ssettag s2;
	_ =	strace s9  }
0x27: {  	s1 =	sld [smem:$0x3FA4]  }
0x28: {  	s2 =	sld [smem:$0x3FA5]  }
0x29: {  	s4 =	sld [smem:$0x3FA7]  }
0x2a: {  	p0 =	seq.s32 s5, $0x0;
	s5 =	sld [smem:$0x3FA8]  }
0x2b: {  	s6 =	sld [smem:$0x3FA9]  }
0x2c: {  	s7 =	sld [smem:$0x3FAA]  }
0x2d: {  	s3 =	simm.s32 $0x108;
	s8 =	sld [smem:$0x3FAB]  }
0x2e: {  	s3 =	simm.s32 @!p0 $0x1082;
	s9 =	sld [smem:$0x3FAC]  }
0x2f: {  	lr =	sadd.s32 s0, s3;
	s0 =	sld [smem:$0x3FA3]  }
0x30: {  	s3 =	sld [smem:$0x3FA6]  }
0x31: {  	[smem:$0x3FAF] =	sst s10  }
0x32: {  	s10 =	sld [smem:$0x3FAD];
	_ =	sdelay $0x3  }
0x33: {  	p0 =	seq.s32 s10, $0x1;
	s10 =	sld [smem:$0x3FAF];
	_ =	sdelay $0x3  }
0x34: {  	[smem:$0x3FAF] =	sst s10  }
0x35: {  	s10 =	sld [smem:$0x3FAE];
	_ =	sdelay $0x3  }
0x36: {  	p1 =	seq.s32 s10, $0x1;
	s10 =	sld [smem:$0x3FAF];
	_ =	sdelay $0x3  }
0x37: {  	[smem:$0x3FAF] =	sst s10  }
0x38: {  	s10 =	sld [smem:$0x3FB0]  }
0x39: {  	_ = 	snop;
	(pc) =	sbr.ind lr, $3  }
0x3a: {  	_ = 	snop  }
0x3b: {  	_ = 	snop  }
0x3c: {  	p2 =	seq.s32 s10, $0x1;
	s10 =	sld [smem:$0x3FAF]  }
0x3d: {  	_ =	shalt  }
0x3e: {  	_ =	shalt  }
0x3f: {  	_ =	shalt  }
0x40: {  	_ =	shalt  }
0x41: {  	_ =	shalt  }
0x42: {  	_ =	shalt  }
0x43: {  	_ =	shalt  }
0x44: {  	_ =	shalt  }
0x45: {  	_ =	shalt  }
0x46: {  	_ =	shalt  }
0x47: {  	_ =	shalt  }
0x48: {  	_ =	shalt  }
0x49: {  	_ =	shalt  }
0x4a: {  	_ =	shalt  }
0x4b: {  	_ =	shalt  }
0x4c: {  	_ =	shalt  }
0x4d: {  	_ =	shalt  }
0x4e: {  	_ =	shalt  }
0x4f: {  	_ =	shalt  }
0x50: {  	_ =	shalt  }
0x51: {  	_ =	shalt  }
0x52: {  	_ =	shalt  }
0x53: {  	_ =	shalt  }
0x54: {  	_ =	shalt  }
0x55: {  	_ =	shalt  }
0x56: {  	_ =	shalt  }
0x57: {  	_ =	shalt  }
0x58: {  	_ =	shalt  }
0x59: {  	_ =	shalt  }
0x5a: {  	_ =	shalt  }
0x5b: {  	_ =	shalt  }
0x5c: {  	_ =	shalt  }
0x5d: {  	_ =	shalt  }
0x5e: {  	_ =	shalt  }
0x5f: {  	_ =	shalt  }
0x60: {  	_ =	shalt  }
0x61: {  	_ =	shalt  }
0x62: {  	_ =	shalt  }
0x63: {  	_ =	shalt  }
0x64: {  	_ =	shalt  }
0x65: {  	_ =	shalt  }
0x66: {  	_ =	shalt  }
0x67: {  	_ =	shalt  }
0x68: {  	_ =	shalt  }
0x69: {  	_ =	shalt  }
0x6a: {  	_ =	shalt  }
0x6b: {  	_ =	shalt  }
0x6c: {  	_ =	shalt  }
0x6d: {  	_ =	shalt  }
0x6e: {  	_ =	shalt  }
0x6f: {  	_ =	shalt  }
0x70: {  	_ =	shalt  }
0x71: {  	_ =	shalt  }
0x72: {  	_ =	shalt  }
0x73: {  	_ =	shalt  }
0x74: {  	_ =	shalt  }
0x75: {  	_ =	shalt  }
0x76: {  	_ =	shalt  }
0x77: {  	_ =	shalt  }
0x78: {  	_ =	shalt  }
0x79: {  	_ =	shalt  }
0x7a: {  	_ =	shalt  }
0x7b: {  	_ =	shalt  }
0x7c: {  	_ =	shalt  }
0x7d: {  	_ =	shalt  }
0x7e: {  	_ =	shalt  }
0x7f: {  	_ =	shalt  }
0x80: {  	_ =	shalt  }
0x81: {  	_ =	shalt  }
0x82: {  	_ =	shalt  }
0x83: {  	_ =	shalt  }
0x84: {  	_ =	shalt  }
0x85: {  	_ =	shalt  }
0x86: {  	_ =	shalt  }
0x87: {  	_ =	shalt  }
.Lfunc_end0:
.L_simem_size_0:
called_computation.2_lowered:
.L_overlay_start_0:
0x88: {  	s2 =	sld [smem:$0x3FD9]  }
0x89: {  	s3 =	sld [smem:$0x3FFE];
	_ =	sdelay $0x1  }
0x8a: {  	s1 =	srdreg.scid  }
0x8b: {  	s0 =	sand.u32 $0x1, s1  }
0x8c: {  	s16 =	sshll.u32 s0, $0xA;
	s2 =	sadd.s32 s3, s2  }
0x8d: {  	s2 =	sadd.s32 s2, s16  }
0x8e: {  	[smem:$0x3FBB] =	sst s2  }
0x8f: {  	_ = 	snop  }
0x90: {  	(tm) =	ssettm $0x1  }
0x91: {  	s17 =	sld [smem:$0x3FFB];
	_ =	sdelay $0x3  }
0x92: {  	_ =	strace s17  }
0x93: {  	s2 =	sld [smem:$0x3FFC];
	_ =	sdelay $0x3  }
0x94: {  	_ =	strace s2  }
0x95: {  	s2 =	sld [smem:$0x3FFD];
	_ =	sdelay $0x3  }
0x96: {  	_ =	strace s2  }
0x97: {  	_ =	strace $0x8FFFFFFF  }
0x98: {  	s18 =	sld [smem:$0x3FDB];
	_ =	sdelay $0x1  }
0x99: {  	s19 =	simm.s32 $_scs_section_size  }
0x9a: {  	s4 =	simm.s32 $_size__tile_overlayer_lowered;
	s5 =	simm.s32 $_tile_overlayer_lowered  }
0x9b: {  	s22 =	simm.s32 $0x1BFF;
	s21 =	sshll.u32 s5, $0x1;
	s2 =	sadd.s32 s19, s18  }
0x9c: {  	s6 =	simm.s32 $0x0;
	s20 =	sshll.u32 s4, $0x1;
	s4 =	sadd.s32 s21, s2  }
0x9d: {  	[timem:s6], [sflag:s22] =	dma.local [hbm:s4], s20  }
0x9e: {  	_ =	swait.ge [sflag:s22], s20  }
0x9f: {  	s3 =	ssub.s32 $0x0, s20;
	[sflag:s22] =	ssyncset.done $0x0  }
0xa0: {  	[sflag:s22] =	ssyncadd.s32 s3;
	_ =	sdelay $0x1  }
0xa1: {  	s23 =	simm.s32 $0x1B8B  }
0xa2: {  	_ =	swait.ge [sflag:s23], $0x1  }
0xa3: {  	[sflag:s23] =	ssyncset.done $0x0  }
0xa4: {  	s25 =	simm.s32 $0x1B8E;
	s24 =	sld [smem:$0x3FFE];
	[sflag:s23] =	ssyncadd.s32 $0xFFFFFFFF  }
0xa5: {  	s26 =	simm.s32 $execute0_lowered;
	[smem:$0x3FD2] =	sst s25  }
0xa6: {  	s4 =	sshll.u32 s26, $0x1;
	_ =	strace $0x80000046;
	[dreg:$0x1] =	wrdreg $0xFFFFFFFF  }
0xa7: {  	s28 =	simm.s32 $_size_execute0_lowered;
	s2 =	sadd.s32 s2, s4;
	[dreg:$0x0] =	wrdreg $0x0  }
0xa8: {  	s4 =	sshll.u32 s28, $0x1;
	[dreg:$0x2] =	wrdreg s2  }
0xa9: {  	[dreg:$0x3] =	wrdreg s4  }
0xaa: {  	[dreg:$0x4] =	wrdreg $0xC0  }
0xab: {  	_ =	task [dreg:s6], $0x5FFFF  }
0xac: {  	[dreg:$0x1] =	wrdreg $0xFFFFFFFF  }
0xad: {  	[dreg:$0x0] =	wrdreg $0x60  }
0xae: {  	[dreg:$0x2] =	wrdreg s24  }
0xaf: {  	[dreg:$0x3] =	wrdreg $0xB  }
0xb0: {  	_ =	task.clear_ibuf [dreg:s6], $0x4FFFF;
	_ =	strace $0x90000046  }
0xb1: {  	s29 =	simm.s32 $0xB;
	_ =	strace $0x80000048  }
0xb2: {  	_ =	swait.ge [sflag:s29], $0x1  }
0xb3: {  	[sflag:s29] =	ssyncadd.s32 $0xFFFFFFFF  }
0xb4: {  	_ =	strace $0x90000048  }
0xb5: {  	_ =	sfence  }
0xb6: {  	s30 =	sld [smem:$0x0];
	_ =	sdelay $0x2  }
0xb7: {  	s31 =	sshll.u32 s1, $0xD;
	s1 =	sshrl.u32 s1, $0x2  }
0xb8: {  	s3 =	sand.u32 $0x4000, s31;
	s1 =	sadd.s32 s1, s30  }
0xb9: {  	s0 =	sor.u32 s3, s0;
	s1 =	sshll.u32 s1, $0x11  }
0xba: {  	s0 =	sor.u32 s1, s0  }
0xbb: {  	s0 =	sadd.s32 $0x8F2B, s0  }
0xbc: {  	[sflag:s0] =	ssyncadd.remote.s32 $0x1  }
0xbd: {  	_ =	sfence.sel $0xFFFF  }
0xbe: {  	[dreg:$0x0] =	wrdreg $0xFFFFFFFF;
	(pc) =	sbr.abs _section_cstart, $3  }
0xbf: {  	[dreg:$0x1] =	wrdreg $0xFFFFFFFF  }
0xc0: {  	_ =	task.clear_ibuf [dreg:s6], $0x2FFFF;
	_ =	strace $0x9FFFFFFF  }
0xc1: {  	(tm) =	ssettm $0x7FFFFFFF  }
tec
execute0_lowered:
.L_overlay_start_1:
0x0: {  	(tag) =	ssettag $0x1  }
0x1: {  	s0 =	srdreg.scid  }
0x2: {  	s1 =	sshll.u32 s0, $0x4  }
0x3: {  	s0 =	stileid.u32;
	s1 =	sand.u32 $0x10, s1  }
0x4: {  	s2 =	sor.u32 s0, s1  }
0x5: {  	s3 =	smul.u32 $0x25, s2  }
0x6: {  	s2 =	smin.u32 s2, $0x10  }
0x7: {  	s1 =	sshrl.u32 s1, $0x4;
	s2 =	sadd.s32 s2, s3  }
0x8: {  	s1 =	ssub.s32 s2, s1  }
0x9: {  	s1 =	smul.u32 $0x180, s1;
	_ =	sdelay $0x1  }
0xa: {  	s2 =	smul.u32 $0x180, s2;
	s1 =	sadd.s32 $0x3900, s1  }
0xb: {  	s3 =	smin.u32 s1, $0x70800  }
0xc: {  	s7 =	ssub.s32 s3, s2  }
0xd: {  	p0 =	sgt.s32 s7, $0x0  }
0xe: {  	s7 =	simm.s32 @!p0 $0x0  }
0xf: {  	s31 =	smulhi.u32 $0x2AAAAAAB, s7  }
0x10: {  	s9 =	rddreg [dreg:$0x0];
	s6 =	simm.s32 $0x1;
	s11 =	simm.s32 $0x3  }
0x11: {  	s13 =	simm.s32 $0x0;
	s12 =	simm.s32 $0x0;
	s8 =	sshrl.u32 s31, $0x6  }
0x12: {  	s4 =	sadd.s32 $0x2C00, s9;
	s5 =	sadd.s32 $0xF45000, s9;
	s10 =	smul.u32 $0x180, s8  }
.Ltmp0:
0x13: {  	s9 =	sadd.s32 $0xF53200, s9;
	s1 =	rddreg [dreg:$0x1];
	(pc) =	sbr.rel .LBB2_1-.Ltmp0, $4  }
0x14: {  	_ =	strace $0x80000047;
	p0 =	sne.s32 s7, s10;
	s10 =	simm.s32 $0x1  }
0x15: {  	[sflag:s6] =	ssyncpa.u1 $0x0;
	s7 =	simm.s32 $0x2;
	s10 =	simm.s32 @!p0 $0x0  }
0x16: {  	[sflag:s7] =	ssyncpa.u1 $0x0;
	p0 =	por $0x0, $0x0;
	s8 =	sadd.s32 s10, s8  }
0x17: {  	vm0 =	vmmov $0xff;
	vm1 =	vcmask $0x3F20;
	[sflag:s11] =	ssyncpa.u1 $0x0;
	s11 =	smov.u32 s2;
	s10 =	sadd.s32 $0x1, s8  }
.LBB2_6:
0x18: {  	[hbm:s17] =	stream.linear.scatter [tilespmem:s14], [sflag:$0x3], $0x400, $0x38;
	[tilespmem:$0x18300] =	vst v63  }
.LBB2_7:
0x19: {  	s13 =	sadd.s32 $0x180, s11  }
0x1a: {  	s15 =	smov.u32 s2;
	p2 =	slt.s32 s13, s3  }
0x1b: {  	s15 =	smov.u32 @p2 s13;
	p2 =	sne.s32 s12, s10  }
.Ltmp1:
0x1c: {  	p1 =	slt.u32 s12, $0x2;
	(pc) =	sbr.rel @!p2 .LBB2_8-.Ltmp1, $4  }
0x1d: {  	s14 =	simm.s32 @!p1 $0x3  }
0x1e: {  	s16 =	sadd.s32 $0x1, s12;
	_ =	swait.ge @!p1 [sflag:s14], $0xC000  }
0x1f: {  	p0 =	por !p0, !p0;
	s13 =	smov.u32 s11;
	[sflag:s14] =	ssyncset.done @!p1 $0x0  }
0x20: {  	s12 =	smov.u32 s16;
	s11 =	smov.u32 s15;
	[sflag:s14] =	ssyncadd.s32 @!p1 $0xFFFF4000  }
.LBB2_1:
0x21: {  	p1 =	sge.u32 s12, s8  }
0x22: {  	s14 =	sxor.u32 @!p1 $0xFFFFFFFF, s12  }
0x23: {  	s14 =	sand.u32 @!p1 $0x1, s14  }
0x24: {  	s14 =	smul.u32 @!p1 $0x600, s14  }
0x25: {  	s31 =	sadd.s32 $0xFFFFFFFF, s12;
	s15 =	sshrl.u32 @!p1 s11, $0x3  }
0x26: {  	s16 =	sand.u32 @!p1 $0x7, s11;
	s15 =	sadd.s32 @!p1 s5, s15;
	s14 =	sshrl.u32 @!p1 s14, $0x2  }
0x27: {  	[tilespmem:s14], [sflag:$0x2] =	stream.linear.gather @!p1 [hbm4b:s15+s16], $0x180, $0x38;
	[tilespmem:$0x18300] =	vst v63  }
0x28: {  	p1 =	sge.u32 s31, s8  }
.Ltmp2:
0x29: {  	_ = 	snop;
	(pc) =	sbr.rel @p1 .LBB2_7-.Ltmp2, $1  }
0x2a: {  	_ =	sdelay $0x3  }
0x2b: {  	s14 =	simm.s32 $0x1  }
0x2c: {  	s14 =	simm.s32 @!p0 $0x0  }
0x2d: {  	s15 =	smul.u32 $0x600, s14  }
0x2e: {  	_ =	swait.ge [sflag:s7], $0x180  }
0x2f: {  	[sflag:s7] =	ssyncset.done $0x0;
	s16 =	sshrl.u32 s15, $0x2  }
0x30: {  	[sflag:s7] =	ssyncadd.s32 $0xFFFFFE80;
	s15 =	sadd.s32 $0x0, s16  }
0x31: {  	v0 =	vld.msk [tilespmem:s15+$0x0 ss:$0x1], $0xffff;
	_ =	sdelay $0x4  }
0x32: {  	vm2 =	vgt.s32 v0, $0x0  }
0x33: {  	v0 =	vnsel vm2, $0x0, v0  }
0x34: {  	v0 =	vmin.u32 v0, $0xF423F  }
0x35: {  	v0 =	vshll.u32 v0, $0x4  }
0x36: {  	s14 =	smul.u32 $0x30000, s14;
	_ =	sdelay $0x1  }
0x37: {  	s14 =	sshrl.u32 s14, $0x2  }
0x38: {  	s14 =	sor.u32 $0x300, s14  }
0x39: {  	[tilespmem:s14], [sflag:$0x1] =	stream.indirect_vreg.gather [hbm:s4], $0x80, v0, vm0, $0x38;
	[tilespmem:$0x18300] =	vst v63  }
0x3a: {  	s17 =	sadd.s32 $0x10, s16;
	s15 =	sadd.s32 $0x400, s14  }
0x3b: {  	[tilespmem:s15], [sflag:$0x1] =	stream.indirect_vreg.gather [hbm:s4], $0x80, v0, vm1, $0x38;
	[tilespmem:$0x18300] =	vst v63  }
0x3c: {  	s18 =	simm.s32 $0x80;
	v0 =	vld.msk [tilespmem:s17+$0x0 ss:$0x1], $0xffff;
	s17 =	smov.u32 s14  }
.LBB2_3:
0x3d: {  	p1 =	sne.s32 s18, $0x5C0;
	_ =	sdelay $0x4  }
0x3e: {  	vm2 =	vgt.s32 v0, $0x0  }
0x3f: {  	v0 =	vnsel vm2, $0x0, v0  }
0x40: {  	v0 =	vmin.u32 v0, $0xF423F  }
0x41: {  	v0 =	vshll.u32 v0, $0x4;
	_ =	sdelay $0x3  }
.Ltmp3:
0x42: {  	s19 =	sshra.s32 s18, $0x2;
	s17 =	sadd.s32 $0x800, s17;
	(pc) =	sbr.rel @p1 .LBB2_3-.Ltmp3, $4  }
0x43: {  	[tilespmem:s17], [sflag:$0x1] =	stream.indirect_vreg.gather [hbm:s4], $0x80, v0, vm0, $0x38;
	[tilespmem:$0x18300] =	vst v63  }
0x44: {  	s19 =	sadd.s32 s19, s16;
	s20 =	sadd.s32 $0x400, s17  }
0x45: {  	[tilespmem:s20], [sflag:$0x1] =	stream.indirect_vreg.gather [hbm:s4], $0x80, v0, vm1, $0x38;
	[tilespmem:$0x18300] =	vst v63  }
0x46: {  	s18 =	sadd.s32 $0x40, s18;
	v0 =	vld.msk [tilespmem:s19+$0x0 ss:$0x1], $0xffff  }
0x47: {  	_ =	sdelay $0x3  }
0x48: {  	vm2 =	vgt.s32 v0, $0x0  }
0x49: {  	v0 =	vnsel vm2, $0x0, v0  }
0x4a: {  	v0 =	vmin.u32 v0, $0xF423F  }
0x4b: {  	v0 =	vshll.u32 v0, $0x4;
	_ =	sdelay $0x3  }
0x4c: {  	s16 =	sadd.s32 $0x800, s17  }
0x4d: {  	[tilespmem:s16], [sflag:$0x1] =	stream.indirect_vreg.gather [hbm:s4], $0x80, v0, vm0, $0x38;
	[tilespmem:$0x18300] =	vst v63  }
0x4e: {  	s16 =	sadd.s32 $0x400, s16  }
0x4f: {  	[tilespmem:s16], [sflag:$0x1] =	stream.indirect_vreg.gather [hbm:s4], $0x80, v0, vm1, $0x38;
	[tilespmem:$0x18300] =	vst v63  }
0x50: {  	s13 =	sshll.u32 s13, $0x4;
	_ =	swait.ge [sflag:s6], $0xC000  }
0x51: {  	s13 =	sadd.s32 s13, s9;
	[sflag:s6] =	ssyncset.done $0x0  }
0x52: {  	s17 =	sadd.s32 $0x0, s13;
	s16 =	simm.s32 $0x80;
	[sflag:s6] =	ssyncadd.s32 $0xFFFF4000  }
.LBB2_5:
0x53: {  	[hbm:s17] =	stream.linear.scatter [tilespmem:s14], [sflag:$0x3], $0x400, $0x38;
	[tilespmem:$0x18300] =	vst v63  }
0x54: {  	s17 =	smov.u32 s16;
	s14 =	smov.u32 s15;
	p1 =	sne.s32 s16, $0x1780  }
.Ltmp4:
0x55: {  	s16 =	sadd.s32 $0x80, s16;
	(pc) =	sbr.rel @p1 .LBB2_5-.Ltmp4, $2  }
0x56: {  	_ =	sdelay $0x2  }
0x57: {  	s15 =	sadd.s32 $0x400, s15;
	s17 =	sadd.s32 s17, s13  }
.Ltmp5:
0x58: {  	_ = 	snop;
	(pc) =	sbr.rel .LBB2_6-.Ltmp5, $1  }
0x59: {  	_ =	sdelay $0x3  }
.LBB2_8:
0x5a: {  	_ =	sfence.sel $0x180000  }
0x5b: {  	s2 =	simm.s32 $0x2;
	[bflag:$0x0] =	sbarrier.arrive $0xFFFF  }
0x5c: {  	s30 =	simm.s32 $0x3;
	[sflag:s2] =	ssyncpa.u1 $0x1  }
0x5d: {  	s31 =	simm.s32 $0x1;
	[sflag:s30] =	ssyncpa.u1 $0x1  }
0x5e: {  	[sflag:s31] =	ssyncpa.u1 $0x1  }
0x5f: {  	p0 =	sne.s32 s0, $0x0;
	_ =	strace $0x90000047  }
0x60: {  	s0 =	sadd.s32 @!p0 $0x100000, s1;
	[bflag:$0x2] =	sbarrier.arrive $0xFFFF  }
0x61: {  	[sflag:s0] =	ssyncadd.tile.s32 @!p0 $0x1;
	_ =	shalt  }
.Lfunc_end2:
_tile_overlayer_lowered:
.L_overlay_start_2:
0x62: {  	(tag) =	ssettag $0x2  }
0x63: {  	s0 =	rddreg [dreg:$0x0];
	s2 =	stileid.u32  }
0x64: {  	s1 =	rddreg [dreg:$0x1];
	p0 =	sne.s32 s2, $0x0  }
0x65: {  	s3 =	rddreg [dreg:$0x2];
	[bflag:$0x3] =	sbarrier.arrive $0xFFFF;
	s2 =	simm.s32 @!p0 $0x1C01  }
0x66: {  	[timem:s3], [sflag:s2] =	dma.local @!p0 [hbm:s0], s1  }
0x67: {  	s0 =	simm.s32 @!p0 $0x1  }
0x68: {  	_ =	swait.ge @!p0 [sflag:s0], s1  }
0x69: {  	s1 =	ssub.s32 @!p0 $0x0, s1;
	[sflag:s0] =	ssyncset.done @!p0 $0x0  }
0x6a: {  	[sflag:s0] =	ssyncadd.s32 @!p0 s1  }
0x6b: {  	[bflag:$0x3] =	sbarrier.arrive $0xFFFF  }
0x6c: {  	_ =	shalt  }

// kernel: gather_offload_async_start
scs
__scs_entry_jumppad:
0x0: {  	(pc) =	sbr.rel $0x88, $3  }
0x1: {  	(tag) =	ssettag $0x0;
	lr =	simm.s32 $0x1  }
0x2: {  	[smem:$0x3F94] =	sst lr;
	_ =	strace $0xD0000000  }
0x3: {  	_ = 	snop  }
0x4: {  	_ = 	snop  }
0x5: {  	_ = 	snop  }
0x6: {  	_ = 	snop  }
0x7: {  	_ = 	snop  }
__scs_overlays_trampoline_lowered:
0x8: {  	[smem:$0x3FA3] =	sst s0  }
0x9: {  	[smem:$0x3FA4] =	sst s1  }
0xa: {  	[smem:$0x3FA5] =	sst s2  }
0xb: {  	[smem:$0x3FA6] =	sst s3  }
0xc: {  	[smem:$0x3FA7] =	sst s4  }
0xd: {  	[smem:$0x3FA8] =	sst s5  }
0xe: {  	[smem:$0x3FA9] =	sst s6  }
0xf: {  	[smem:$0x3FAA] =	sst s7  }
0x10: {  	[smem:$0x3FAB] =	sst s8  }
0x11: {  	[smem:$0x3FAC] =	sst s9;
	s0 =	simm.s32 @!p0 $0x0  }
0x12: {  	s1 =	sld [smem:$0x3F92];
	s0 =	simm.s32 @p0 $0x1  }
0x13: {  	[smem:$0x3FAD] =	sst s0;
	s0 =	simm.s32 @!p1 $0x0  }
0x14: {  	s2 =	sld [smem:$0x3F91];
	s0 =	simm.s32 @p1 $0x1  }
0x15: {  	[smem:$0x3FAE] =	sst s0;
	s0 =	simm.s32 @!p2 $0x0  }
0x16: {  	s3 =	sld [smem:$0x3FDB];
	s0 =	simm.s32 @p2 $0x1  }
0x17: {  	s4 =	simm.s32 $0x1BF5;
	[smem:$0x3FB0] =	sst s0  }
0x18: {  	s0 =	sld [smem:$0x3F93];
	_ =	swait.ge [sflag:s4], $0x0  }
0x19: {  	s7 =	sld [smem:$0x3F94]  }
0x1a: {  	s8 =	sadd.s32 $0xFFFFE003, lr  }
0x1b: {  	s9 =	sadd.s32 $0xFFFFFEF7, lr;
	s5 =	simm.s32 $0xFFFFFFFF;
	p2 =	slt.u32 s8, $0xFFFFF086  }
0x1c: {  	p1 =	slt.u32 s9, $0xF7A;
	s5 =	simm.s32 @!p2 $0x0  }
0x1d: {  	s5 =	simm.s32 @p1 $0x1;
	p0 =	seq.s32 s7, s2  }
0x1e: {  	s7 =	smul.u32 @!p0 $0xF7A, s2;
	p2 =	seq.s32 @!p0 s5, $0x0  }
0x1f: {  	s9 =	smul.u32 $0xF7A, s1;
	s8 =	simm.s32 @!p0 $0x1BF5;
	p2 =	por !p2, p0  }
0x20: {  	[sflag:s8] =	ssyncset.s32 @!p0 $0xFFFFF086;
	s6 =	sadd.s32 @!p0 s3, s7;
	s7 =	simm.s32 @!p0 $0x108  }
0x21: {  	s3 =	sadd.s32 s3, s9;
	s6 =	sadd.s32 @!p0 $0x88, s6;
	s7 =	simm.s32 @p2 $0x1082  }
0x22: {  	[simem:s7], [sflag:s8] =	dma.local @!p0 [hbm:s6], $0xF7A  }
0x23: {  	s9 =	sor.u32 $0xD0000000, s2;
	s6 =	simm.s32 $0x108;
	_ =	swait.ge @!p0 [sflag:s8], $0x0  }
0x24: {  	s3 =	sadd.s32 $0x88, s3;
	s6 =	simm.s32 @!p1 $0x1082;
	[sflag:s4] =	ssyncset.s32 $0xFFFFF086  }
0x25: {  	[simem:s6], [sflag:s4] =	dma.local [hbm:s3], $0xF7A  }
0x26: {  	[smem:$0x3F94] =	sst s1;
	(tag) =	ssettag s2;
	_ =	strace s9  }
0x27: {  	s1 =	sld [smem:$0x3FA4]  }
0x28: {  	s2 =	sld [smem:$0x3FA5]  }
0x29: {  	s4 =	sld [smem:$0x3FA7]  }
0x2a: {  	p0 =	seq.s32 s5, $0x0;
	s5 =	sld [smem:$0x3FA8]  }
0x2b: {  	s6 =	sld [smem:$0x3FA9]  }
0x2c: {  	s7 =	sld [smem:$0x3FAA]  }
0x2d: {  	s3 =	simm.s32 $0x108;
	s8 =	sld [smem:$0x3FAB]  }
0x2e: {  	s3 =	simm.s32 @!p0 $0x1082;
	s9 =	sld [smem:$0x3FAC]  }
0x2f: {  	lr =	sadd.s32 s0, s3;
	s0 =	sld [smem:$0x3FA3]  }
0x30: {  	s3 =	sld [smem:$0x3FA6]  }
0x31: {  	[smem:$0x3FAF] =	sst s10  }
0x32: {  	s10 =	sld [smem:$0x3FAD];
	_ =	sdelay $0x3  }
0x33: {  	p0 =	seq.s32 s10, $0x1;
	s10 =	sld [smem:$0x3FAF];
	_ =	sdelay $0x3  }
0x34: {  	[smem:$0x3FAF] =	sst s10  }
0x35: {  	s10 =	sld [smem:$0x3FAE];
	_ =	sdelay $0x3  }
0x36: {  	p1 =	seq.s32 s10, $0x1;
	s10 =	sld [smem:$0x3FAF];
	_ =	sdelay $0x3  }
0x37: {  	[smem:$0x3FAF] =	sst s10  }
0x38: {  	s10 =	sld [smem:$0x3FB0]  }
0x39: {  	_ = 	snop;
	(pc) =	sbr.ind lr, $3  }
0x3a: {  	_ = 	snop  }
0x3b: {  	_ = 	snop  }
0x3c: {  	p2 =	seq.s32 s10, $0x1;
	s10 =	sld [smem:$0x3FAF]  }
0x3d: {  	_ =	shalt  }
0x3e: {  	_ =	shalt  }
0x3f: {  	_ =	shalt  }
0x40: {  	_ =	shalt  }
0x41: {  	_ =	shalt  }
0x42: {  	_ =	shalt  }
0x43: {  	_ =	shalt  }
0x44: {  	_ =	shalt  }
0x45: {  	_ =	shalt  }
0x46: {  	_ =	shalt  }
0x47: {  	_ =	shalt  }
0x48: {  	_ =	shalt  }
0x49: {  	_ =	shalt  }
0x4a: {  	_ =	shalt  }
0x4b: {  	_ =	shalt  }
0x4c: {  	_ =	shalt  }
0x4d: {  	_ =	shalt  }
0x4e: {  	_ =	shalt  }
0x4f: {  	_ =	shalt  }
0x50: {  	_ =	shalt  }
0x51: {  	_ =	shalt  }
0x52: {  	_ =	shalt  }
0x53: {  	_ =	shalt  }
0x54: {  	_ =	shalt  }
0x55: {  	_ =	shalt  }
0x56: {  	_ =	shalt  }
0x57: {  	_ =	shalt  }
0x58: {  	_ =	shalt  }
0x59: {  	_ =	shalt  }
0x5a: {  	_ =	shalt  }
0x5b: {  	_ =	shalt  }
0x5c: {  	_ =	shalt  }
0x5d: {  	_ =	shalt  }
0x5e: {  	_ =	shalt  }
0x5f: {  	_ =	shalt  }
0x60: {  	_ =	shalt  }
0x61: {  	_ =	shalt  }
0x62: {  	_ =	shalt  }
0x63: {  	_ =	shalt  }
0x64: {  	_ =	shalt  }
0x65: {  	_ =	shalt  }
0x66: {  	_ =	shalt  }
0x67: {  	_ =	shalt  }
0x68: {  	_ =	shalt  }
0x69: {  	_ =	shalt  }
0x6a: {  	_ =	shalt  }
0x6b: {  	_ =	shalt  }
0x6c: {  	_ =	shalt  }
0x6d: {  	_ =	shalt  }
0x6e: {  	_ =	shalt  }
0x6f: {  	_ =	shalt  }
0x70: {  	_ =	shalt  }
0x71: {  	_ =	shalt  }
0x72: {  	_ =	shalt  }
0x73: {  	_ =	shalt  }
0x74: {  	_ =	shalt  }
0x75: {  	_ =	shalt  }
0x76: {  	_ =	shalt  }
0x77: {  	_ =	shalt  }
0x78: {  	_ =	shalt  }
0x79: {  	_ =	shalt  }
0x7a: {  	_ =	shalt  }
0x7b: {  	_ =	shalt  }
0x7c: {  	_ =	shalt  }
0x7d: {  	_ =	shalt  }
0x7e: {  	_ =	shalt  }
0x7f: {  	_ =	shalt  }
0x80: {  	_ =	shalt  }
0x81: {  	_ =	shalt  }
0x82: {  	_ =	shalt  }
0x83: {  	_ =	shalt  }
0x84: {  	_ =	shalt  }
0x85: {  	_ =	shalt  }
0x86: {  	_ =	shalt  }
0x87: {  	_ =	shalt  }
.Lfunc_end0:
.L_simem_size_0:
called_computation_lowered:
.L_overlay_start_0:
0x88: {  	s2 =	sld [smem:$0x3FD9]  }
0x89: {  	s3 =	sld [smem:$0x3FFE];
	_ =	sdelay $0x1  }
0x8a: {  	s1 =	srdreg.scid  }
0x8b: {  	s0 =	sand.u32 $0x1, s1  }
0x8c: {  	s17 =	sshll.u32 s0, $0xA;
	s2 =	sadd.s32 s3, s2  }
0x8d: {  	s2 =	sadd.s32 s2, s17  }
0x8e: {  	[smem:$0x3FBB] =	sst s2  }
0x8f: {  	_ = 	snop  }
0x90: {  	s18 =	sld [smem:$0x3FC5];
	(tm) =	ssettm $0x1  }
0x91: {  	s19 =	sld [smem:$0x3FFB];
	_ =	sdelay $0x3  }
0x92: {  	_ =	strace s19  }
0x93: {  	s2 =	sld [smem:$0x3FFC];
	_ =	sdelay $0x3  }
0x94: {  	_ =	strace s2  }
0x95: {  	s2 =	sld [smem:$0x3FFD];
	_ =	sdelay $0x3  }
0x96: {  	_ =	strace s2  }
0x97: {  	_ =	strace $0x8FFFFFFF  }
0x98: {  	s20 =	sld [smem:$0x3FDB];
	_ =	sdelay $0x1  }
0x99: {  	s4 =	simm.s32 $_scs_section_size  }
0x9a: {  	s5 =	simm.s32 $_size__tile_overlayer_lowered;
	s6 =	simm.s32 $_tile_overlayer_lowered  }
0x9b: {  	s7 =	simm.s32 $0x1BFF;
	s21 =	sshll.u32 s6, $0x1;
	s4 =	sadd.s32 s4, s20  }
0x9c: {  	s22 =	simm.s32 $0x0;
	s5 =	sshll.u32 s5, $0x1;
	s6 =	sadd.s32 s21, s4  }
0x9d: {  	[timem:s22], [sflag:s7] =	dma.local [hbm:s6], s5  }
0x9e: {  	_ =	swait.ge [sflag:s7], s5  }
0x9f: {  	s5 =	ssub.s32 $0x0, s5;
	[sflag:s7] =	ssyncset.done $0x0  }
0xa0: {  	[sflag:s7] =	ssyncadd.s32 s5;
	_ =	sdelay $0x1  }
0xa1: {  	s23 =	simm.s32 $0x1B8B  }
0xa2: {  	_ =	swait.ge [sflag:s23], $0x1  }
0xa3: {  	[sflag:s23] =	ssyncset.done $0x0  }
0xa4: {  	[sflag:s23] =	ssyncadd.s32 $0xFFFFFFFF  }
0xa5: {  	s5 =	sld [smem:$0x0]  }
0xa6: {  	s6 =	sand.u32 $0xFFFFFFFE, s1  }
0xa7: {  	p0 =	sne.s32 s1, s6  }
0xa8: {  	s6 =	sshll.u32 @p0 s6, $0xE  }
0xa9: {  	s6 =	sadd.s32 @p0 $0x11B8D, s6;
	s7 =	sshll.u32 @p0 s5, $0x11  }
0xaa: {  	s6 =	sor.u32 @p0 s7, s6  }
0xab: {  	[sflag:s6] =	ssyncadd.remote.s32 @p0 $0x1;
	_ =	sdelay $0x1  }
0xac: {  	s6 =	simm.s32 @p0 $0x1B8D  }
0xad: {  	_ =	swait.eq @p0 [sflag:s6], $0x1  }
0xae: {  	[sflag:s6] =	ssyncadd.s32 @p0 $0xFFFFFFFF  }
0xaf: {  	s7 =	sshll.u32 @!p0 s1, $0xE  }
0xb0: {  	s7 =	sor.u32 @!p0 $0x4000, s7;
	s6 =	simm.s32 @!p0 $0x1B8D  }
0xb1: {  	s5 =	sshll.u32 @!p0 s5, $0x11;
	s7 =	sadd.s32 @!p0 $0x11B8D, s7;
	_ =	swait.eq @!p0 [sflag:s6], $0x1  }
0xb2: {  	s5 =	sor.u32 @!p0 s5, s7;
	[sflag:s6] =	ssyncadd.s32 @!p0 $0xFFFFFFFF  }
0xb3: {  	s25 =	simm.s32 $0x1B8E;
	s24 =	sld [smem:$0x3FFE];
	[sflag:s5] =	ssyncadd.remote.s32 @!p0 $0x1  }
0xb4: {  	s26 =	simm.s32 $execute0_lowered;
	[smem:$0x3FD2] =	sst s25  }
0xb5: {  	s6 =	sshll.u32 s26, $0x1;
	_ =	strace $0x80000049;
	[dreg:$0x1] =	wrdreg $0xFFFFFFFF  }
0xb6: {  	s28 =	simm.s32 $_size_execute0_lowered;
	s4 =	sadd.s32 s4, s6;
	[dreg:$0x0] =	wrdreg $0x0  }
0xb7: {  	s6 =	sshll.u32 s28, $0x1;
	[dreg:$0x2] =	wrdreg s4  }
0xb8: {  	[dreg:$0x3] =	wrdreg s6  }
0xb9: {  	[dreg:$0x4] =	wrdreg $0xC0  }
0xba: {  	_ =	task [dreg:s22], $0x5FFFF  }
0xbb: {  	[dreg:$0x1] =	wrdreg $0xFFFFFFFF  }
0xbc: {  	[dreg:$0x0] =	wrdreg $0x60  }
0xbd: {  	[dreg:$0x2] =	wrdreg s18  }
0xbe: {  	[dreg:$0x3] =	wrdreg s24  }
0xbf: {  	[dreg:$0x4] =	wrdreg $0x9  }
0xc0: {  	_ =	task.clear_ibuf [dreg:s22], $0x5FFFF;
	_ =	strace $0x90000049  }
0xc1: {  	s29 =	simm.s32 $0x9;
	_ =	strace $0x8000004B  }
0xc2: {  	_ =	swait.ge [sflag:s29], $0x1  }
0xc3: {  	[sflag:s29] =	ssyncadd.s32 $0xFFFFFFFF  }
0xc4: {  	_ =	strace $0x9000004B  }
0xc5: {  	_ =	sfence  }
0xc6: {  	s30 =	sld [smem:$0x0];
	_ =	sdelay $0x2  }
0xc7: {  	s31 =	sshll.u32 s1, $0xD;
	s1 =	sshrl.u32 s1, $0x2  }
0xc8: {  	s4 =	sand.u32 $0x4000, s31;
	s1 =	sadd.s32 s1, s30  }
0xc9: {  	s0 =	sor.u32 s4, s0;
	s1 =	sshll.u32 s1, $0x11  }
0xca: {  	s0 =	sor.u32 s1, s0  }
0xcb: {  	s0 =	sadd.s32 $0x8F2B, s0  }
0xcc: {  	[sflag:s0] =	ssyncadd.remote.s32 $0x1  }
0xcd: {  	_ =	sfence.sel $0xFFFF  }
0xce: {  	[dreg:$0x0] =	wrdreg $0xFFFFFFFF;
	(pc) =	sbr.abs _section_cstart, $3  }
0xcf: {  	[dreg:$0x1] =	wrdreg $0xFFFFFFFF  }
0xd0: {  	_ =	task.clear_ibuf [dreg:s22], $0x2FFFF;
	_ =	strace $0x9FFFFFFF  }
0xd1: {  	(tm) =	ssettm $0x7FFFFFFF  }
tec
execute0_lowered:
.L_overlay_start_1:
0x0: {  	(tag) =	ssettag $0x1  }
0x1: {  	s2 =	rddreg [dreg:$0x0];
	s0 =	srdreg.scid  }
0x2: {  	s5 =	rddreg [dreg:$0x1];
	s1 =	stileid.u32;
	s6 =	simm.s32 $0x1  }
0x3: {  	s9 =	simm.s32 $0x1;
	s10 =	simm.s32 $0x3;
	s3 =	sshll.u32 s0, $0xD  }
0x4: {  	s13 =	simm.s32 $0x0;
	s4 =	sshll.u32 s1, $0xE;
	s3 =	sand.u32 $0x2000, s3  }
0x5: {  	s0 =	rddreg [dreg:$0x2];
	_ =	strace $0x8000004A;
	s3 =	sor.u32 s4, s3  }
0x6: {  	s12 =	simm.s32 $0x0;
	[sflag:s6] =	ssyncpa.u1 $0x0;
	s8 =	ssub.s32 $0x80000, s3  }
.Ltmp0:
0x7: {  	s4 =	sadd.s32 $0x1666200, s5;
	s7 =	sand.u32 $0x3E000, s8;
	(pc) =	sbr.rel .LBB2_1-.Ltmp0, $4  }
0x8: {  	s5 =	sadd.s32 $0x1676200, s5;
	s11 =	smov.u32 s3;
	p0 =	sne.s32 s7, $0x0  }
0x9: {  	s8 =	sshrl.u32 s8, $0x12;
	s7 =	simm.s32 $0x2;
	s9 =	simm.s32 @!p0 $0x0  }
0xa: {  	[sflag:s7] =	ssyncpa.u1 $0x0;
	p0 =	por $0x0, $0x0;
	s8 =	sadd.s32 s9, s8  }
0xb: {  	vm0 =	vmmov $0xffff;
	[sflag:s10] =	ssyncpa.u1 $0x0;
	s10 =	simm.s32 $0x0;
	s9 =	sadd.s32 $0x1, s8  }
.LBB2_4:
0xc: {  	vm2 =	veq.s32 v2, $0x80000000;
	v4 =	vand.u32 $0x3F, v4;
	v5 =	vor.u32 v6, v5  }
0xd: {  	v1 =	vand.u32 $0xFFFFF, v1;
	v7 =	vshrl.u32 v2, $0x14;
	v56 =	vand.u32 $0xFFFFF, v2  }
0xe: {  	v4 =	vsel vm1, $0xFFFFFFFF, v4;
	v3 =	vor.u32 v3, v5;
	v1 =	vsel vm1, $0xFFFFFFFF, v1  }
0xf: {  	vm1 =	vmmov vm2;
	v7 =	vand.u32 $0x3F, v7;
	v54 =	vshrl.u32 v4, $0x3  }
0x10: {  	v4 =	vshll.u32 v4, $0x7;
	v55 =	vshll.u32 v1, $0x3;
	v57 =	vsel vm1, $0xFFFFFFFF, v7  }
0x11: {  	v2 =	vsel vm1, $0xFFFFFFFF, v56;
	v1 =	vand.u32 $0x7F, v1;
	v5 =	vmul.u32 $0x7A1400, v54  }
0x12: {  	v6 =	vand.u32 $0xFFFFFC00, v55;
	v4 =	vand.u32 $0x380, v4;
	v7 =	vshrl.u32 v57, $0x3  }
0x13: {  	v59 =	vshll.u32 v2, $0x3;
	v58 =	vmul.u32 $0x7A1400, v7;
	v5 =	vadd.s32 v6, v5  }
0x14: {  	v7 =	vand.u32 $0xFFFFFC00, v59;
	v6 =	vshll.u32 v57, $0x7;
	v4 =	vor.u32 v4, v5  }
0x15: {  	v60 =	vadd.s32 v7, v58;
	v61 =	vand.u32 $0x380, v6;
	v1 =	vor.u32 v1, v4  }
0x16: {  	[tilespmem:s16], [sflag:$0x1] =	stream.indirect_vreg.gather [hbm4b:s2+s10], $0x1, v0, vm0, $0x4038;
	v62 =	vand.u32 $0x7F, v2;
	v63 =	vor.u32 v61, v60;
	[tilespmem:$0x8000] =	vst v63  }
0x17: {  	(ifvalue) =	ssetifvalue $0x7FFFFFFF;
	v0 =	vor.u32 v62, v63  }
0x18: {  	[tilespmem:s15], [sflag:$0x1] =	stream.indirect_vreg.gather [hbm4b:s2+s10], $0x1, v3, vm0, $0x4038;
	[tilespmem:$0x8000] =	vst v63  }
0x19: {  	s29 =	sadd.s32 $0x10, s15;
	(ifvalue) =	ssetifvalue $0x7FFFFFFF  }
0x1a: {  	[tilespmem:s29], [sflag:$0x1] =	stream.indirect_vreg.gather [hbm4b:s2+s10], $0x1, v1, vm0, $0x4038;
	[tilespmem:$0x8000] =	vst v63  }
0x1b: {  	s15 =	sadd.s32 $0x10, s29;
	(ifvalue) =	ssetifvalue $0x7FFFFFFF  }
0x1c: {  	[tilespmem:s15], [sflag:$0x1] =	stream.indirect_vreg.gather [hbm4b:s2+s10], $0x1, v0, vm0, $0x4038;
	[tilespmem:$0x8000] =	vst v63  }
0x1d: {  	_ =	swait.ge [sflag:s6], $0x2000  }
0x1e: {  	s30 =	sshrl.u32 s13, $0x3;
	[sflag:s6] =	ssyncset.done $0x0  }
0x1f: {  	s31 =	sand.u32 $0x7, s13;
	s15 =	sadd.s32 s5, s30;
	[sflag:s6] =	ssyncadd.s32 $0xFFFFE000  }
0x20: {  	[hbm4b:s15+s31] =	stream.linear.scatter [tilespmem:s14], [sflag:$0x3], $0x2000, $0x38;
	[tilespmem:$0x8000] =	vst v63  }
.LBB2_5:
0x21: {  	s15 =	sadd.s32 $0x40000, s11  }
0x22: {  	p2 =	sgt.s32 s15, $0x7FFFF  }
0x23: {  	s15 =	smov.u32 @p2 s3;
	p2 =	sne.s32 s12, s9  }
.Ltmp1:
0x24: {  	p1 =	slt.u32 s12, $0x2;
	(pc) =	sbr.rel @!p2 .LBB2_6-.Ltmp1, $4  }
0x25: {  	s14 =	simm.s32 @!p1 $0x3  }
0x26: {  	s16 =	sadd.s32 $0x1, s12;
	_ =	swait.ge @!p1 [sflag:s14], $0x2000  }
0x27: {  	s13 =	smov.u32 s11;
	p0 =	por !p0, !p0;
	[sflag:s14] =	ssyncset.done @!p1 $0x0  }
0x28: {  	s12 =	smov.u32 s16;
	s11 =	smov.u32 s15;
	[sflag:s14] =	ssyncadd.s32 @!p1 $0xFFFFE000  }
.LBB2_1:
0x29: {  	p1 =	sge.u32 s12, s8  }
0x2a: {  	s14 =	sxor.u32 @!p1 $0xFFFFFFFF, s12  }
0x2b: {  	s31 =	sadd.s32 $0xFFFFFFFF, s12;
	s15 =	sshrl.u32 @!p1 s11, $0x3;
	s14 =	sshll.u32 @!p1 s14, $0xD  }
0x2c: {  	s16 =	sand.u32 @!p1 $0x7, s11;
	s15 =	sadd.s32 @!p1 s4, s15;
	s14 =	sand.u32 @!p1 $0x2000, s14  }
0x2d: {  	[tilespmem:s14], [sflag:$0x2] =	stream.linear.gather @!p1 [hbm4b:s15+s16], $0x2000, $0x38;
	[tilespmem:$0x8000] =	vst v63  }
0x2e: {  	p1 =	sge.u32 s31, s8  }
.Ltmp2:
0x2f: {  	_ = 	snop;
	(pc) =	sbr.rel @p1 .LBB2_5-.Ltmp2, $1  }
0x30: {  	_ =	sdelay $0x3  }
0x31: {  	s14 =	simm.s32 $0x1  }
0x32: {  	_ =	swait.ge [sflag:s7], $0x2000;
	s14 =	simm.s32 @!p0 $0x0  }
0x33: {  	[sflag:s7] =	ssyncset.done $0x0;
	s14 =	sshll.u32 s14, $0xD  }
0x34: {  	[sflag:s7] =	ssyncadd.s32 $0xFFFFE000;
	(ifvalue) =	ssetifvalue $0x7FFFFFFF;
	v0 =	vld.msk [tilespmem:s14+$0x0 ss:$0x1], $0xffff;
	_ =	sdelay $0x2  }
0x35: {  	s15 =	sadd.s32 $0x10, s14  }
0x36: {  	v2 =	vld.msk [tilespmem:s15+$0x0 ss:$0x1], $0xffff  }
0x37: {  	vm1 =	veq.s32 v0, $0x80000000;
	v1 =	vshrl.u32 v0, $0x14  }
0x38: {  	vm1 =	vmmov vm1;
	v3 =	vand.u32 $0x3F, v1  }
0x39: {  	v0 =	vand.u32 $0xFFFFF, v0;
	v3 =	vsel vm1, $0xFFFFFFFF, v3  }
0x3a: {  	s15 =	sadd.s32 $0x10, s15;
	v0 =	vsel vm1, $0xFFFFFFFF, v0;
	v4 =	vshrl.u32 v3, $0x3  }
0x3b: {  	v1 =	vld.msk [tilespmem:s15+$0x0 ss:$0x1], $0xffff;
	v6 =	vshrl.u32 v2, $0x14;
	v5 =	vshll.u32 v0, $0x3;
	v4 =	vmul.u32 $0x7A1400, v4  }
0x3c: {  	vm1 =	veq.s32 v2, $0x80000000;
	v3 =	vshll.u32 v3, $0x7;
	v5 =	vand.u32 $0xFFFFFC00, v5  }
0x3d: {  	v0 =	vand.u32 $0x7F, v0;
	v3 =	vand.u32 $0x380, v3;
	v4 =	vadd.s32 v5, v4  }
0x3e: {  	vm1 =	vmmov vm1;
	v5 =	vand.u32 $0x3F, v6;
	v3 =	vor.u32 v3, v4  }
0x3f: {  	v2 =	vand.u32 $0xFFFFF, v2;
	v4 =	vsel vm1, $0xFFFFFFFF, v5;
	v0 =	vor.u32 v0, v3  }
0x40: {  	s16 =	sshll.u32 s12, $0xD;
	s15 =	sadd.s32 $0x10, s15;
	vm2 =	veq.s32 v1, $0x80000000;
	v3 =	vsel vm1, $0xFFFFFFFF, v2;
	v2 =	vshrl.u32 v4, $0x3  }
0x41: {  	s17 =	sand.u32 $0x2000, s16;
	v6 =	vshll.u32 v4, $0x7;
	v5 =	vmul.u32 $0x7A1400, v2;
	v4 =	vshll.u32 v3, $0x3;
	v2 =	vld.msk [tilespmem:s15+$0x0 ss:$0x1], $0xffff  }
0x42: {  	s16 =	sor.u32 $0x4000, s14;
	s14 =	sor.u32 $0x4000, s17;
	s17 =	simm.s32 $0x30;
	vm1 =	vmmov vm2;
	v3 =	vand.u32 $0x7F, v3;
	v7 =	vand.u32 $0xFFFFFC00, v4  }
0x43: {  	s18 =	sadd.s32 $0x10, s15;
	v6 =	vand.u32 $0x380, v6;
	(ifvalue) =	ssetifvalue $0x7FFFFFFF;
	s15 =	sadd.s32 $0x10, s16;
	v4 =	vshrl.u32 v1, $0x14;
	v5 =	vadd.s32 v7, v5  }
.LBB2_3:
0x44: {  	[tilespmem:s16], [sflag:$0x1] =	stream.indirect_vreg.gather [hbm4b:s2+s10], $0x1, v0, vm0, $0x4038;
	[tilespmem:$0x8000] =	vst v63  }
0x45: {  	s17 =	sadd.s32 $0x10, s17  }
0x46: {  	vm2 =	veq.s32 v2, $0x80000000;
	v4 =	vand.u32 $0x3F, v4;
	v5 =	vor.u32 v6, v5;
	v6 =	vmovc v2;
	v2 =	vld.msk [tilespmem:s18+$0x0 ss:$0x1], $0xffff;
	p1 =	slt.u32 s17, $0x1FF0  }
.Ltmp3:
0x47: {  	v7 =	vand.u32 $0xFFFFF, v1;
	s16 =	smov.u32 s15;
	v4 =	vsel vm1, $0xFFFFFFFF, v4;
	v0 =	vor.u32 v3, v5;
	v1 =	vmovc v6;
	(pc) =	sbr.rel @p1 .LBB2_3-.Ltmp3, $4  }
0x48: {  	v5 =	vsel vm1, $0xFFFFFFFF, v7;
	v6 =	vshrl.u32 v4, $0x3;
	v7 =	vshll.u32 v4, $0x7  }
0x49: {  	v3 =	vand.u32 $0x7F, v5;
	v4 =	vshll.u32 v5, $0x3;
	v6 =	vmul.u32 $0x7A1400, v6  }
0x4a: {  	vm1 =	vmmov vm2;
	v5 =	vand.u32 $0xFFFFFC00, v4  }
0x4b: {  	s18 =	sadd.s32 $0x10, s18;
	s15 =	sadd.s32 $0x10, s15;
	v4 =	vshrl.u32 v1, $0x14;
	v5 =	vadd.s32 v5, v6;
	v6 =	vand.u32 $0x380, v7;
	(ifvalue) =	ssetifvalue $0x7FFFFFFF  }
.Ltmp4:
0x4c: {  	_ = 	snop;
	(pc) =	sbr.rel .LBB2_4-.Ltmp4, $1  }
0x4d: {  	_ =	sdelay $0x3  }
.LBB2_6:
0x4e: {  	_ =	sfence.sel $0x180000  }
0x4f: {  	s2 =	simm.s32 $0x2;
	[bflag:$0x0] =	sbarrier.arrive $0xFFFF  }
0x50: {  	s30 =	simm.s32 $0x3;
	[sflag:s2] =	ssyncpa.u1 $0x1  }
0x51: {  	s31 =	simm.s32 $0x1;
	[sflag:s30] =	ssyncpa.u1 $0x1  }
0x52: {  	[sflag:s31] =	ssyncpa.u1 $0x1  }
0x53: {  	p0 =	sne.s32 s1, $0x0;
	_ =	strace $0x9000004A  }
0x54: {  	s0 =	sadd.s32 @!p0 $0x100000, s0;
	[bflag:$0x2] =	sbarrier.arrive $0xFFFF  }
0x55: {  	[sflag:s0] =	ssyncadd.tile.s32 @!p0 $0x1;
	_ =	shalt  }
.Lfunc_end2:
_tile_overlayer_lowered:
.L_overlay_start_2:
0x56: {  	(tag) =	ssettag $0x2  }
0x57: {  	s0 =	rddreg [dreg:$0x0];
	s2 =	stileid.u32  }
0x58: {  	s1 =	rddreg [dreg:$0x1];
	p0 =	sne.s32 s2, $0x0  }
0x59: {  	s3 =	rddreg [dreg:$0x2];
	[bflag:$0x3] =	sbarrier.arrive $0xFFFF;
	s2 =	simm.s32 @!p0 $0x1C01  }
0x5a: {  	[timem:s3], [sflag:s2] =	dma.local @!p0 [hbm:s0], s1  }
0x5b: {  	s0 =	simm.s32 @!p0 $0x1  }
0x5c: {  	_ =	swait.ge @!p0 [sflag:s0], s1  }
0x5d: {  	s1 =	ssub.s32 @!p0 $0x0, s1;
	[sflag:s0] =	ssyncset.done @!p0 $0x0  }
0x5e: {  	[sflag:s0] =	ssyncadd.s32 @!p0 s1  }
0x5f: {  	[bflag:$0x3] =	sbarrier.arrive $0xFFFF  }
0x60: {  	_ =	shalt  }

// kernel: kernel.5.cloned.1.call-start
scs
__scs_entry_jumppad:
0x0: {  	(pc) =	sbr.rel $0x88, $3  }
0x1: {  	(tag) =	ssettag $0x0;
	lr =	simm.s32 $0x1  }
0x2: {  	[smem:$0x3F94] =	sst lr;
	_ =	strace $0xD0000000  }
0x3: {  	_ = 	snop  }
0x4: {  	_ = 	snop  }
0x5: {  	_ = 	snop  }
0x6: {  	_ = 	snop  }
0x7: {  	_ = 	snop  }
__scs_overlays_trampoline_lowered:
0x8: {  	[smem:$0x3FA3] =	sst s0  }
0x9: {  	[smem:$0x3FA4] =	sst s1  }
0xa: {  	[smem:$0x3FA5] =	sst s2  }
0xb: {  	[smem:$0x3FA6] =	sst s3  }
0xc: {  	[smem:$0x3FA7] =	sst s4  }
0xd: {  	[smem:$0x3FA8] =	sst s5  }
0xe: {  	[smem:$0x3FA9] =	sst s6  }
0xf: {  	[smem:$0x3FAA] =	sst s7  }
0x10: {  	[smem:$0x3FAB] =	sst s8  }
0x11: {  	[smem:$0x3FAC] =	sst s9;
	s0 =	simm.s32 @!p0 $0x0  }
0x12: {  	s1 =	sld [smem:$0x3F92];
	s0 =	simm.s32 @p0 $0x1  }
0x13: {  	[smem:$0x3FAD] =	sst s0;
	s0 =	simm.s32 @!p1 $0x0  }
0x14: {  	s2 =	sld [smem:$0x3F91];
	s0 =	simm.s32 @p1 $0x1  }
0x15: {  	[smem:$0x3FAE] =	sst s0;
	s0 =	simm.s32 @!p2 $0x0  }
0x16: {  	s3 =	sld [smem:$0x3FDB];
	s0 =	simm.s32 @p2 $0x1  }
0x17: {  	s4 =	simm.s32 $0x1BF5;
	[smem:$0x3FB0] =	sst s0  }
0x18: {  	s0 =	sld [smem:$0x3F93];
	_ =	swait.ge [sflag:s4], $0x0  }
0x19: {  	s7 =	sld [smem:$0x3F94]  }
0x1a: {  	s8 =	sadd.s32 $0xFFFFE003, lr  }
0x1b: {  	s9 =	sadd.s32 $0xFFFFFEF7, lr;
	s5 =	simm.s32 $0xFFFFFFFF;
	p2 =	slt.u32 s8, $0xFFFFF086  }
0x1c: {  	p1 =	slt.u32 s9, $0xF7A;
	s5 =	simm.s32 @!p2 $0x0  }
0x1d: {  	s5 =	simm.s32 @p1 $0x1;
	p0 =	seq.s32 s7, s2  }
0x1e: {  	s7 =	smul.u32 @!p0 $0xF7A, s2;
	p2 =	seq.s32 @!p0 s5, $0x0  }
0x1f: {  	s9 =	smul.u32 $0xF7A, s1;
	s8 =	simm.s32 @!p0 $0x1BF5;
	p2 =	por !p2, p0  }
0x20: {  	[sflag:s8] =	ssyncset.s32 @!p0 $0xFFFFF086;
	s6 =	sadd.s32 @!p0 s3, s7;
	s7 =	simm.s32 @!p0 $0x108  }
0x21: {  	s3 =	sadd.s32 s3, s9;
	s6 =	sadd.s32 @!p0 $0x88, s6;
	s7 =	simm.s32 @p2 $0x1082  }
0x22: {  	[simem:s7], [sflag:s8] =	dma.local @!p0 [hbm:s6], $0xF7A  }
0x23: {  	s9 =	sor.u32 $0xD0000000, s2;
	s6 =	simm.s32 $0x108;
	_ =	swait.ge @!p0 [sflag:s8], $0x0  }
0x24: {  	s3 =	sadd.s32 $0x88, s3;
	s6 =	simm.s32 @!p1 $0x1082;
	[sflag:s4] =	ssyncset.s32 $0xFFFFF086  }
0x25: {  	[simem:s6], [sflag:s4] =	dma.local [hbm:s3], $0xF7A  }
0x26: {  	[smem:$0x3F94] =	sst s1;
	(tag) =	ssettag s2;
	_ =	strace s9  }
0x27: {  	s1 =	sld [smem:$0x3FA4]  }
0x28: {  	s2 =	sld [smem:$0x3FA5]  }
0x29: {  	s4 =	sld [smem:$0x3FA7]  }
0x2a: {  	p0 =	seq.s32 s5, $0x0;
	s5 =	sld [smem:$0x3FA8]  }
0x2b: {  	s6 =	sld [smem:$0x3FA9]  }
0x2c: {  	s7 =	sld [smem:$0x3FAA]  }
0x2d: {  	s3 =	simm.s32 $0x108;
	s8 =	sld [smem:$0x3FAB]  }
0x2e: {  	s3 =	simm.s32 @!p0 $0x1082;
	s9 =	sld [smem:$0x3FAC]  }
0x2f: {  	lr =	sadd.s32 s0, s3;
	s0 =	sld [smem:$0x3FA3]  }
0x30: {  	s3 =	sld [smem:$0x3FA6]  }
0x31: {  	[smem:$0x3FAF] =	sst s10  }
0x32: {  	s10 =	sld [smem:$0x3FAD];
	_ =	sdelay $0x3  }
0x33: {  	p0 =	seq.s32 s10, $0x1;
	s10 =	sld [smem:$0x3FAF];
	_ =	sdelay $0x3  }
0x34: {  	[smem:$0x3FAF] =	sst s10  }
0x35: {  	s10 =	sld [smem:$0x3FAE];
	_ =	sdelay $0x3  }
0x36: {  	p1 =	seq.s32 s10, $0x1;
	s10 =	sld [smem:$0x3FAF];
	_ =	sdelay $0x3  }
0x37: {  	[smem:$0x3FAF] =	sst s10  }
0x38: {  	s10 =	sld [smem:$0x3FB0]  }
0x39: {  	_ = 	snop;
	(pc) =	sbr.ind lr, $3  }
0x3a: {  	_ = 	snop  }
0x3b: {  	_ = 	snop  }
0x3c: {  	p2 =	seq.s32 s10, $0x1;
	s10 =	sld [smem:$0x3FAF]  }
0x3d: {  	_ =	shalt  }
0x3e: {  	_ =	shalt  }
0x3f: {  	_ =	shalt  }
0x40: {  	_ =	shalt  }
0x41: {  	_ =	shalt  }
0x42: {  	_ =	shalt  }
0x43: {  	_ =	shalt  }
0x44: {  	_ =	shalt  }
0x45: {  	_ =	shalt  }
0x46: {  	_ =	shalt  }
0x47: {  	_ =	shalt  }
0x48: {  	_ =	shalt  }
0x49: {  	_ =	shalt  }
0x4a: {  	_ =	shalt  }
0x4b: {  	_ =	shalt  }
0x4c: {  	_ =	shalt  }
0x4d: {  	_ =	shalt  }
0x4e: {  	_ =	shalt  }
0x4f: {  	_ =	shalt  }
0x50: {  	_ =	shalt  }
0x51: {  	_ =	shalt  }
0x52: {  	_ =	shalt  }
0x53: {  	_ =	shalt  }
0x54: {  	_ =	shalt  }
0x55: {  	_ =	shalt  }
0x56: {  	_ =	shalt  }
0x57: {  	_ =	shalt  }
0x58: {  	_ =	shalt  }
0x59: {  	_ =	shalt  }
0x5a: {  	_ =	shalt  }
0x5b: {  	_ =	shalt  }
0x5c: {  	_ =	shalt  }
0x5d: {  	_ =	shalt  }
0x5e: {  	_ =	shalt  }
0x5f: {  	_ =	shalt  }
0x60: {  	_ =	shalt  }
0x61: {  	_ =	shalt  }
0x62: {  	_ =	shalt  }
0x63: {  	_ =	shalt  }
0x64: {  	_ =	shalt  }
0x65: {  	_ =	shalt  }
0x66: {  	_ =	shalt  }
0x67: {  	_ =	shalt  }
0x68: {  	_ =	shalt  }
0x69: {  	_ =	shalt  }
0x6a: {  	_ =	shalt  }
0x6b: {  	_ =	shalt  }
0x6c: {  	_ =	shalt  }
0x6d: {  	_ =	shalt  }
0x6e: {  	_ =	shalt  }
0x6f: {  	_ =	shalt  }
0x70: {  	_ =	shalt  }
0x71: {  	_ =	shalt  }
0x72: {  	_ =	shalt  }
0x73: {  	_ =	shalt  }
0x74: {  	_ =	shalt  }
0x75: {  	_ =	shalt  }
0x76: {  	_ =	shalt  }
0x77: {  	_ =	shalt  }
0x78: {  	_ =	shalt  }
0x79: {  	_ =	shalt  }
0x7a: {  	_ =	shalt  }
0x7b: {  	_ =	shalt  }
0x7c: {  	_ =	shalt  }
0x7d: {  	_ =	shalt  }
0x7e: {  	_ =	shalt  }
0x7f: {  	_ =	shalt  }
0x80: {  	_ =	shalt  }
0x81: {  	_ =	shalt  }
0x82: {  	_ =	shalt  }
0x83: {  	_ =	shalt  }
0x84: {  	_ =	shalt  }
0x85: {  	_ =	shalt  }
0x86: {  	_ =	shalt  }
0x87: {  	_ =	shalt  }
.Lfunc_end0:
.L_simem_size_0:
called_computation.3_lowered:
.L_overlay_start_0:
0x88: {  	s2 =	sld [smem:$0x3FD9]  }
0x89: {  	s3 =	sld [smem:$0x3FFE];
	_ =	sdelay $0x1  }
0x8a: {  	s1 =	srdreg.scid  }
0x8b: {  	s0 =	sand.u32 $0x1, s1  }
0x8c: {  	s17 =	sshll.u32 s0, $0xA;
	s2 =	sadd.s32 s3, s2  }
0x8d: {  	s2 =	sadd.s32 s2, s17  }
0x8e: {  	[smem:$0x3FBB] =	sst s2  }
0x8f: {  	_ = 	snop  }
0x90: {  	(tm) =	ssettm $0x1  }
0x91: {  	s18 =	sld [smem:$0x3FFB];
	_ =	sdelay $0x3  }
0x92: {  	_ =	strace s18  }
0x93: {  	s2 =	sld [smem:$0x3FFC];
	_ =	sdelay $0x3  }
0x94: {  	_ =	strace s2  }
0x95: {  	s2 =	sld [smem:$0x3FFD];
	_ =	sdelay $0x3  }
0x96: {  	_ =	strace s2  }
0x97: {  	_ =	strace $0x8FFFFFFF  }
0x98: {  	s19 =	sld [smem:$0x3FDB];
	_ =	sdelay $0x1  }
0x99: {  	s20 =	simm.s32 $_scs_section_size  }
0x9a: {  	s4 =	simm.s32 $_size__tile_overlayer_lowered;
	s5 =	simm.s32 $_tile_overlayer_lowered  }
0x9b: {  	s6 =	simm.s32 $0x1BFF;
	s21 =	sshll.u32 s5, $0x1;
	s3 =	sadd.s32 s20, s19  }
0x9c: {  	s22 =	simm.s32 $0x0;
	s4 =	sshll.u32 s4, $0x1;
	s5 =	sadd.s32 s21, s3  }
0x9d: {  	[timem:s22], [sflag:s6] =	dma.local [hbm:s5], s4  }
0x9e: {  	_ =	swait.ge [sflag:s6], s4  }
0x9f: {  	s4 =	ssub.s32 $0x0, s4;
	[sflag:s6] =	ssyncset.done $0x0  }
0xa0: {  	[sflag:s6] =	ssyncadd.s32 s4;
	_ =	sdelay $0x1  }
0xa1: {  	s23 =	simm.s32 $0x1B8B  }
0xa2: {  	_ =	swait.ge [sflag:s23], $0x1  }
0xa3: {  	[sflag:s23] =	ssyncset.done $0x0  }
0xa4: {  	[sflag:s23] =	ssyncadd.s32 $0xFFFFFFFF  }
0xa5: {  	s4 =	sld [smem:$0x0]  }
0xa6: {  	s5 =	sand.u32 $0xFFFFFFFE, s1  }
0xa7: {  	p0 =	sne.s32 s1, s5  }
0xa8: {  	s5 =	sshll.u32 @p0 s5, $0xE  }
0xa9: {  	s5 =	sadd.s32 @p0 $0x11B8D, s5;
	s6 =	sshll.u32 @p0 s4, $0x11  }
0xaa: {  	s5 =	sor.u32 @p0 s6, s5  }
0xab: {  	[sflag:s5] =	ssyncadd.remote.s32 @p0 $0x1;
	_ =	sdelay $0x1  }
0xac: {  	s5 =	simm.s32 @p0 $0x1B8D  }
0xad: {  	_ =	swait.eq @p0 [sflag:s5], $0x1  }
0xae: {  	[sflag:s5] =	ssyncadd.s32 @p0 $0xFFFFFFFF  }
0xaf: {  	s6 =	sshll.u32 @!p0 s1, $0xE  }
0xb0: {  	s6 =	sor.u32 @!p0 $0x4000, s6;
	s5 =	simm.s32 @!p0 $0x1B8D  }
0xb1: {  	s4 =	sshll.u32 @!p0 s4, $0x11;
	s6 =	sadd.s32 @!p0 $0x11B8D, s6;
	_ =	swait.eq @!p0 [sflag:s5], $0x1  }
0xb2: {  	s4 =	sor.u32 @!p0 s4, s6;
	[sflag:s5] =	ssyncadd.s32 @!p0 $0xFFFFFFFF  }
0xb3: {  	s25 =	simm.s32 $0x1B8E;
	s24 =	sld [smem:$0x3FFE];
	[sflag:s4] =	ssyncadd.remote.s32 @!p0 $0x1  }
0xb4: {  	s26 =	simm.s32 $execute0_lowered;
	[smem:$0x3FD2] =	sst s25  }
0xb5: {  	s5 =	sshll.u32 s26, $0x1;
	_ =	strace $0x8000004F;
	[dreg:$0x1] =	wrdreg $0xFFFFFFFF  }
0xb6: {  	s28 =	simm.s32 $_size_execute0_lowered;
	s3 =	sadd.s32 s3, s5;
	[dreg:$0x0] =	wrdreg $0x0  }
0xb7: {  	s5 =	sshll.u32 s28, $0x1;
	[dreg:$0x2] =	wrdreg s3  }
0xb8: {  	[dreg:$0x3] =	wrdreg s5  }
0xb9: {  	[dreg:$0x4] =	wrdreg $0xC0  }
0xba: {  	_ =	task [dreg:s22], $0x5FFFF  }
0xbb: {  	[dreg:$0x1] =	wrdreg $0xFFFFFFFF  }
0xbc: {  	[dreg:$0x0] =	wrdreg $0x60  }
0xbd: {  	[dreg:$0x2] =	wrdreg s24  }
0xbe: {  	[dreg:$0x3] =	wrdreg $0xB  }
0xbf: {  	_ =	task.clear_ibuf [dreg:s22], $0x4FFFF;
	_ =	strace $0x9000004F  }
0xc0: {  	s29 =	simm.s32 $0xB;
	_ =	strace $0x80000051  }
0xc1: {  	_ =	swait.ge [sflag:s29], $0x1  }
0xc2: {  	[sflag:s29] =	ssyncadd.s32 $0xFFFFFFFF  }
0xc3: {  	_ =	strace $0x90000051  }
0xc4: {  	_ =	sfence  }
0xc5: {  	s30 =	sld [smem:$0x0];
	_ =	sdelay $0x2  }
0xc6: {  	s31 =	sshll.u32 s1, $0xD;
	s1 =	sshrl.u32 s1, $0x2  }
0xc7: {  	s4 =	sand.u32 $0x4000, s31;
	s1 =	sadd.s32 s1, s30  }
0xc8: {  	s0 =	sor.u32 s4, s0;
	s1 =	sshll.u32 s1, $0x11  }
0xc9: {  	s0 =	sor.u32 s1, s0  }
0xca: {  	s0 =	sadd.s32 $0x8F2B, s0  }
0xcb: {  	[sflag:s0] =	ssyncadd.remote.s32 $0x1  }
0xcc: {  	_ =	sfence.sel $0xFFFF  }
0xcd: {  	[dreg:$0x0] =	wrdreg $0xFFFFFFFF;
	(pc) =	sbr.abs _section_cstart, $3  }
0xce: {  	[dreg:$0x1] =	wrdreg $0xFFFFFFFF  }
0xcf: {  	_ =	task.clear_ibuf [dreg:s22], $0x2FFFF;
	_ =	strace $0x9FFFFFFF  }
0xd0: {  	(tm) =	ssettm $0x7FFFFFFF  }
0xd1: {  	_ =	shalt  }
tec
execute0_lowered:
.L_overlay_start_1:
0x0: {  	(tag) =	ssettag $0x1  }
0x1: {  	s1 =	srdreg.scid;
	s0 =	stileid.u32  }
0x2: {  	s5 =	rddreg [dreg:$0x0];
	s4 =	sand.u32 $0x1, s1;
	s30 =	sshll.u32 s0, $0x1  }
0x3: {  	s2 =	simm.s32 $0x0;
	s12 =	simm.s32 $0x2;
	s6 =	sor.u32 s4, s30  }
0x4: {  	s13 =	simm.s32 $0x19000;
	s14 =	simm.s32 $0x3;
	s7 =	smul.u32 $0x480, s6  }
0x5: {  	s15 =	simm.s32 $0x0;
	s1 =	rddreg [dreg:$0x1];
	s3 =	smul.u32 $0x48, s6  }
0x6: {  	[smem:$0x7FF] =	sst s2;
	s8 =	ssub.s32 $0x2, s4;
	s9 =	smul.u32 $0x1C2000, s6  }
0x7: {  	_ =	strace $0x80000050;
	s10 =	sshrl.u32 s8, $0x1;
	s6 =	smul.u32 $0x38400, s6  }
0x8: {  	s4 =	sadd.s32 $0xF53200, s5;
	s10 =	ssub.s32 s8, s10;
	s11 =	sadd.s32 s7, s5  }
0x9: {  	s31 =	sshrl.u32 s9, $0x3;
	s5 =	sadd.s32 s4, s6;
	s6 =	sor.u32 $0x4, s3  }
0xa: {  	s9 =	smax.u32 s10, $0x1;
	s10 =	simm.s32 $0x1;
	s7 =	sadd.s32 s4, s31  }
0xb: {  	s8 =	sadd.s32 $0xF45000, s11;
	s11 =	simm.s32 $0xC800;
	s7 =	sadd.s32 $0x36B00, s7  }
.LBB2_1:
0xc: {  	[tilespmem:s2], [sflag:$0x1] =	stream.linear.gather [hbm4b:s5+s2], $0xC800, $0x38;
	[tilespmem:$0x1B400] =	vst v63  }
0xd: {  	_ =	swait.ge [sflag:s10], $0xC800  }
0xe: {  	[sflag:s10] =	ssyncset.done $0x0  }
0xf: {  	s16 =	simm.s32 $0x0;
	[sflag:s10] =	ssyncadd.s32 $0xFFFF3800  }
.LBB2_2:
0x10: {  	s19 =	sshll.u32 s16, $0x2  }
0x11: {  	s18 =	sor.u32 $0x2, s19  }
0x12: {  	s17 =	sadd.s32 s3, s18  }
0x13: {  	s17 =	smul.u32 $0xC80, s17;
	_ =	sdelay $0x1  }
0x14: {  	s20 =	simm.s32 $0x0;
	s17 =	sadd.s32 s4, s17  }
0x15: {  	[tilespmem:s11], [sflag:$0x2] =	stream.linear.gather [hbm4b:s17+s20], $0xC800, $0x38;
	[tilespmem:$0x1B400] =	vst v63  }
0x16: {  	s17 =	simm.s32 $0x0  }
0x17: {  	v0 =	vld [tilespmem:s17+$0x180]  }
0x18: {  	v1 =	vld [tilespmem:s17+$0x190]  }
0x19: {  	v6 =	vld [tilespmem:s17+$0x100]  }
0x1a: {  	v7 =	vld [tilespmem:s17+$0x110]  }
0x1b: {  	v8 =	vld [tilespmem:s17+$0x80]  }
0x1c: {  	v2 =	vimm.f32 $0.0e+00;
	v10 =	vld [tilespmem:s17+$0x90]  }
0x1d: {  	v4 =	vimm.f32 $0.0e+00;
	v5 =	vimm.f32 $0.0e+00;
	v3 =	vimm.f32 $0.0e+00;
	s20 =	simm.s32 $0x800;
	v9 =	vld [tilespmem:s17+$0xA0]  }
.LBB2_3:
0x1e: {  	p0 =	sne.s32 s20, $0x18800;
	v11 =	vld [tilespmem:s17+$0xB0]  }
0x1f: {  	v12 =	vld [tilespmem:s17+$0x120]  }
0x20: {  	v13 =	vld [tilespmem:s17+$0x130]  }
0x21: {  	v14 =	vld [tilespmem:s17+$0x1A0]  }
0x22: {  	v8 =	vadd.f32 $0.0e+00, v8;
	v10 =	vadd.f32 $0.0e+00, v10;
	v15 =	vld [tilespmem:s17+$0x1B0]  }
0x23: {  	v9 =	vadd.f32 $0.0e+00, v9;
	v16 =	vld [tilespmem:s17+$0x0];
	v11 =	vadd.f32 $0.0e+00, v11  }
0x24: {  	v6 =	vadd.f32 v6, v8;
	v7 =	vadd.f32 v7, v10;
	v8 =	vld [tilespmem:s17+$0x10]  }
0x25: {  	v9 =	vadd.f32 v12, v9;
	v10 =	vld [tilespmem:s17+$0x20];
	v11 =	vadd.f32 v13, v11  }
0x26: {  	v6 =	vadd.f32 v0, v6;
	v7 =	vadd.f32 v1, v7;
	v12 =	vld [tilespmem:s17+$0x30];
	s17 =	sshra.s32 s20, $0x2  }
0x27: {  	v9 =	vadd.f32 v14, v9;
	v0 =	vld [tilespmem:s17+$0x180];
	v11 =	vadd.f32 v15, v11  }
0x28: {  	v2 =	vadd.f32 v6, v2;
	v4 =	vadd.f32 v7, v4;
	v1 =	vld [tilespmem:s17+$0x190]  }
.Ltmp0:
0x29: {  	v5 =	vadd.f32 v9, v5;
	v6 =	vld [tilespmem:s17+$0x100];
	v3 =	vadd.f32 v11, v3;
	(pc) =	sbr.rel @p0 .LBB2_3-.Ltmp0, $4  }
0x2a: {  	v2 =	vadd.f32 v2, v16;
	v4 =	vadd.f32 v4, v8;
	v7 =	vld [tilespmem:s17+$0x110]  }
0x2b: {  	v5 =	vadd.f32 v5, v10;
	v8 =	vld [tilespmem:s17+$0x80];
	v3 =	vadd.f32 v3, v12  }
0x2c: {  	v10 =	vld [tilespmem:s17+$0x90]  }
0x2d: {  	s20 =	sadd.s32 $0x800, s20;
	v9 =	vld [tilespmem:s17+$0xA0]  }
0x2e: {  	v11 =	vld [tilespmem:s17+$0xB0]  }
0x2f: {  	v12 =	vld [tilespmem:s17+$0x120]  }
0x30: {  	v13 =	vld [tilespmem:s17+$0x130];
	v8 =	vadd.f32 $0.0e+00, v8  }
0x31: {  	v14 =	vld [tilespmem:s17+$0x1A0];
	v10 =	vadd.f32 $0.0e+00, v10  }
0x32: {  	v15 =	vld [tilespmem:s17+$0x1B0];
	v9 =	vadd.f32 $0.0e+00, v9;
	v6 =	vadd.f32 v6, v8  }
0x33: {  	v8 =	vld [tilespmem:s17+$0x0];
	v11 =	vadd.f32 $0.0e+00, v11;
	v7 =	vadd.f32 v7, v10  }
0x34: {  	v10 =	vld [tilespmem:s17+$0x10];
	v9 =	vadd.f32 v12, v9;
	v0 =	vadd.f32 v0, v6  }
0x35: {  	v6 =	vld [tilespmem:s17+$0x20];
	v11 =	vadd.f32 v13, v11;
	v1 =	vadd.f32 v1, v7  }
0x36: {  	v7 =	vld [tilespmem:s17+$0x30];
	v9 =	vadd.f32 v14, v9;
	v0 =	vadd.f32 v0, v2  }
0x37: {  	v2 =	vadd.f32 v15, v11;
	v1 =	vadd.f32 v1, v4  }
0x38: {  	s31 =	sshll.u32 s16, $0x9;
	v4 =	vadd.f32 v9, v5;
	v0 =	vadd.f32 v0, v8  }
0x39: {  	s17 =	sand.u32 $0x3FFFFE00, s31;
	v2 =	vadd.f32 v2, v3;
	v1 =	vadd.f32 v1, v10  }
0x3a: {  	v3 =	vadd.f32 v4, v6;
	[tilespmem:s17+$0x19000] =	vst v0  }
0x3b: {  	v0 =	vadd.f32 v2, v7;
	[tilespmem:s17+$0x19010] =	vst v1  }
0x3c: {  	[tilespmem:s17+$0x19020] =	vst v3  }
0x3d: {  	s20 =	simm.s32 $0x0;
	[tilespmem:s17+$0x19030] =	vst v0  }
0x3e: {  	v0 =	vld [tilespmem:s20+$0x6580]  }
0x3f: {  	v1 =	vld [tilespmem:s20+$0x6590]  }
0x40: {  	v6 =	vld [tilespmem:s20+$0x6500]  }
0x41: {  	v7 =	vld [tilespmem:s20+$0x6510]  }
0x42: {  	v8 =	vld [tilespmem:s20+$0x6480]  }
0x43: {  	v5 =	vimm.f32 $0.0e+00;
	v10 =	vld [tilespmem:s20+$0x6490]  }
0x44: {  	s21 =	simm.s32 $0x800;
	v4 =	vimm.f32 $0.0e+00;
	v2 =	vimm.f32 $0.0e+00;
	v3 =	vimm.f32 $0.0e+00;
	v9 =	vld [tilespmem:s20+$0x64A0]  }
.LBB2_5:
0x45: {  	p0 =	sne.s32 s21, $0x18800;
	v11 =	vld [tilespmem:s20+$0x64B0]  }
0x46: {  	v12 =	vld [tilespmem:s20+$0x6520]  }
0x47: {  	v13 =	vld [tilespmem:s20+$0x6530]  }
0x48: {  	v14 =	vld [tilespmem:s20+$0x65A0]  }
0x49: {  	v8 =	vadd.f32 $0.0e+00, v8;
	v10 =	vadd.f32 $0.0e+00, v10;
	v15 =	vld [tilespmem:s20+$0x65B0]  }
0x4a: {  	v9 =	vadd.f32 $0.0e+00, v9;
	v16 =	vld [tilespmem:s20+$0x6400];
	v11 =	vadd.f32 $0.0e+00, v11  }
0x4b: {  	v6 =	vadd.f32 v6, v8;
	v7 =	vadd.f32 v7, v10;
	v8 =	vld [tilespmem:s20+$0x6410]  }
0x4c: {  	v9 =	vadd.f32 v12, v9;
	v10 =	vld [tilespmem:s20+$0x6420];
	v11 =	vadd.f32 v13, v11  }
0x4d: {  	v6 =	vadd.f32 v0, v6;
	v7 =	vadd.f32 v1, v7;
	v12 =	vld [tilespmem:s20+$0x6430];
	s20 =	sshra.s32 s21, $0x2  }
0x4e: {  	v9 =	vadd.f32 v14, v9;
	v0 =	vld [tilespmem:s20+$0x6580];
	v11 =	vadd.f32 v15, v11  }
0x4f: {  	v2 =	vadd.f32 v6, v2;
	v4 =	vadd.f32 v7, v4;
	v1 =	vld [tilespmem:s20+$0x6590]  }
.Ltmp1:
0x50: {  	v5 =	vadd.f32 v9, v5;
	v6 =	vld [tilespmem:s20+$0x6500];
	v3 =	vadd.f32 v11, v3;
	(pc) =	sbr.rel @p0 .LBB2_5-.Ltmp1, $4  }
0x51: {  	v2 =	vadd.f32 v2, v16;
	v4 =	vadd.f32 v4, v8;
	v7 =	vld [tilespmem:s20+$0x6510]  }
0x52: {  	v5 =	vadd.f32 v5, v10;
	v8 =	vld [tilespmem:s20+$0x6480];
	v3 =	vadd.f32 v3, v12  }
0x53: {  	v10 =	vld [tilespmem:s20+$0x6490]  }
0x54: {  	s21 =	sadd.s32 $0x800, s21;
	v9 =	vld [tilespmem:s20+$0x64A0]  }
0x55: {  	v11 =	vld [tilespmem:s20+$0x64B0]  }
0x56: {  	v12 =	vld [tilespmem:s20+$0x6520]  }
0x57: {  	v13 =	vld [tilespmem:s20+$0x6530];
	v8 =	vadd.f32 $0.0e+00, v8  }
0x58: {  	v14 =	vld [tilespmem:s20+$0x65A0];
	v10 =	vadd.f32 $0.0e+00, v10  }
0x59: {  	v15 =	vld [tilespmem:s20+$0x65B0];
	v9 =	vadd.f32 $0.0e+00, v9;
	v6 =	vadd.f32 v6, v8  }
0x5a: {  	v8 =	vld [tilespmem:s20+$0x6400];
	v11 =	vadd.f32 $0.0e+00, v11;
	v7 =	vadd.f32 v7, v10  }
0x5b: {  	v10 =	vld [tilespmem:s20+$0x6410];
	v9 =	vadd.f32 v12, v9;
	v0 =	vadd.f32 v0, v6  }
0x5c: {  	v6 =	vld [tilespmem:s20+$0x6420];
	v11 =	vadd.f32 v13, v11;
	v1 =	vadd.f32 v1, v7  }
0x5d: {  	v7 =	vld [tilespmem:s20+$0x6430];
	v9 =	vadd.f32 v14, v9;
	v0 =	vadd.f32 v0, v2  }
0x5e: {  	v2 =	vadd.f32 v15, v11;
	v1 =	vadd.f32 v1, v4  }
0x5f: {  	v4 =	vadd.f32 v9, v5;
	v0 =	vadd.f32 v0, v8  }
0x60: {  	v2 =	vadd.f32 v2, v3;
	v1 =	vadd.f32 v1, v10  }
0x61: {  	v3 =	vadd.f32 v4, v6;
	[tilespmem:s17+$0x19080] =	vst v0  }
0x62: {  	v0 =	vadd.f32 v2, v7;
	[tilespmem:s17+$0x19090] =	vst v1  }
0x63: {  	[tilespmem:s17+$0x190A0] =	vst v3  }
0x64: {  	s19 =	sadd.s32 s19, s6;
	[tilespmem:s17+$0x190B0] =	vst v0  }
0x65: {  	s19 =	smul.u32 $0xC80, s19;
	_ =	swait.ge [sflag:s12], $0xC800  }
0x66: {  	[sflag:s12] =	ssyncset.done $0x0  }
0x67: {  	s31 =	simm.s32 $0x0;
	s19 =	sadd.s32 s4, s19;
	[sflag:s12] =	ssyncadd.s32 $0xFFFF3800  }
0x68: {  	[tilespmem:s31], [sflag:$0x1] =	stream.linear.gather [hbm4b:s19+s31], $0xC800, $0x38;
	[tilespmem:$0x1B400] =	vst v63  }
0x69: {  	s19 =	simm.s32 $0x0  }
0x6a: {  	v0 =	vld [tilespmem:s19+$0xC980]  }
0x6b: {  	v1 =	vld [tilespmem:s19+$0xC990]  }
0x6c: {  	v6 =	vld [tilespmem:s19+$0xC900]  }
0x6d: {  	v7 =	vld [tilespmem:s19+$0xC910]  }
0x6e: {  	v8 =	vld [tilespmem:s19+$0xC880]  }
0x6f: {  	v5 =	vimm.f32 $0.0e+00;
	v10 =	vld [tilespmem:s19+$0xC890]  }
0x70: {  	s20 =	simm.s32 $0x800;
	v4 =	vimm.f32 $0.0e+00;
	v2 =	vimm.f32 $0.0e+00;
	v3 =	vimm.f32 $0.0e+00;
	v9 =	vld [tilespmem:s19+$0xC8A0]  }
.LBB2_7:
0x71: {  	p0 =	sne.s32 s20, $0x18800;
	v11 =	vld [tilespmem:s19+$0xC8B0]  }
0x72: {  	v12 =	vld [tilespmem:s19+$0xC920]  }
0x73: {  	v13 =	vld [tilespmem:s19+$0xC930]  }
0x74: {  	v14 =	vld [tilespmem:s19+$0xC9A0]  }
0x75: {  	v8 =	vadd.f32 $0.0e+00, v8;
	v10 =	vadd.f32 $0.0e+00, v10;
	v15 =	vld [tilespmem:s19+$0xC9B0]  }
0x76: {  	v9 =	vadd.f32 $0.0e+00, v9;
	v16 =	vld [tilespmem:s19+$0xC800];
	v11 =	vadd.f32 $0.0e+00, v11  }
0x77: {  	v6 =	vadd.f32 v6, v8;
	v7 =	vadd.f32 v7, v10;
	v8 =	vld [tilespmem:s19+$0xC810]  }
0x78: {  	v9 =	vadd.f32 v12, v9;
	v10 =	vld [tilespmem:s19+$0xC820];
	v11 =	vadd.f32 v13, v11  }
0x79: {  	v6 =	vadd.f32 v0, v6;
	v7 =	vadd.f32 v1, v7;
	v12 =	vld [tilespmem:s19+$0xC830];
	s19 =	sshra.s32 s20, $0x2  }
0x7a: {  	v9 =	vadd.f32 v14, v9;
	v0 =	vld [tilespmem:s19+$0xC980];
	v11 =	vadd.f32 v15, v11  }
0x7b: {  	v2 =	vadd.f32 v6, v2;
	v4 =	vadd.f32 v7, v4;
	v1 =	vld [tilespmem:s19+$0xC990]  }
.Ltmp2:
0x7c: {  	v5 =	vadd.f32 v9, v5;
	v6 =	vld [tilespmem:s19+$0xC900];
	v3 =	vadd.f32 v11, v3;
	(pc) =	sbr.rel @p0 .LBB2_7-.Ltmp2, $4  }
0x7d: {  	v2 =	vadd.f32 v2, v16;
	v4 =	vadd.f32 v4, v8;
	v7 =	vld [tilespmem:s19+$0xC910]  }
0x7e: {  	v5 =	vadd.f32 v5, v10;
	v8 =	vld [tilespmem:s19+$0xC880];
	v3 =	vadd.f32 v3, v12  }
0x7f: {  	v10 =	vld [tilespmem:s19+$0xC890]  }
0x80: {  	s20 =	sadd.s32 $0x800, s20;
	v9 =	vld [tilespmem:s19+$0xC8A0]  }
0x81: {  	v11 =	vld [tilespmem:s19+$0xC8B0]  }
0x82: {  	v12 =	vld [tilespmem:s19+$0xC920]  }
0x83: {  	v13 =	vld [tilespmem:s19+$0xC930];
	v8 =	vadd.f32 $0.0e+00, v8  }
0x84: {  	v14 =	vld [tilespmem:s19+$0xC9A0];
	v10 =	vadd.f32 $0.0e+00, v10  }
0x85: {  	v15 =	vld [tilespmem:s19+$0xC9B0];
	v9 =	vadd.f32 $0.0e+00, v9;
	v6 =	vadd.f32 v6, v8  }
0x86: {  	v8 =	vld [tilespmem:s19+$0xC800];
	v11 =	vadd.f32 $0.0e+00, v11;
	v7 =	vadd.f32 v7, v10  }
0x87: {  	v10 =	vld [tilespmem:s19+$0xC810];
	v9 =	vadd.f32 v12, v9;
	v0 =	vadd.f32 v0, v6  }
0x88: {  	v6 =	vld [tilespmem:s19+$0xC820];
	v11 =	vadd.f32 v13, v11;
	v1 =	vadd.f32 v1, v7  }
0x89: {  	v7 =	vld [tilespmem:s19+$0xC830];
	v9 =	vadd.f32 v14, v9;
	v0 =	vadd.f32 v0, v2  }
0x8a: {  	v2 =	vadd.f32 v15, v11;
	v1 =	vadd.f32 v1, v4  }
0x8b: {  	s18 =	sshll.u32 s18, $0x7;
	v4 =	vadd.f32 v9, v5;
	v0 =	vadd.f32 v0, v8  }
0x8c: {  	s18 =	sand.u32 $0x3FFFFF80, s18;
	v2 =	vadd.f32 v2, v3;
	v1 =	vadd.f32 v1, v10  }
0x8d: {  	v3 =	vadd.f32 v4, v6;
	[tilespmem:s18+$0x19000] =	vst v0  }
0x8e: {  	v0 =	vadd.f32 v2, v7;
	[tilespmem:s18+$0x19010] =	vst v1  }
0x8f: {  	[tilespmem:s18+$0x19020] =	vst v3  }
0x90: {  	[tilespmem:s18+$0x19030] =	vst v0;
	s18 =	simm.s32 $0x0  }
0x91: {  	v0 =	vld [tilespmem:s18+$0x12D80]  }
0x92: {  	v1 =	vld [tilespmem:s18+$0x12D90]  }
0x93: {  	v6 =	vld [tilespmem:s18+$0x12D00]  }
0x94: {  	v7 =	vld [tilespmem:s18+$0x12D10]  }
0x95: {  	v8 =	vld [tilespmem:s18+$0x12C80]  }
0x96: {  	v5 =	vimm.f32 $0.0e+00;
	v10 =	vld [tilespmem:s18+$0x12C90]  }
0x97: {  	s19 =	simm.s32 $0x800;
	v4 =	vimm.f32 $0.0e+00;
	v2 =	vimm.f32 $0.0e+00;
	v3 =	vimm.f32 $0.0e+00;
	v9 =	vld [tilespmem:s18+$0x12CA0]  }
.LBB2_9:
0x98: {  	p0 =	sne.s32 s19, $0x18800;
	v11 =	vld [tilespmem:s18+$0x12CB0]  }
0x99: {  	v12 =	vld [tilespmem:s18+$0x12D20]  }
0x9a: {  	v13 =	vld [tilespmem:s18+$0x12D30]  }
0x9b: {  	v14 =	vld [tilespmem:s18+$0x12DA0]  }
0x9c: {  	v8 =	vadd.f32 $0.0e+00, v8;
	v10 =	vadd.f32 $0.0e+00, v10;
	v15 =	vld [tilespmem:s18+$0x12DB0]  }
0x9d: {  	v9 =	vadd.f32 $0.0e+00, v9;
	v16 =	vld [tilespmem:s18+$0x12C00];
	v11 =	vadd.f32 $0.0e+00, v11  }
0x9e: {  	v6 =	vadd.f32 v6, v8;
	v7 =	vadd.f32 v7, v10;
	v8 =	vld [tilespmem:s18+$0x12C10]  }
0x9f: {  	v9 =	vadd.f32 v12, v9;
	v10 =	vld [tilespmem:s18+$0x12C20];
	v11 =	vadd.f32 v13, v11  }
0xa0: {  	v6 =	vadd.f32 v0, v6;
	v7 =	vadd.f32 v1, v7;
	v12 =	vld [tilespmem:s18+$0x12C30];
	s18 =	sshra.s32 s19, $0x2  }
0xa1: {  	v9 =	vadd.f32 v14, v9;
	v0 =	vld [tilespmem:s18+$0x12D80];
	v11 =	vadd.f32 v15, v11  }
0xa2: {  	v2 =	vadd.f32 v6, v2;
	v4 =	vadd.f32 v7, v4;
	v1 =	vld [tilespmem:s18+$0x12D90]  }
.Ltmp3:
0xa3: {  	v5 =	vadd.f32 v9, v5;
	v6 =	vld [tilespmem:s18+$0x12D00];
	v3 =	vadd.f32 v11, v3;
	(pc) =	sbr.rel @p0 .LBB2_9-.Ltmp3, $4  }
0xa4: {  	v2 =	vadd.f32 v2, v16;
	v4 =	vadd.f32 v4, v8;
	v7 =	vld [tilespmem:s18+$0x12D10]  }
0xa5: {  	v5 =	vadd.f32 v5, v10;
	v8 =	vld [tilespmem:s18+$0x12C80];
	v3 =	vadd.f32 v3, v12  }
0xa6: {  	v10 =	vld [tilespmem:s18+$0x12C90]  }
0xa7: {  	s19 =	sadd.s32 $0x800, s19;
	v9 =	vld [tilespmem:s18+$0x12CA0]  }
0xa8: {  	v11 =	vld [tilespmem:s18+$0x12CB0]  }
0xa9: {  	v12 =	vld [tilespmem:s18+$0x12D20]  }
0xaa: {  	v13 =	vld [tilespmem:s18+$0x12D30];
	v8 =	vadd.f32 $0.0e+00, v8  }
0xab: {  	v14 =	vld [tilespmem:s18+$0x12DA0];
	v10 =	vadd.f32 $0.0e+00, v10  }
0xac: {  	v15 =	vld [tilespmem:s18+$0x12DB0];
	v9 =	vadd.f32 $0.0e+00, v9;
	v6 =	vadd.f32 v6, v8  }
0xad: {  	v56 =	vld [tilespmem:s18+$0x12C00];
	v11 =	vadd.f32 $0.0e+00, v11;
	v7 =	vadd.f32 v7, v10  }
0xae: {  	v57 =	vld [tilespmem:s18+$0x12C10];
	v9 =	vadd.f32 v12, v9;
	v0 =	vadd.f32 v0, v6  }
0xaf: {  	v58 =	vld [tilespmem:s18+$0x12C20];
	v11 =	vadd.f32 v13, v11;
	v1 =	vadd.f32 v1, v7  }
0xb0: {  	v59 =	vld [tilespmem:s18+$0x12C30];
	v9 =	vadd.f32 v14, v9;
	v0 =	vadd.f32 v0, v2  }
0xb1: {  	v60 =	vadd.f32 v15, v11;
	v1 =	vadd.f32 v1, v4  }
0xb2: {  	v61 =	vadd.f32 v9, v5;
	v0 =	vadd.f32 v0, v56  }
0xb3: {  	v2 =	vadd.f32 v60, v3;
	v1 =	vadd.f32 v1, v57  }
0xb4: {  	s16 =	sadd.s32 $0x1, s16;
	v62 =	vadd.f32 v61, v58;
	[tilespmem:s17+$0x19180] =	vst v0  }
0xb5: {  	p0 =	sne.s32 s16, $0x11;
	v63 =	vadd.f32 v2, v59;
	[tilespmem:s17+$0x19190] =	vst v1  }
.Ltmp4:
0xb6: {  	[tilespmem:s17+$0x191A0] =	vst v62;
	(pc) =	sbr.rel @p0 .LBB2_2-.Ltmp4, $4  }
0xb7: {  	[tilespmem:s17+$0x191B0] =	vst v63  }
0xb8: {  	_ =	swait.ge [sflag:s10], $0xC800  }
0xb9: {  	[sflag:s10] =	ssyncset.done $0x0  }
0xba: {  	[sflag:s10] =	ssyncadd.s32 $0xFFFF3800  }
0xbb: {  	s16 =	simm.s32 $0x0  }
0xbc: {  	[tilespmem:s11], [sflag:$0x2] =	stream.linear.gather [hbm4b:s7+s16], $0xC800, $0x38;
	[tilespmem:$0x1B400] =	vst v63  }
0xbd: {  	s16 =	simm.s32 $0x0  }
0xbe: {  	v0 =	vld [tilespmem:s16+$0x180]  }
0xbf: {  	v1 =	vld [tilespmem:s16+$0x190]  }
0xc0: {  	v6 =	vld [tilespmem:s16+$0x100]  }
0xc1: {  	v7 =	vld [tilespmem:s16+$0x110]  }
0xc2: {  	v8 =	vld [tilespmem:s16+$0x80]  }
0xc3: {  	v2 =	vimm.f32 $0.0e+00;
	v10 =	vld [tilespmem:s16+$0x90]  }
0xc4: {  	s17 =	simm.s32 $0x800;
	v4 =	vimm.f32 $0.0e+00;
	v5 =	vimm.f32 $0.0e+00;
	v3 =	vimm.f32 $0.0e+00;
	v9 =	vld [tilespmem:s16+$0xA0]  }
.LBB2_12:
0xc5: {  	p0 =	sne.s32 s17, $0x18800;
	v11 =	vld [tilespmem:s16+$0xB0]  }
0xc6: {  	v12 =	vld [tilespmem:s16+$0x120]  }
0xc7: {  	v13 =	vld [tilespmem:s16+$0x130]  }
0xc8: {  	v14 =	vld [tilespmem:s16+$0x1A0]  }
0xc9: {  	v8 =	vadd.f32 $0.0e+00, v8;
	v10 =	vadd.f32 $0.0e+00, v10;
	v15 =	vld [tilespmem:s16+$0x1B0]  }
0xca: {  	v9 =	vadd.f32 $0.0e+00, v9;
	v16 =	vld [tilespmem:s16+$0x0];
	v11 =	vadd.f32 $0.0e+00, v11  }
0xcb: {  	v6 =	vadd.f32 v6, v8;
	v7 =	vadd.f32 v7, v10;
	v8 =	vld [tilespmem:s16+$0x10]  }
0xcc: {  	v9 =	vadd.f32 v12, v9;
	v10 =	vld [tilespmem:s16+$0x20];
	v11 =	vadd.f32 v13, v11  }
0xcd: {  	v6 =	vadd.f32 v0, v6;
	v7 =	vadd.f32 v1, v7;
	v12 =	vld [tilespmem:s16+$0x30];
	s16 =	sshra.s32 s17, $0x2  }
0xce: {  	v9 =	vadd.f32 v14, v9;
	v0 =	vld [tilespmem:s16+$0x180];
	v11 =	vadd.f32 v15, v11  }
0xcf: {  	v2 =	vadd.f32 v6, v2;
	v4 =	vadd.f32 v7, v4;
	v1 =	vld [tilespmem:s16+$0x190]  }
.Ltmp5:
0xd0: {  	v5 =	vadd.f32 v9, v5;
	v6 =	vld [tilespmem:s16+$0x100];
	v3 =	vadd.f32 v11, v3;
	(pc) =	sbr.rel @p0 .LBB2_12-.Ltmp5, $4  }
0xd1: {  	v2 =	vadd.f32 v2, v16;
	v4 =	vadd.f32 v4, v8;
	v7 =	vld [tilespmem:s16+$0x110]  }
0xd2: {  	v5 =	vadd.f32 v5, v10;
	v8 =	vld [tilespmem:s16+$0x80];
	v3 =	vadd.f32 v3, v12  }
0xd3: {  	v10 =	vld [tilespmem:s16+$0x90]  }
0xd4: {  	s17 =	sadd.s32 $0x800, s17;
	v9 =	vld [tilespmem:s16+$0xA0]  }
0xd5: {  	v11 =	vld [tilespmem:s16+$0xB0]  }
0xd6: {  	v12 =	vld [tilespmem:s16+$0x120]  }
0xd7: {  	v13 =	vld [tilespmem:s16+$0x130];
	v8 =	vadd.f32 $0.0e+00, v8  }
0xd8: {  	v14 =	vld [tilespmem:s16+$0x1A0];
	v10 =	vadd.f32 $0.0e+00, v10  }
0xd9: {  	v15 =	vld [tilespmem:s16+$0x1B0];
	v9 =	vadd.f32 $0.0e+00, v9;
	v6 =	vadd.f32 v6, v8  }
0xda: {  	v8 =	vld [tilespmem:s16+$0x0];
	v11 =	vadd.f32 $0.0e+00, v11;
	v7 =	vadd.f32 v7, v10  }
0xdb: {  	v10 =	vld [tilespmem:s16+$0x10];
	v9 =	vadd.f32 v12, v9;
	v0 =	vadd.f32 v0, v6  }
0xdc: {  	v6 =	vld [tilespmem:s16+$0x20];
	v11 =	vadd.f32 v13, v11;
	v1 =	vadd.f32 v1, v7  }
0xdd: {  	v7 =	vld [tilespmem:s16+$0x30];
	v9 =	vadd.f32 v14, v9;
	v0 =	vadd.f32 v0, v2  }
0xde: {  	v2 =	vadd.f32 v15, v11;
	v1 =	vadd.f32 v1, v4  }
0xdf: {  	v4 =	vadd.f32 v9, v5;
	v0 =	vadd.f32 v0, v8  }
0xe0: {  	v2 =	vadd.f32 v2, v3;
	v1 =	vadd.f32 v1, v10  }
0xe1: {  	v3 =	vadd.f32 v4, v6;
	[tilespmem:$0x1B200] =	vst v0  }
0xe2: {  	v0 =	vadd.f32 v2, v7;
	[tilespmem:$0x1B210] =	vst v1  }
0xe3: {  	[tilespmem:$0x1B220] =	vst v3  }
0xe4: {  	s16 =	simm.s32 $0x0;
	[tilespmem:$0x1B230] =	vst v0  }
0xe5: {  	v0 =	vld [tilespmem:s16+$0x6580]  }
0xe6: {  	v1 =	vld [tilespmem:s16+$0x6590]  }
0xe7: {  	v6 =	vld [tilespmem:s16+$0x6500]  }
0xe8: {  	v7 =	vld [tilespmem:s16+$0x6510]  }
0xe9: {  	v8 =	vld [tilespmem:s16+$0x6480]  }
0xea: {  	v5 =	vimm.f32 $0.0e+00;
	v10 =	vld [tilespmem:s16+$0x6490]  }
0xeb: {  	s17 =	simm.s32 $0x800;
	v4 =	vimm.f32 $0.0e+00;
	v2 =	vimm.f32 $0.0e+00;
	v3 =	vimm.f32 $0.0e+00;
	v9 =	vld [tilespmem:s16+$0x64A0]  }
.LBB2_14:
0xec: {  	p0 =	sne.s32 s17, $0x18800;
	v11 =	vld [tilespmem:s16+$0x64B0]  }
0xed: {  	v12 =	vld [tilespmem:s16+$0x6520]  }
0xee: {  	v13 =	vld [tilespmem:s16+$0x6530]  }
0xef: {  	v14 =	vld [tilespmem:s16+$0x65A0]  }
0xf0: {  	v8 =	vadd.f32 $0.0e+00, v8;
	v10 =	vadd.f32 $0.0e+00, v10;
	v15 =	vld [tilespmem:s16+$0x65B0]  }
0xf1: {  	v9 =	vadd.f32 $0.0e+00, v9;
	v16 =	vld [tilespmem:s16+$0x6400];
	v11 =	vadd.f32 $0.0e+00, v11  }
0xf2: {  	v6 =	vadd.f32 v6, v8;
	v7 =	vadd.f32 v7, v10;
	v8 =	vld [tilespmem:s16+$0x6410]  }
0xf3: {  	v9 =	vadd.f32 v12, v9;
	v10 =	vld [tilespmem:s16+$0x6420];
	v11 =	vadd.f32 v13, v11  }
0xf4: {  	v6 =	vadd.f32 v0, v6;
	v7 =	vadd.f32 v1, v7;
	v12 =	vld [tilespmem:s16+$0x6430];
	s16 =	sshra.s32 s17, $0x2  }
0xf5: {  	v9 =	vadd.f32 v14, v9;
	v0 =	vld [tilespmem:s16+$0x6580];
	v11 =	vadd.f32 v15, v11  }
0xf6: {  	v2 =	vadd.f32 v6, v2;
	v4 =	vadd.f32 v7, v4;
	v1 =	vld [tilespmem:s16+$0x6590]  }
.Ltmp6:
0xf7: {  	v5 =	vadd.f32 v9, v5;
	v6 =	vld [tilespmem:s16+$0x6500];
	v3 =	vadd.f32 v11, v3;
	(pc) =	sbr.rel @p0 .LBB2_14-.Ltmp6, $4  }
0xf8: {  	v2 =	vadd.f32 v2, v16;
	v4 =	vadd.f32 v4, v8;
	v7 =	vld [tilespmem:s16+$0x6510]  }
0xf9: {  	v5 =	vadd.f32 v5, v10;
	v8 =	vld [tilespmem:s16+$0x6480];
	v3 =	vadd.f32 v3, v12  }
0xfa: {  	v10 =	vld [tilespmem:s16+$0x6490]  }
0xfb: {  	s17 =	sadd.s32 $0x800, s17;
	v9 =	vld [tilespmem:s16+$0x64A0]  }
0xfc: {  	v11 =	vld [tilespmem:s16+$0x64B0]  }
0xfd: {  	v12 =	vld [tilespmem:s16+$0x6520]  }
0xfe: {  	v13 =	vld [tilespmem:s16+$0x6530];
	v8 =	vadd.f32 $0.0e+00, v8  }
0xff: {  	v14 =	vld [tilespmem:s16+$0x65A0];
	v10 =	vadd.f32 $0.0e+00, v10  }
0x100: {  	v15 =	vld [tilespmem:s16+$0x65B0];
	v9 =	vadd.f32 $0.0e+00, v9;
	v6 =	vadd.f32 v6, v8  }
0x101: {  	v8 =	vld [tilespmem:s16+$0x6400];
	v11 =	vadd.f32 $0.0e+00, v11;
	v7 =	vadd.f32 v7, v10  }
0x102: {  	v10 =	vld [tilespmem:s16+$0x6410];
	v9 =	vadd.f32 v12, v9;
	v0 =	vadd.f32 v0, v6  }
0x103: {  	v6 =	vld [tilespmem:s16+$0x6420];
	v11 =	vadd.f32 v13, v11;
	v1 =	vadd.f32 v1, v7  }
0x104: {  	v7 =	vld [tilespmem:s16+$0x6430];
	v9 =	vadd.f32 v14, v9;
	v0 =	vadd.f32 v0, v2  }
0x105: {  	v2 =	vadd.f32 v15, v11;
	v1 =	vadd.f32 v1, v4  }
0x106: {  	v4 =	vadd.f32 v9, v5;
	v0 =	vadd.f32 v0, v8  }
0x107: {  	v2 =	vadd.f32 v2, v3;
	v1 =	vadd.f32 v1, v10  }
0x108: {  	v3 =	vadd.f32 v4, v6;
	[tilespmem:$0x1B280] =	vst v0  }
0x109: {  	v0 =	vadd.f32 v2, v7;
	[tilespmem:$0x1B290] =	vst v1  }
0x10a: {  	[tilespmem:$0x1B2A0] =	vst v3  }
0x10b: {  	[tilespmem:$0x1B2B0] =	vst v0  }
0x10c: {  	_ =	swait.ge [sflag:s12], $0xC800  }
0x10d: {  	[sflag:s12] =	ssyncset.done $0x0  }
0x10e: {  	s16 =	simm.s32 $0x0;
	[sflag:s12] =	ssyncadd.s32 $0xFFFF3800  }
0x10f: {  	v0 =	vld [tilespmem:s16+$0xC980]  }
0x110: {  	v1 =	vld [tilespmem:s16+$0xC990]  }
0x111: {  	v6 =	vld [tilespmem:s16+$0xC900]  }
0x112: {  	v7 =	vld [tilespmem:s16+$0xC910]  }
0x113: {  	v8 =	vld [tilespmem:s16+$0xC880]  }
0x114: {  	v5 =	vimm.f32 $0.0e+00;
	v10 =	vld [tilespmem:s16+$0xC890]  }
0x115: {  	s17 =	simm.s32 $0x800;
	v4 =	vimm.f32 $0.0e+00;
	v2 =	vimm.f32 $0.0e+00;
	v3 =	vimm.f32 $0.0e+00;
	v9 =	vld [tilespmem:s16+$0xC8A0]  }
.LBB2_16:
0x116: {  	p0 =	sne.s32 s17, $0x18800;
	v11 =	vld [tilespmem:s16+$0xC8B0]  }
0x117: {  	v12 =	vld [tilespmem:s16+$0xC920]  }
0x118: {  	v13 =	vld [tilespmem:s16+$0xC930]  }
0x119: {  	v14 =	vld [tilespmem:s16+$0xC9A0]  }
0x11a: {  	v8 =	vadd.f32 $0.0e+00, v8;
	v10 =	vadd.f32 $0.0e+00, v10;
	v15 =	vld [tilespmem:s16+$0xC9B0]  }
0x11b: {  	v9 =	vadd.f32 $0.0e+00, v9;
	v16 =	vld [tilespmem:s16+$0xC800];
	v11 =	vadd.f32 $0.0e+00, v11  }
0x11c: {  	v6 =	vadd.f32 v6, v8;
	v7 =	vadd.f32 v7, v10;
	v8 =	vld [tilespmem:s16+$0xC810]  }
0x11d: {  	v9 =	vadd.f32 v12, v9;
	v10 =	vld [tilespmem:s16+$0xC820];
	v11 =	vadd.f32 v13, v11  }
0x11e: {  	v6 =	vadd.f32 v0, v6;
	v7 =	vadd.f32 v1, v7;
	v12 =	vld [tilespmem:s16+$0xC830];
	s16 =	sshra.s32 s17, $0x2  }
0x11f: {  	v9 =	vadd.f32 v14, v9;
	v0 =	vld [tilespmem:s16+$0xC980];
	v11 =	vadd.f32 v15, v11  }
0x120: {  	v2 =	vadd.f32 v6, v2;
	v4 =	vadd.f32 v7, v4;
	v1 =	vld [tilespmem:s16+$0xC990]  }
.Ltmp7:
0x121: {  	v5 =	vadd.f32 v9, v5;
	v6 =	vld [tilespmem:s16+$0xC900];
	v3 =	vadd.f32 v11, v3;
	(pc) =	sbr.rel @p0 .LBB2_16-.Ltmp7, $4  }
0x122: {  	v2 =	vadd.f32 v2, v16;
	v4 =	vadd.f32 v4, v8;
	v7 =	vld [tilespmem:s16+$0xC910]  }
0x123: {  	v5 =	vadd.f32 v5, v10;
	v8 =	vld [tilespmem:s16+$0xC880];
	v3 =	vadd.f32 v3, v12  }
0x124: {  	v10 =	vld [tilespmem:s16+$0xC890]  }
0x125: {  	s17 =	sadd.s32 $0x800, s17;
	v9 =	vld [tilespmem:s16+$0xC8A0]  }
0x126: {  	v11 =	vld [tilespmem:s16+$0xC8B0]  }
0x127: {  	v12 =	vld [tilespmem:s16+$0xC920]  }
0x128: {  	v13 =	vld [tilespmem:s16+$0xC930];
	v8 =	vadd.f32 $0.0e+00, v8  }
0x129: {  	v14 =	vld [tilespmem:s16+$0xC9A0];
	v10 =	vadd.f32 $0.0e+00, v10  }
0x12a: {  	v15 =	vld [tilespmem:s16+$0xC9B0];
	v9 =	vadd.f32 $0.0e+00, v9;
	v6 =	vadd.f32 v6, v8  }
0x12b: {  	v8 =	vld [tilespmem:s16+$0xC800];
	v11 =	vadd.f32 $0.0e+00, v11;
	v7 =	vadd.f32 v7, v10  }
0x12c: {  	v10 =	vld [tilespmem:s16+$0xC810];
	v9 =	vadd.f32 v12, v9;
	v0 =	vadd.f32 v0, v6  }
0x12d: {  	v6 =	vld [tilespmem:s16+$0xC820];
	v11 =	vadd.f32 v13, v11;
	v1 =	vadd.f32 v1, v7  }
0x12e: {  	v7 =	vld [tilespmem:s16+$0xC830];
	v9 =	vadd.f32 v14, v9;
	v0 =	vadd.f32 v0, v2  }
0x12f: {  	v2 =	vadd.f32 v15, v11;
	v1 =	vadd.f32 v1, v4  }
0x130: {  	v4 =	vadd.f32 v9, v5;
	v0 =	vadd.f32 v0, v8  }
0x131: {  	v2 =	vadd.f32 v2, v3;
	v1 =	vadd.f32 v1, v10  }
0x132: {  	v3 =	vadd.f32 v4, v6;
	[tilespmem:$0x1B300] =	vst v0  }
0x133: {  	v0 =	vadd.f32 v2, v7;
	[tilespmem:$0x1B310] =	vst v1  }
0x134: {  	[tilespmem:$0x1B320] =	vst v3  }
0x135: {  	s16 =	simm.s32 $0x0;
	[tilespmem:$0x1B330] =	vst v0  }
0x136: {  	v0 =	vld [tilespmem:s16+$0x12D80]  }
0x137: {  	v1 =	vld [tilespmem:s16+$0x12D90]  }
0x138: {  	v6 =	vld [tilespmem:s16+$0x12D00]  }
0x139: {  	v7 =	vld [tilespmem:s16+$0x12D10]  }
0x13a: {  	v8 =	vld [tilespmem:s16+$0x12C80]  }
0x13b: {  	v5 =	vimm.f32 $0.0e+00;
	v10 =	vld [tilespmem:s16+$0x12C90]  }
0x13c: {  	s17 =	simm.s32 $0x800;
	v4 =	vimm.f32 $0.0e+00;
	v2 =	vimm.f32 $0.0e+00;
	v3 =	vimm.f32 $0.0e+00;
	v9 =	vld [tilespmem:s16+$0x12CA0]  }
.LBB2_18:
0x13d: {  	p0 =	sne.s32 s17, $0x18800;
	v11 =	vld [tilespmem:s16+$0x12CB0]  }
0x13e: {  	v12 =	vld [tilespmem:s16+$0x12D20]  }
0x13f: {  	v13 =	vld [tilespmem:s16+$0x12D30]  }
0x140: {  	v14 =	vld [tilespmem:s16+$0x12DA0]  }
0x141: {  	v8 =	vadd.f32 $0.0e+00, v8;
	v10 =	vadd.f32 $0.0e+00, v10;
	v15 =	vld [tilespmem:s16+$0x12DB0]  }
0x142: {  	v9 =	vadd.f32 $0.0e+00, v9;
	v16 =	vld [tilespmem:s16+$0x12C00];
	v11 =	vadd.f32 $0.0e+00, v11  }
0x143: {  	v6 =	vadd.f32 v6, v8;
	v7 =	vadd.f32 v7, v10;
	v8 =	vld [tilespmem:s16+$0x12C10]  }
0x144: {  	v9 =	vadd.f32 v12, v9;
	v10 =	vld [tilespmem:s16+$0x12C20];
	v11 =	vadd.f32 v13, v11  }
0x145: {  	v6 =	vadd.f32 v0, v6;
	v7 =	vadd.f32 v1, v7;
	v12 =	vld [tilespmem:s16+$0x12C30];
	s16 =	sshra.s32 s17, $0x2  }
0x146: {  	v9 =	vadd.f32 v14, v9;
	v0 =	vld [tilespmem:s16+$0x12D80];
	v11 =	vadd.f32 v15, v11  }
0x147: {  	v2 =	vadd.f32 v6, v2;
	v4 =	vadd.f32 v7, v4;
	v1 =	vld [tilespmem:s16+$0x12D90]  }
.Ltmp8:
0x148: {  	v5 =	vadd.f32 v9, v5;
	v6 =	vld [tilespmem:s16+$0x12D00];
	v3 =	vadd.f32 v11, v3;
	(pc) =	sbr.rel @p0 .LBB2_18-.Ltmp8, $4  }
0x149: {  	v2 =	vadd.f32 v2, v16;
	v4 =	vadd.f32 v4, v8;
	v7 =	vld [tilespmem:s16+$0x12D10]  }
0x14a: {  	v5 =	vadd.f32 v5, v10;
	v8 =	vld [tilespmem:s16+$0x12C80];
	v3 =	vadd.f32 v3, v12  }
0x14b: {  	v10 =	vld [tilespmem:s16+$0x12C90]  }
0x14c: {  	s17 =	sadd.s32 $0x800, s17;
	v9 =	vld [tilespmem:s16+$0x12CA0]  }
0x14d: {  	v11 =	vld [tilespmem:s16+$0x12CB0]  }
0x14e: {  	v12 =	vld [tilespmem:s16+$0x12D20]  }
0x14f: {  	v13 =	vld [tilespmem:s16+$0x12D30];
	v8 =	vadd.f32 $0.0e+00, v8  }
0x150: {  	v14 =	vld [tilespmem:s16+$0x12DA0];
	v10 =	vadd.f32 $0.0e+00, v10  }
0x151: {  	v15 =	vld [tilespmem:s16+$0x12DB0];
	v9 =	vadd.f32 $0.0e+00, v9;
	v6 =	vadd.f32 v6, v8  }
0x152: {  	v56 =	vld [tilespmem:s16+$0x12C00];
	v11 =	vadd.f32 $0.0e+00, v11;
	v7 =	vadd.f32 v7, v10  }
0x153: {  	v57 =	vld [tilespmem:s16+$0x12C10];
	v9 =	vadd.f32 v12, v9;
	v0 =	vadd.f32 v0, v6  }
0x154: {  	v58 =	vld [tilespmem:s16+$0x12C20];
	v11 =	vadd.f32 v13, v11;
	v1 =	vadd.f32 v1, v7  }
0x155: {  	v59 =	vld [tilespmem:s16+$0x12C30];
	v9 =	vadd.f32 v14, v9;
	v0 =	vadd.f32 v0, v2  }
0x156: {  	v60 =	vadd.f32 v15, v11;
	v1 =	vadd.f32 v1, v4  }
0x157: {  	v61 =	vadd.f32 v9, v5;
	v0 =	vadd.f32 v0, v56  }
0x158: {  	v2 =	vadd.f32 v60, v3;
	v1 =	vadd.f32 v1, v57  }
0x159: {  	v62 =	vadd.f32 v61, v58;
	[tilespmem:$0x1B380] =	vst v0  }
0x15a: {  	s15 =	sadd.s32 $0x1, s15;
	v63 =	vadd.f32 v2, v59;
	[tilespmem:$0x1B390] =	vst v1  }
0x15b: {  	p0 =	sne.s32 s15, s9;
	[tilespmem:$0x1B3A0] =	vst v62  }
.Ltmp9:
0x15c: {  	[tilespmem:$0x1B3B0] =	vst v63;
	(pc) =	sbr.rel @p0 .LBB2_1-.Ltmp9, $4  }
0x15d: {  	[hbm4b:s8+s2] =	stream.linear.scatter [tilespmem:s13], [sflag:$0x3], $0x2400, $0x38;
	[tilespmem:$0x1B400] =	vst v63  }
0x15e: {  	_ =	swait.ge [sflag:s14], $0x2400  }
0x15f: {  	[sflag:s14] =	ssyncset.done $0x0  }
0x160: {  	[sflag:s14] =	ssyncadd.s32 $0xFFFFDC00  }
0x161: {  	_ =	sfence.sel $0x180000  }
0x162: {  	[bflag:$0x0] =	sbarrier.arrive $0xFFFF  }
0x163: {  	p0 =	sne.s32 s0, $0x0;
	_ =	strace $0x90000050  }
0x164: {  	s0 =	sadd.s32 @!p0 $0x100000, s1;
	[bflag:$0x2] =	sbarrier.arrive $0xFFFF  }
0x165: {  	[sflag:s0] =	ssyncadd.tile.s32 @!p0 $0x1;
	_ =	shalt  }
.Lfunc_end2:
_tile_overlayer_lowered:
.L_overlay_start_2:
0x166: {  	(tag) =	ssettag $0x2  }
0x167: {  	s0 =	rddreg [dreg:$0x0];
	s2 =	stileid.u32  }
0x168: {  	s1 =	rddreg [dreg:$0x1];
	p0 =	sne.s32 s2, $0x0  }
0x169: {  	s3 =	rddreg [dreg:$0x2];
	[bflag:$0x3] =	sbarrier.arrive $0xFFFF;
	s2 =	simm.s32 @!p0 $0x1C03  }
0x16a: {  	[timem:s3], [sflag:s2] =	dma.local @!p0 [hbm:s0], s1  }
0x16b: {  	s0 =	simm.s32 @!p0 $0x3  }
0x16c: {  	_ =	swait.ge @!p0 [sflag:s0], s1  }
0x16d: {  	s1 =	ssub.s32 @!p0 $0x0, s1;
	[sflag:s0] =	ssyncset.done @!p0 $0x0  }
0x16e: {  	[sflag:s0] =	ssyncadd.s32 @!p0 s1  }
0x16f: {  	[bflag:$0x3] =	sbarrier.arrive $0xFFFF  }
0x170: {  	_ =	shalt  }

</sc_bundles>
